<compile_context>
chip_gen: v7x
topology: tpu7x:2x2x1
jax: 0.10.2.dev20260603
libtpu: 0.0.44.dev20260713+nightly
codegen_flags: <defaults>
</compile_context>

<pallas_src>
import jax
import jax.numpy as jnp
from jax import lax
from jax.experimental import pallas as pl
from jax.experimental.pallas import tpu as pltpu
from jax.experimental.pallas import tpu_sc as plsc
import functools

M, N, P, Q = 16, 192, 56, 56
R = M * P * Q
NC, NS, L = 2, 16, 16
NW = NC * NS
ROWS_W = R // NW
RB = 32
CHUNKS = ROWS_W // RB
NBUF = 2
VSTEPS = RB * (N // L)

_mesh = plsc.VectorSubcoreMesh(
    core_axis_name="c", subcore_axis_name="s", num_cores=NC, num_subcores=NS
)


@functools.partial(
    pl.kernel,
    out_type=(
        jax.ShapeDtypeStruct((R, N), jnp.float32),
        jax.ShapeDtypeStruct((R, N), jnp.float32),
    ),
    mesh=_mesh,
    scratch_types=[
        pltpu.VMEM((NBUF, RB, N), jnp.float32),
        pltpu.VMEM((NBUF, RB, N), jnp.float32),
        pltpu.VMEM((NBUF, RB, N), jnp.float32),
        pltpu.VMEM((NBUF, RB, N), jnp.float32),
        pltpu.VMEM((NBUF, RB, N), jnp.float32),
        pltpu.VMEM((NBUF, RB, N), jnp.float32),
        pltpu.VMEM((NBUF, RB, N), jnp.float32),
        pltpu.VMEM((NBUF, RB, N), jnp.float32),
        pltpu.SemaphoreType.DMA,
        pltpu.SemaphoreType.DMA,
        pltpu.SemaphoreType.DMA,
        pltpu.SemaphoreType.DMA,
    ],
)
def _sc_max_fusion(ar_h, br_h, cr_h, ai_h, bi_h, ci_h, or_h, oi_h,
                   ar_v, br_v, cr_v, ai_v, bi_v, ci_v, orv, oiv,
                   in_sem0, in_sem1, out_sem0, out_sem1):
    wid = lax.axis_index("s") * NC + lax.axis_index("c")
    base = wid * ROWS_W
    in_sems = (in_sem0, in_sem1)
    out_sems = (out_sem0, out_sem1)
    in_refs = (ar_v, br_v, cr_v, ai_v, bi_v, ci_v)
    in_hbm = (ar_h, br_h, cr_h, ai_h, bi_h, ci_h)

    def issue_in(k, b):
        off = pl.multiple_of(base + k * RB, RB)
        for h, v in zip(in_hbm, in_refs):
            pltpu.async_copy(h.at[pl.ds(off, RB)], v.at[b], in_sems[b])

    def wait_in(b):
        for h, v in zip(in_hbm, in_refs):
            pltpu.make_async_copy(h.at[pl.ds(0, RB)], v.at[b], in_sems[b]).wait()

    def issue_out(k, b):
        off = pl.multiple_of(base + k * RB, RB)
        pltpu.async_copy(orv.at[b], or_h.at[pl.ds(off, RB)], out_sems[b])
        pltpu.async_copy(oiv.at[b], oi_h.at[pl.ds(off, RB)], out_sems[b])

    def wait_out(b):
        pltpu.make_async_copy(orv.at[b], or_h.at[pl.ds(0, RB)], out_sems[b]).wait()
        pltpu.make_async_copy(oiv.at[b], oi_h.at[pl.ds(0, RB)], out_sems[b]).wait()

    issue_in(0, 0)
    issue_in(1, 1)

    def step(i, _):
        for b in range(NBUF):
            k = i * NBUF + b
            wait_in(b)

            @pl.when(k >= NBUF)
            def _():
                wait_out(b)

            @plsc.parallel_loop(0, VSTEPS, unroll=4)
            def _(j):
                row = j // (N // L)
                col = (j % (N // L)) * L
                s = pl.ds(col, L)
                ra = ar_v[b, row, s]
                ia = ai_v[b, row, s]
                rb = br_v[b, row, s]
                ib = bi_v[b, row, s]
                rc = cr_v[b, row, s]
                ic = ci_v[b, row, s]
                ma = ra * ra + ia * ia
                mb = rb * rb + ib * ib
                mc = rc * rc + ic * ic
                b_wins = mb > ma
                r1 = jnp.where(b_wins, rb, ra)
                i1 = jnp.where(b_wins, ib, ia)
                m1 = jnp.maximum(ma, mb)
                c_wins = mc > m1
                orv[b, row, s] = jnp.where(c_wins, rc, r1)
                oiv[b, row, s] = jnp.where(c_wins, ic, i1)

            @pl.when(k + NBUF < CHUNKS)
            def _():
                issue_in(k + NBUF, b)

            issue_out(k, b)
        return 0

    lax.fori_loop(0, CHUNKS // NBUF, step, 0)
    k = CHUNKS - 1
    wait_in(0)
    wait_out(0)

    @plsc.parallel_loop(0, VSTEPS, unroll=4)
    def _(j):
        row = j // (N // L)
        s = pl.ds((j % (N // L)) * L, L)
        ra = ar_v[0, row, s]
        ia = ai_v[0, row, s]
        rb = br_v[0, row, s]
        ib = bi_v[0, row, s]
        rc = cr_v[0, row, s]
        ic = ci_v[0, row, s]
        ma = ra * ra + ia * ia
        mb = rb * rb + ib * ib
        mc = rc * rc + ic * ic
        b_wins = mb > ma
        r1 = jnp.where(b_wins, rb, ra)
        i1 = jnp.where(b_wins, ib, ia)
        m1 = jnp.maximum(ma, mb)
        c_wins = mc > m1
        orv[0, row, s] = jnp.where(c_wins, rc, r1)
        oiv[0, row, s] = jnp.where(c_wins, ic, i1)

    issue_out(k, 0)
    wait_out(0)
    wait_out(1)


def kernel(Fea_A_r, Fea_B_r, Fea_C_r, Fea_A_i, Fea_B_i, Fea_C_i):
    t = lambda x: x.transpose(0, 2, 3, 1).reshape(R, N)
    out_r, out_i = _sc_max_fusion(
        t(Fea_A_r), t(Fea_B_r), t(Fea_C_r),
        t(Fea_A_i), t(Fea_B_i), t(Fea_C_i),
    )
    u = lambda x: x.reshape(M, P, Q, N).transpose(0, 3, 1, 2)
    return u(out_r), u(out_i)

# --- scband reference (transcript-rebuilt; emitter-appended) ---
"""Pipeline reference for scband-max-fusion-13417477833205 (READ-ONLY COPY).

The authoritative reference and input builder live on the scoring server;
editing this copy changes nothing except your own understanding.
"""

import jax, jax.numpy as jnp
import numpy as np

SHAPE = (16, 192, 56, 56)

def setup_inputs(seed: int = 0) -> dict:
    key = jax.random.key(seed)
    ks = jax.random.split(key, 6)
    names = ["Fea_A_r", "Fea_B_r", "Fea_C_r", "Fea_A_i", "Fea_B_i", "Fea_C_i"]
    return {n: jax.random.normal(k, SHAPE, dtype=jnp.float32) for n, k in zip(names, ks)}

def reference(Fea_A_r, Fea_B_r, Fea_C_r, Fea_A_i, Fea_B_i, Fea_C_i):
    A_abs = jnp.sqrt(jnp.power(Fea_A_r, 2) + jnp.power(Fea_A_i, 2))
    B_abs = jnp.sqrt(jnp.power(Fea_B_r, 2) + jnp.power(Fea_B_i, 2))
    C_abs = jnp.sqrt(jnp.power(Fea_C_r, 2) + jnp.power(Fea_C_i, 2))
    m, n, p, q = A_abs.shape
    total = m * n * p * q
    magnitude = jnp.stack([A_abs.reshape(-1), B_abs.reshape(-1), C_abs.reshape(-1)], axis=0)
    am = jnp.stack([Fea_A_r.reshape(-1), Fea_B_r.reshape(-1), Fea_C_r.reshape(-1)], axis=0).reshape(-1)
    ph = jnp.stack([Fea_A_i.reshape(-1), Fea_B_i.reshape(-1), Fea_C_i.reshape(-1)], axis=0).reshape(-1)
    mag_max_indices = jnp.argmax(magnitude, axis=0)
    bias = jnp.arange(0, total, 1, dtype=jnp.int64 if jax.config.jax_enable_x64 else jnp.int32)
    index = mag_max_indices * total + bias
    output_r = jnp.take(am, index, axis=0).reshape(A_abs.shape)
    output_i = jnp.take(ph, index, axis=0).reshape(A_abs.shape)
    return (output_r, output_i)

if __name__ == "__main__":
    import jax
    _d = setup_inputs()
    print(jax.jit(kernel)(*tuple(_d.values())))

</pallas_src>

<mosaic_0001>
#map = affine_map<(d0, d1) -> (0, 0)>
module attributes {stable_mosaic.version = 14 : i64} {
  func.func @_sc_max_fusion(%arg0: i32, %arg1: i32, %arg2: memref<50176x192xf32, #tpu.memory_space<hbm>>, %arg3: memref<50176x192xf32, #tpu.memory_space<hbm>>, %arg4: memref<50176x192xf32, #tpu.memory_space<hbm>>, %arg5: memref<50176x192xf32, #tpu.memory_space<hbm>>, %arg6: memref<50176x192xf32, #tpu.memory_space<hbm>>, %arg7: memref<50176x192xf32, #tpu.memory_space<hbm>>, %arg8: memref<50176x192xf32, #tpu.memory_space<hbm>>, %arg9: memref<50176x192xf32, #tpu.memory_space<hbm>>, %arg10: memref<2x32x192xf32, #tpu.memory_space<vmem>>, %arg11: memref<2x32x192xf32, #tpu.memory_space<vmem>>, %arg12: memref<2x32x192xf32, #tpu.memory_space<vmem>>, %arg13: memref<2x32x192xf32, #tpu.memory_space<vmem>>, %arg14: memref<2x32x192xf32, #tpu.memory_space<vmem>>, %arg15: memref<2x32x192xf32, #tpu.memory_space<vmem>>, %arg16: memref<2x32x192xf32, #tpu.memory_space<vmem>>, %arg17: memref<2x32x192xf32, #tpu.memory_space<vmem>>, %arg18: memref<!tpu.dma_semaphore, #tpu.memory_space<semaphore_mem>>, %arg19: memref<!tpu.dma_semaphore, #tpu.memory_space<semaphore_mem>>, %arg20: memref<!tpu.dma_semaphore, #tpu.memory_space<semaphore_mem>>, %arg21: memref<!tpu.dma_semaphore, #tpu.memory_space<semaphore_mem>>) attributes {dimension_semantics = [#tpu.dimension_semantics<core_parallel>, #tpu.dimension_semantics<subcore_parallel>], iteration_bounds = array<i64: 2, 16>, scalar_prefetch = 0 : i64, scratch_operands = 12 : i64, tpu.core_type = #tpu.core_type<sc_vector_subcore>, window_params = [{transform_indices = #map}, {transform_indices = #map}, {transform_indices = #map}, {transform_indices = #map}, {transform_indices = #map}, {transform_indices = #map}, {transform_indices = #map}, {transform_indices = #map}]} {
    %mul3A = arith.constant 2 : i32
    %mul3A_0 = arith.muli %arg1, %mul3A : i32
    %add3A = arith.addi %mul3A_0, %arg0 : i32
    %mul3A_1 = arith.constant 1568 : i32
    %mul3A_2 = arith.muli %add3A, %mul3A_1 : i32
    %add3A_3 = arith.constant 0 : i32
    %add3A_4 = arith.addi %mul3A_2, %add3A_3 : i32
    %multiple_of3A = tpu.assume_multiple %add3A_4, 32 : i32
    %dma_start3A = arith.constant 0 : i32
    %dma_start3A_5 = arith.constant 0 : i32
    %dma_start3A_6 = arith.constant 0 : i32
    %dma_start3A_7 = tpu.memref_slice %arg10[%dma_start3A, %dma_start3A_5, %dma_start3A_6] : memref<2x32x192xf32, #tpu.memory_space<vmem>> -> memref<1x32x192xf32, #tpu.memory_space<vmem>>
    %dma_start3A_8 = tpu.memref_squeeze %dma_start3A_7 : memref<1x32x192xf32, #tpu.memory_space<vmem>> -> memref<32x192xf32, #tpu.memory_space<vmem>>
    %dma_start3A_9 = arith.constant 0 : i32
    %dma_start3A_10 = tpu.memref_slice %arg2[%multiple_of3A, %dma_start3A_9] : memref<50176x192xf32, #tpu.memory_space<hbm>> -> memref<32x192xf32, #tpu.memory_space<hbm>>
    %dma_start3A_11 = arith.constant 0 : i32
    %dma_start3A_12 = arith.constant 0 : i32
    %dma_start3A_13 = tpu.memref_slice %arg10[%dma_start3A, %dma_start3A_11, %dma_start3A_12] : memref<2x32x192xf32, #tpu.memory_space<vmem>> -> memref<1x32x192xf32, #tpu.memory_space<vmem>>
    %dma_start3A_14 = tpu.memref_squeeze %dma_start3A_13 : memref<1x32x192xf32, #tpu.memory_space<vmem>> -> memref<32x192xf32, #tpu.memory_space<vmem>>
    %dma_start3A_15 = arith.constant 0 : i32
    %dma_start3A_16 = tpu.memref_slice %arg2[%multiple_of3A, %dma_start3A_15] : memref<50176x192xf32, #tpu.memory_space<hbm>> -> memref<32x192xf32, #tpu.memory_space<hbm>>
    tpu.enqueue_dma source(%dma_start3A_16 : memref<32x192xf32, #tpu.memory_space<hbm>>) target(%dma_start3A_14 : memref<32x192xf32, #tpu.memory_space<vmem>>) target_semaphore(%arg18 : memref<!tpu.dma_semaphore, #tpu.memory_space<semaphore_mem>>)
    %dma_start3A_17 = arith.constant 0 : i32
    %dma_start3A_18 = arith.constant 0 : i32
    %dma_start3A_19 = arith.constant 0 : i32
    %dma_start3A_20 = tpu.memref_slice %arg11[%dma_start3A_17, %dma_start3A_18, %dma_start3A_19] : memref<2x32x192xf32, #tpu.memory_space<vmem>> -> memref<1x32x192xf32, #tpu.memory_space<vmem>>
    %dma_start3A_21 = tpu.memref_squeeze %dma_start3A_20 : memref<1x32x192xf32, #tpu.memory_space<vmem>> -> memref<32x192xf32, #tpu.memory_space<vmem>>
    %dma_start3A_22 = arith.constant 0 : i32
    %dma_start3A_23 = tpu.memref_slice %arg3[%multiple_of3A, %dma_start3A_22] : memref<50176x192xf32, #tpu.memory_space<hbm>> -> memref<32x192xf32, #tpu.memory_space<hbm>>
    %dma_start3A_24 = arith.constant 0 : i32
    %dma_start3A_25 = arith.constant 0 : i32
    %dma_start3A_26 = tpu.memref_slice %arg11[%dma_start3A_17, %dma_start3A_24, %dma_start3A_25] : memref<2x32x192xf32, #tpu.memory_space<vmem>> -> memref<1x32x192xf32, #tpu.memory_space<vmem>>
    %dma_start3A_27 = tpu.memref_squeeze %dma_start3A_26 : memref<1x32x192xf32, #tpu.memory_space<vmem>> -> memref<32x192xf32, #tpu.memory_space<vmem>>
    %dma_start3A_28 = arith.constant 0 : i32
    %dma_start3A_29 = tpu.memref_slice %arg3[%multiple_of3A, %dma_start3A_28] : memref<50176x192xf32, #tpu.memory_space<hbm>> -> memref<32x192xf32, #tpu.memory_space<hbm>>
    tpu.enqueue_dma source(%dma_start3A_29 : memref<32x192xf32, #tpu.memory_space<hbm>>) target(%dma_start3A_27 : memref<32x192xf32, #tpu.memory_space<vmem>>) target_semaphore(%arg18 : memref<!tpu.dma_semaphore, #tpu.memory_space<semaphore_mem>>)
    %dma_start3A_30 = arith.constant 0 : i32
    %dma_start3A_31 = arith.constant 0 : i32
    %dma_start3A_32 = arith.constant 0 : i32
    %dma_start3A_33 = tpu.memref_slice %arg12[%dma_start3A_30, %dma_start3A_31, %dma_start3A_32] : memref<2x32x192xf32, #tpu.memory_space<vmem>> -> memref<1x32x192xf32, #tpu.memory_space<vmem>>
    %dma_start3A_34 = tpu.memref_squeeze %dma_start3A_33 : memref<1x32x192xf32, #tpu.memory_space<vmem>> -> memref<32x192xf32, #tpu.memory_space<vmem>>
    %dma_start3A_35 = arith.constant 0 : i32
    %dma_start3A_36 = tpu.memref_slice %arg4[%multiple_of3A, %dma_start3A_35] : memref<50176x192xf32, #tpu.memory_space<hbm>> -> memref<32x192xf32, #tpu.memory_space<hbm>>
    %dma_start3A_37 = arith.constant 0 : i32
    %dma_start3A_38 = arith.constant 0 : i32
    %dma_start3A_39 = tpu.memref_slice %arg12[%dma_start3A_30, %dma_start3A_37, %dma_start3A_38] : memref<2x32x192xf32, #tpu.memory_space<vmem>> -> memref<1x32x192xf32, #tpu.memory_space<vmem>>
    %dma_start3A_40 = tpu.memref_squeeze %dma_start3A_39 : memref<1x32x192xf32, #tpu.memory_space<vmem>> -> memref<32x192xf32, #tpu.memory_space<vmem>>
    %dma_start3A_41 = arith.constant 0 : i32
    %dma_start3A_42 = tpu.memref_slice %arg4[%multiple_of3A, %dma_start3A_41] : memref<50176x192xf32, #tpu.memory_space<hbm>> -> memref<32x192xf32, #tpu.memory_space<hbm>>
    tpu.enqueue_dma source(%dma_start3A_42 : memref<32x192xf32, #tpu.memory_space<hbm>>) target(%dma_start3A_40 : memref<32x192xf32, #tpu.memory_space<vmem>>) target_semaphore(%arg18 : memref<!tpu.dma_semaphore, #tpu.memory_space<semaphore_mem>>)
    %dma_start3A_43 = arith.constant 0 : i32
    %dma_start3A_44 = arith.constant 0 : i32
    %dma_start3A_45 = arith.constant 0 : i32
    %dma_start3A_46 = tpu.memref_slice %arg13[%dma_start3A_43, %dma_start3A_44, %dma_start3A_45] : memref<2x32x192xf32, #tpu.memory_space<vmem>> -> memref<1x32x192xf32, #tpu.memory_space<vmem>>
    %dma_start3A_47 = tpu.memref_squeeze %dma_start3A_46 : memref<1x32x192xf32, #tpu.memory_space<vmem>> -> memref<32x192xf32, #tpu.memory_space<vmem>>
    %dma_start3A_48 = arith.constant 0 : i32
    %dma_start3A_49 = tpu.memref_slice %arg5[%multiple_of3A, %dma_start3A_48] : memref<50176x192xf32, #tpu.memory_space<hbm>> -> memref<32x192xf32, #tpu.memory_space<hbm>>
    %dma_start3A_50 = arith.constant 0 : i32
    %dma_start3A_51 = arith.constant 0 : i32
    %dma_start3A_52 = tpu.memref_slice %arg13[%dma_start3A_43, %dma_start3A_50, %dma_start3A_51] : memref<2x32x192xf32, #tpu.memory_space<vmem>> -> memref<1x32x192xf32, #tpu.memory_space<vmem>>
    %dma_start3A_53 = tpu.memref_squeeze %dma_start3A_52 : memref<1x32x192xf32, #tpu.memory_space<vmem>> -> memref<32x192xf32, #tpu.memory_space<vmem>>
    %dma_start3A_54 = arith.constant 0 : i32
    %dma_start3A_55 = tpu.memref_slice %arg5[%multiple_of3A, %dma_start3A_54] : memref<50176x192xf32, #tpu.memory_space<hbm>> -> memref<32x192xf32, #tpu.memory_space<hbm>>
    tpu.enqueue_dma source(%dma_start3A_55 : memref<32x192xf32, #tpu.memory_space<hbm>>) target(%dma_start3A_53 : memref<32x192xf32, #tpu.memory_space<vmem>>) target_semaphore(%arg18 : memref<!tpu.dma_semaphore, #tpu.memory_space<semaphore_mem>>)
    %dma_start3A_56 = arith.constant 0 : i32
    %dma_start3A_57 = arith.constant 0 : i32
    %dma_start3A_58 = arith.constant 0 : i32
    %dma_start3A_59 = tpu.memref_slice %arg14[%dma_start3A_56, %dma_start3A_57, %dma_start3A_58] : memref<2x32x192xf32, #tpu.memory_space<vmem>> -> memref<1x32x192xf32, #tpu.memory_space<vmem>>
    %dma_start3A_60 = tpu.memref_squeeze %dma_start3A_59 : memref<1x32x192xf32, #tpu.memory_space<vmem>> -> memref<32x192xf32, #tpu.memory_space<vmem>>
    %dma_start3A_61 = arith.constant 0 : i32
    %dma_start3A_62 = tpu.memref_slice %arg6[%multiple_of3A, %dma_start3A_61] : memref<50176x192xf32, #tpu.memory_space<hbm>> -> memref<32x192xf32, #tpu.memory_space<hbm>>
    %dma_start3A_63 = arith.constant 0 : i32
    %dma_start3A_64 = arith.constant 0 : i32
    %dma_start3A_65 = tpu.memref_slice %arg14[%dma_start3A_56, %dma_start3A_63, %dma_start3A_64] : memref<2x32x192xf32, #tpu.memory_space<vmem>> -> memref<1x32x192xf32, #tpu.memory_space<vmem>>
    %dma_start3A_66 = tpu.memref_squeeze %dma_start3A_65 : memref<1x32x192xf32, #tpu.memory_space<vmem>> -> memref<32x192xf32, #tpu.memory_space<vmem>>
    %dma_start3A_67 = arith.constant 0 : i32
    %dma_start3A_68 = tpu.memref_slice %arg6[%multiple_of3A, %dma_start3A_67] : memref<50176x192xf32, #tpu.memory_space<hbm>> -> memref<32x192xf32, #tpu.memory_space<hbm>>
    tpu.enqueue_dma source(%dma_start3A_68 : memref<32x192xf32, #tpu.memory_space<hbm>>) target(%dma_start3A_66 : memref<32x192xf32, #tpu.memory_space<vmem>>) target_semaphore(%arg18 : memref<!tpu.dma_semaphore, #tpu.memory_space<semaphore_mem>>)
    %dma_start3A_69 = arith.constant 0 : i32
    %dma_start3A_70 = arith.constant 0 : i32
    %dma_start3A_71 = arith.constant 0 : i32
    %dma_start3A_72 = tpu.memref_slice %arg15[%dma_start3A_69, %dma_start3A_70, %dma_start3A_71] : memref<2x32x192xf32, #tpu.memory_space<vmem>> -> memref<1x32x192xf32, #tpu.memory_space<vmem>>
    %dma_start3A_73 = tpu.memref_squeeze %dma_start3A_72 : memref<1x32x192xf32, #tpu.memory_space<vmem>> -> memref<32x192xf32, #tpu.memory_space<vmem>>
    %dma_start3A_74 = arith.constant 0 : i32
    %dma_start3A_75 = tpu.memref_slice %arg7[%multiple_of3A, %dma_start3A_74] : memref<50176x192xf32, #tpu.memory_space<hbm>> -> memref<32x192xf32, #tpu.memory_space<hbm>>
    %dma_start3A_76 = arith.constant 0 : i32
    %dma_start3A_77 = arith.constant 0 : i32
    %dma_start3A_78 = tpu.memref_slice %arg15[%dma_start3A_69, %dma_start3A_76, %dma_start3A_77] : memref<2x32x192xf32, #tpu.memory_space<vmem>> -> memref<1x32x192xf32, #tpu.memory_space<vmem>>
    %dma_start3A_79 = tpu.memref_squeeze %dma_start3A_78 : memref<1x32x192xf32, #tpu.memory_space<vmem>> -> memref<32x192xf32, #tpu.memory_space<vmem>>
    %dma_start3A_80 = arith.constant 0 : i32
    %dma_start3A_81 = tpu.memref_slice %arg7[%multiple_of3A, %dma_start3A_80] : memref<50176x192xf32, #tpu.memory_space<hbm>> -> memref<32x192xf32, #tpu.memory_space<hbm>>
    tpu.enqueue_dma source(%dma_start3A_81 : memref<32x192xf32, #tpu.memory_space<hbm>>) target(%dma_start3A_79 : memref<32x192xf32, #tpu.memory_space<vmem>>) target_semaphore(%arg18 : memref<!tpu.dma_semaphore, #tpu.memory_space<semaphore_mem>>)
    %add3A_82 = arith.constant 32 : i32
    %add3A_83 = arith.addi %mul3A_2, %add3A_82 : i32
    %multiple_of3A_84 = tpu.assume_multiple %add3A_83, 32 : i32
    %dma_start3A_85 = arith.constant 1 : i32
    %dma_start3A_86 = arith.constant 0 : i32
    %dma_start3A_87 = arith.constant 0 : i32
    %dma_start3A_88 = tpu.memref_slice %arg10[%dma_start3A_85, %dma_start3A_86, %dma_start3A_87] : memref<2x32x192xf32, #tpu.memory_space<vmem>> -> memref<1x32x192xf32, #tpu.memory_space<vmem>>
    %dma_start3A_89 = tpu.memref_squeeze %dma_start3A_88 : memref<1x32x192xf32, #tpu.memory_space<vmem>> -> memref<32x192xf32, #tpu.memory_space<vmem>>
    %dma_start3A_90 = arith.constant 0 : i32
    %dma_start3A_91 = tpu.memref_slice %arg2[%multiple_of3A_84, %dma_start3A_90] : memref<50176x192xf32, #tpu.memory_space<hbm>> -> memref<32x192xf32, #tpu.memory_space<hbm>>
    %dma_start3A_92 = arith.constant 0 : i32
    %dma_start3A_93 = arith.constant 0 : i32
    %dma_start3A_94 = tpu.memref_slice %arg10[%dma_start3A_85, %dma_start3A_92, %dma_start3A_93] : memref<2x32x192xf32, #tpu.memory_space<vmem>> -> memref<1x32x192xf32, #tpu.memory_space<vmem>>
    %dma_start3A_95 = tpu.memref_squeeze %dma_start3A_94 : memref<1x32x192xf32, #tpu.memory_space<vmem>> -> memref<32x192xf32, #tpu.memory_space<vmem>>
    %dma_start3A_96 = arith.constant 0 : i32
    %dma_start3A_97 = tpu.memref_slice %arg2[%multiple_of3A_84, %dma_start3A_96] : memref<50176x192xf32, #tpu.memory_space<hbm>> -> memref<32x192xf32, #tpu.memory_space<hbm>>
    tpu.enqueue_dma source(%dma_start3A_97 : memref<32x192xf32, #tpu.memory_space<hbm>>) target(%dma_start3A_95 : memref<32x192xf32, #tpu.memory_space<vmem>>) target_semaphore(%arg19 : memref<!tpu.dma_semaphore, #tpu.memory_space<semaphore_mem>>)
    %dma_start3A_98 = arith.constant 1 : i32
    %dma_start3A_99 = arith.constant 0 : i32
    %dma_start3A_100 = arith.constant 0 : i32
    %dma_start3A_101 = tpu.memref_slice %arg11[%dma_start3A_98, %dma_start3A_99, %dma_start3A_100] : memref<2x32x192xf32, #tpu.memory_space<vmem>> -> memref<1x32x192xf32, #tpu.memory_space<vmem>>
    %dma_start3A_102 = tpu.memref_squeeze %dma_start3A_101 : memref<1x32x192xf32, #tpu.memory_space<vmem>> -> memref<32x192xf32, #tpu.memory_space<vmem>>
    %dma_start3A_103 = arith.constant 0 : i32
    %dma_start3A_104 = tpu.memref_slice %arg3[%multiple_of3A_84, %dma_start3A_103] : memref<50176x192xf32, #tpu.memory_space<hbm>> -> memref<32x192xf32, #tpu.memory_space<hbm>>
    %dma_start3A_105 = arith.constant 0 : i32
    %dma_start3A_106 = arith.constant 0 : i32
    %dma_start3A_107 = tpu.memref_slice %arg11[%dma_start3A_98, %dma_start3A_105, %dma_start3A_106] : memref<2x32x192xf32, #tpu.memory_space<vmem>> -> memref<1x32x192xf32, #tpu.memory_space<vmem>>
    %dma_start3A_108 = tpu.memref_squeeze %dma_start3A_107 : memref<1x32x192xf32, #tpu.memory_space<vmem>> -> memref<32x192xf32, #tpu.memory_space<vmem>>
    %dma_start3A_109 = arith.constant 0 : i32
    %dma_start3A_110 = tpu.memref_slice %arg3[%multiple_of3A_84, %dma_start3A_109] : memref<50176x192xf32, #tpu.memory_space<hbm>> -> memref<32x192xf32, #tpu.memory_space<hbm>>
    tpu.enqueue_dma source(%dma_start3A_110 : memref<32x192xf32, #tpu.memory_space<hbm>>) target(%dma_start3A_108 : memref<32x192xf32, #tpu.memory_space<vmem>>) target_semaphore(%arg19 : memref<!tpu.dma_semaphore, #tpu.memory_space<semaphore_mem>>)
    %dma_start3A_111 = arith.constant 1 : i32
    %dma_start3A_112 = arith.constant 0 : i32
    %dma_start3A_113 = arith.constant 0 : i32
    %dma_start3A_114 = tpu.memref_slice %arg12[%dma_start3A_111, %dma_start3A_112, %dma_start3A_113] : memref<2x32x192xf32, #tpu.memory_space<vmem>> -> memref<1x32x192xf32, #tpu.memory_space<vmem>>
    %dma_start3A_115 = tpu.memref_squeeze %dma_start3A_114 : memref<1x32x192xf32, #tpu.memory_space<vmem>> -> memref<32x192xf32, #tpu.memory_space<vmem>>
    %dma_start3A_116 = arith.constant 0 : i32
    %dma_start3A_117 = tpu.memref_slice %arg4[%multiple_of3A_84, %dma_start3A_116] : memref<50176x192xf32, #tpu.memory_space<hbm>> -> memref<32x192xf32, #tpu.memory_space<hbm>>
    %dma_start3A_118 = arith.constant 0 : i32
    %dma_start3A_119 = arith.constant 0 : i32
    %dma_start3A_120 = tpu.memref_slice %arg12[%dma_start3A_111, %dma_start3A_118, %dma_start3A_119] : memref<2x32x192xf32, #tpu.memory_space<vmem>> -> memref<1x32x192xf32, #tpu.memory_space<vmem>>
    %dma_start3A_121 = tpu.memref_squeeze %dma_start3A_120 : memref<1x32x192xf32, #tpu.memory_space<vmem>> -> memref<32x192xf32, #tpu.memory_space<vmem>>
    %dma_start3A_122 = arith.constant 0 : i32
    %dma_start3A_123 = tpu.memref_slice %arg4[%multiple_of3A_84, %dma_start3A_122] : memref<50176x192xf32, #tpu.memory_space<hbm>> -> memref<32x192xf32, #tpu.memory_space<hbm>>
    tpu.enqueue_dma source(%dma_start3A_123 : memref<32x192xf32, #tpu.memory_space<hbm>>) target(%dma_start3A_121 : memref<32x192xf32, #tpu.memory_space<vmem>>) target_semaphore(%arg19 : memref<!tpu.dma_semaphore, #tpu.memory_space<semaphore_mem>>)
    %dma_start3A_124 = arith.constant 1 : i32
    %dma_start3A_125 = arith.constant 0 : i32
    %dma_start3A_126 = arith.constant 0 : i32
    %dma_start3A_127 = tpu.memref_slice %arg13[%dma_start3A_124, %dma_start3A_125, %dma_start3A_126] : memref<2x32x192xf32, #tpu.memory_space<vmem>> -> memref<1x32x192xf32, #tpu.memory_space<vmem>>
    %dma_start3A_128 = tpu.memref_squeeze %dma_start3A_127 : memref<1x32x192xf32, #tpu.memory_space<vmem>> -> memref<32x192xf32, #tpu.memory_space<vmem>>
    %dma_start3A_129 = arith.constant 0 : i32
    %dma_start3A_130 = tpu.memref_slice %arg5[%multiple_of3A_84, %dma_start3A_129] : memref<50176x192xf32, #tpu.memory_space<hbm>> -> memref<32x192xf32, #tpu.memory_space<hbm>>
    %dma_start3A_131 = arith.constant 0 : i32
    %dma_start3A_132 = arith.constant 0 : i32
    %dma_start3A_133 = tpu.memref_slice %arg13[%dma_start3A_124, %dma_start3A_131, %dma_start3A_132] : memref<2x32x192xf32, #tpu.memory_space<vmem>> -> memref<1x32x192xf32, #tpu.memory_space<vmem>>
    %dma_start3A_134 = tpu.memref_squeeze %dma_start3A_133 : memref<1x32x192xf32, #tpu.memory_space<vmem>> -> memref<32x192xf32, #tpu.memory_space<vmem>>
    %dma_start3A_135 = arith.constant 0 : i32
    %dma_start3A_136 = tpu.memref_slice %arg5[%multiple_of3A_84, %dma_start3A_135] : memref<50176x192xf32, #tpu.memory_space<hbm>> -> memref<32x192xf32, #tpu.memory_space<hbm>>
    tpu.enqueue_dma source(%dma_start3A_136 : memref<32x192xf32, #tpu.memory_space<hbm>>) target(%dma_start3A_134 : memref<32x192xf32, #tpu.memory_space<vmem>>) target_semaphore(%arg19 : memref<!tpu.dma_semaphore, #tpu.memory_space<semaphore_mem>>)
    %dma_start3A_137 = arith.constant 1 : i32
    %dma_start3A_138 = arith.constant 0 : i32
    %dma_start3A_139 = arith.constant 0 : i32
    %dma_start3A_140 = tpu.memref_slice %arg14[%dma_start3A_137, %dma_start3A_138, %dma_start3A_139] : memref<2x32x192xf32, #tpu.memory_space<vmem>> -> memref<1x32x192xf32, #tpu.memory_space<vmem>>
    %dma_start3A_141 = tpu.memref_squeeze %dma_start3A_140 : memref<1x32x192xf32, #tpu.memory_space<vmem>> -> memref<32x192xf32, #tpu.memory_space<vmem>>
    %dma_start3A_142 = arith.constant 0 : i32
    %dma_start3A_143 = tpu.memref_slice %arg6[%multiple_of3A_84, %dma_start3A_142] : memref<50176x192xf32, #tpu.memory_space<hbm>> -> memref<32x192xf32, #tpu.memory_space<hbm>>
    %dma_start3A_144 = arith.constant 0 : i32
    %dma_start3A_145 = arith.constant 0 : i32
    %dma_start3A_146 = tpu.memref_slice %arg14[%dma_start3A_137, %dma_start3A_144, %dma_start3A_145] : memref<2x32x192xf32, #tpu.memory_space<vmem>> -> memref<1x32x192xf32, #tpu.memory_space<vmem>>
    %dma_start3A_147 = tpu.memref_squeeze %dma_start3A_146 : memref<1x32x192xf32, #tpu.memory_space<vmem>> -> memref<32x192xf32, #tpu.memory_space<vmem>>
    %dma_start3A_148 = arith.constant 0 : i32
    %dma_start3A_149 = tpu.memref_slice %arg6[%multiple_of3A_84, %dma_start3A_148] : memref<50176x192xf32, #tpu.memory_space<hbm>> -> memref<32x192xf32, #tpu.memory_space<hbm>>
    tpu.enqueue_dma source(%dma_start3A_149 : memref<32x192xf32, #tpu.memory_space<hbm>>) target(%dma_start3A_147 : memref<32x192xf32, #tpu.memory_space<vmem>>) target_semaphore(%arg19 : memref<!tpu.dma_semaphore, #tpu.memory_space<semaphore_mem>>)
    %dma_start3A_150 = arith.constant 1 : i32
    %dma_start3A_151 = arith.constant 0 : i32
    %dma_start3A_152 = arith.constant 0 : i32
    %dma_start3A_153 = tpu.memref_slice %arg15[%dma_start3A_150, %dma_start3A_151, %dma_start3A_152] : memref<2x32x192xf32, #tpu.memory_space<vmem>> -> memref<1x32x192xf32, #tpu.memory_space<vmem>>
    %dma_start3A_154 = tpu.memref_squeeze %dma_start3A_153 : memref<1x32x192xf32, #tpu.memory_space<vmem>> -> memref<32x192xf32, #tpu.memory_space<vmem>>
    %dma_start3A_155 = arith.constant 0 : i32
    %dma_start3A_156 = tpu.memref_slice %arg7[%multiple_of3A_84, %dma_start3A_155] : memref<50176x192xf32, #tpu.memory_space<hbm>> -> memref<32x192xf32, #tpu.memory_space<hbm>>
    %dma_start3A_157 = arith.constant 0 : i32
    %dma_start3A_158 = arith.constant 0 : i32
    %dma_start3A_159 = tpu.memref_slice %arg15[%dma_start3A_150, %dma_start3A_157, %dma_start3A_158] : memref<2x32x192xf32, #tpu.memory_space<vmem>> -> memref<1x32x192xf32, #tpu.memory_space<vmem>>
    %dma_start3A_160 = tpu.memref_squeeze %dma_start3A_159 : memref<1x32x192xf32, #tpu.memory_space<vmem>> -> memref<32x192xf32, #tpu.memory_space<vmem>>
    %dma_start3A_161 = arith.constant 0 : i32
    %dma_start3A_162 = tpu.memref_slice %arg7[%multiple_of3A_84, %dma_start3A_161] : memref<50176x192xf32, #tpu.memory_space<hbm>> -> memref<32x192xf32, #tpu.memory_space<hbm>>
    tpu.enqueue_dma source(%dma_start3A_162 : memref<32x192xf32, #tpu.memory_space<hbm>>) target(%dma_start3A_160 : memref<32x192xf32, #tpu.memory_space<vmem>>) target_semaphore(%arg19 : memref<!tpu.dma_semaphore, #tpu.memory_space<semaphore_mem>>)
    %scan3A = arith.constant 0 : i32
    %scan3A_163 = arith.constant 0 : i32
    %scan3A_164 = arith.constant 24 : i32
    %scan3A_165 = arith.addi %scan3A_163, %scan3A_164 : i32
    %scan3A_166 = arith.constant 1 : i32
    %scan3A_167 = scf.for %scan3A_379 = %scan3A_163 to %scan3A_165 step %scan3A_166 iter_args(%scan3A_380 = %scan3A) -> (i32)  : i32 {
      %mul3A_381 = arith.constant 2 : i32
      %mul3A_382 = arith.muli %scan3A_379, %mul3A_381 : i32
      %add3A_383 = arith.constant 0 : i32
      %add3A_384 = arith.addi %mul3A_382, %add3A_383 : i32
      %dma_wait3A_385 = arith.constant 0 : i32
      %dma_wait3A_386 = arith.constant 0 : i32
      %dma_wait3A_387 = arith.constant 0 : i32
      %dma_wait3A_388 = tpu.memref_slice %arg10[%dma_wait3A_385, %dma_wait3A_386, %dma_wait3A_387] : memref<2x32x192xf32, #tpu.memory_space<vmem>> -> memref<1x32x192xf32, #tpu.memory_space<vmem>>
      %dma_wait3A_389 = tpu.memref_squeeze %dma_wait3A_388 : memref<1x32x192xf32, #tpu.memory_space<vmem>> -> memref<32x192xf32, #tpu.memory_space<vmem>>
      %dma_wait3A_390 = arith.constant 0 : i32
      %dma_wait3A_391 = arith.constant 0 : i32
      %dma_wait3A_392 = tpu.memref_slice %arg2[%dma_wait3A_390, %dma_wait3A_391] : memref<50176x192xf32, #tpu.memory_space<hbm>> -> memref<32x192xf32, #tpu.memory_space<hbm>>
      %dma_wait3A_393 = arith.constant 0 : i32
      %dma_wait3A_394 = arith.constant 0 : i32
      %dma_wait3A_395 = tpu.memref_slice %arg10[%dma_wait3A_385, %dma_wait3A_393, %dma_wait3A_394] : memref<2x32x192xf32, #tpu.memory_space<vmem>> -> memref<1x32x192xf32, #tpu.memory_space<vmem>>
      %dma_wait3A_396 = tpu.memref_squeeze %dma_wait3A_395 : memref<1x32x192xf32, #tpu.memory_space<vmem>> -> memref<32x192xf32, #tpu.memory_space<vmem>>
      %dma_wait3A_397 = arith.constant 0 : i32
      %dma_wait3A_398 = arith.constant 0 : i32
      %dma_wait3A_399 = tpu.memref_slice %arg2[%dma_wait3A_397, %dma_wait3A_398] : memref<50176x192xf32, #tpu.memory_space<hbm>> -> memref<32x192xf32, #tpu.memory_space<hbm>>
      tpu.wait_dma2 semaphore(%arg18 : memref<!tpu.dma_semaphore, #tpu.memory_space<semaphore_mem>>) src(%dma_wait3A_399 : memref<32x192xf32, #tpu.memory_space<hbm>>) dst(%dma_wait3A_396 : memref<32x192xf32, #tpu.memory_space<vmem>>)
      %dma_wait3A_400 = arith.constant 0 : i32
      %dma_wait3A_401 = arith.constant 0 : i32
      %dma_wait3A_402 = arith.constant 0 : i32
      %dma_wait3A_403 = tpu.memref_slice %arg11[%dma_wait3A_400, %dma_wait3A_401, %dma_wait3A_402] : memref<2x32x192xf32, #tpu.memory_space<vmem>> -> memref<1x32x192xf32, #tpu.memory_space<vmem>>
      %dma_wait3A_404 = tpu.memref_squeeze %dma_wait3A_403 : memref<1x32x192xf32, #tpu.memory_space<vmem>> -> memref<32x192xf32, #tpu.memory_space<vmem>>
      %dma_wait3A_405 = arith.constant 0 : i32
      %dma_wait3A_406 = arith.constant 0 : i32
      %dma_wait3A_407 = tpu.memref_slice %arg3[%dma_wait3A_405, %dma_wait3A_406] : memref<50176x192xf32, #tpu.memory_space<hbm>> -> memref<32x192xf32, #tpu.memory_space<hbm>>
      %dma_wait3A_408 = arith.constant 0 : i32
      %dma_wait3A_409 = arith.constant 0 : i32
      %dma_wait3A_410 = tpu.memref_slice %arg11[%dma_wait3A_400, %dma_wait3A_408, %dma_wait3A_409] : memref<2x32x192xf32, #tpu.memory_space<vmem>> -> memref<1x32x192xf32, #tpu.memory_space<vmem>>
      %dma_wait3A_411 = tpu.memref_squeeze %dma_wait3A_410 : memref<1x32x192xf32, #tpu.memory_space<vmem>> -> memref<32x192xf32, #tpu.memory_space<vmem>>
      %dma_wait3A_412 = arith.constant 0 : i32
      %dma_wait3A_413 = arith.constant 0 : i32
      %dma_wait3A_414 = tpu.memref_slice %arg3[%dma_wait3A_412, %dma_wait3A_413] : memref<50176x192xf32, #tpu.memory_space<hbm>> -> memref<32x192xf32, #tpu.memory_space<hbm>>
      tpu.wait_dma2 semaphore(%arg18 : memref<!tpu.dma_semaphore, #tpu.memory_space<semaphore_mem>>) src(%dma_wait3A_414 : memref<32x192xf32, #tpu.memory_space<hbm>>) dst(%dma_wait3A_411 : memref<32x192xf32, #tpu.memory_space<vmem>>)
      %dma_wait3A_415 = arith.constant 0 : i32
      %dma_wait3A_416 = arith.constant 0 : i32
      %dma_wait3A_417 = arith.constant 0 : i32
      %dma_wait3A_418 = tpu.memref_slice %arg12[%dma_wait3A_415, %dma_wait3A_416, %dma_wait3A_417] : memref<2x32x192xf32, #tpu.memory_space<vmem>> -> memref<1x32x192xf32, #tpu.memory_space<vmem>>
      %dma_wait3A_419 = tpu.memref_squeeze %dma_wait3A_418 : memref<1x32x192xf32, #tpu.memory_space<vmem>> -> memref<32x192xf32, #tpu.memory_space<vmem>>
      %dma_wait3A_420 = arith.constant 0 : i32
      %dma_wait3A_421 = arith.constant 0 : i32
      %dma_wait3A_422 = tpu.memref_slice %arg4[%dma_wait3A_420, %dma_wait3A_421] : memref<50176x192xf32, #tpu.memory_space<hbm>> -> memref<32x192xf32, #tpu.memory_space<hbm>>
      %dma_wait3A_423 = arith.constant 0 : i32
      %dma_wait3A_424 = arith.constant 0 : i32
      %dma_wait3A_425 = tpu.memref_slice %arg12[%dma_wait3A_415, %dma_wait3A_423, %dma_wait3A_424] : memref<2x32x192xf32, #tpu.memory_space<vmem>> -> memref<1x32x192xf32, #tpu.memory_space<vmem>>
      %dma_wait3A_426 = tpu.memref_squeeze %dma_wait3A_425 : memref<1x32x192xf32, #tpu.memory_space<vmem>> -> memref<32x192xf32, #tpu.memory_space<vmem>>
      %dma_wait3A_427 = arith.constant 0 : i32
      %dma_wait3A_428 = arith.constant 0 : i32
      %dma_wait3A_429 = tpu.memref_slice %arg4[%dma_wait3A_427, %dma_wait3A_428] : memref<50176x192xf32, #tpu.memory_space<hbm>> -> memref<32x192xf32, #tpu.memory_space<hbm>>
      tpu.wait_dma2 semaphore(%arg18 : memref<!tpu.dma_semaphore, #tpu.memory_space<semaphore_mem>>) src(%dma_wait3A_429 : memref<32x192xf32, #tpu.memory_space<hbm>>) dst(%dma_wait3A_426 : memref<32x192xf32, #tpu.memory_space<vmem>>)
      %dma_wait3A_430 = arith.constant 0 : i32
      %dma_wait3A_431 = arith.constant 0 : i32
      %dma_wait3A_432 = arith.constant 0 : i32
      %dma_wait3A_433 = tpu.memref_slice %arg13[%dma_wait3A_430, %dma_wait3A_431, %dma_wait3A_432] : memref<2x32x192xf32, #tpu.memory_space<vmem>> -> memref<1x32x192xf32, #tpu.memory_space<vmem>>
      %dma_wait3A_434 = tpu.memref_squeeze %dma_wait3A_433 : memref<1x32x192xf32, #tpu.memory_space<vmem>> -> memref<32x192xf32, #tpu.memory_space<vmem>>
      %dma_wait3A_435 = arith.constant 0 : i32
      %dma_wait3A_436 = arith.constant 0 : i32
      %dma_wait3A_437 = tpu.memref_slice %arg5[%dma_wait3A_435, %dma_wait3A_436] : memref<50176x192xf32, #tpu.memory_space<hbm>> -> memref<32x192xf32, #tpu.memory_space<hbm>>
      %dma_wait3A_438 = arith.constant 0 : i32
      %dma_wait3A_439 = arith.constant 0 : i32
      %dma_wait3A_440 = tpu.memref_slice %arg13[%dma_wait3A_430, %dma_wait3A_438, %dma_wait3A_439] : memref<2x32x192xf32, #tpu.memory_space<vmem>> -> memref<1x32x192xf32, #tpu.memory_space<vmem>>
      %dma_wait3A_441 = tpu.memref_squeeze %dma_wait3A_440 : memref<1x32x192xf32, #tpu.memory_space<vmem>> -> memref<32x192xf32, #tpu.memory_space<vmem>>
      %dma_wait3A_442 = arith.constant 0 : i32
      %dma_wait3A_443 = arith.constant 0 : i32
      %dma_wait3A_444 = tpu.memref_slice %arg5[%dma_wait3A_442, %dma_wait3A_443] : memref<50176x192xf32, #tpu.memory_space<hbm>> -> memref<32x192xf32, #tpu.memory_space<hbm>>
      tpu.wait_dma2 semaphore(%arg18 : memref<!tpu.dma_semaphore, #tpu.memory_space<semaphore_mem>>) src(%dma_wait3A_444 : memref<32x192xf32, #tpu.memory_space<hbm>>) dst(%dma_wait3A_441 : memref<32x192xf32, #tpu.memory_space<vmem>>)
      %dma_wait3A_445 = arith.constant 0 : i32
      %dma_wait3A_446 = arith.constant 0 : i32
      %dma_wait3A_447 = arith.constant 0 : i32
      %dma_wait3A_448 = tpu.memref_slice %arg14[%dma_wait3A_445, %dma_wait3A_446, %dma_wait3A_447] : memref<2x32x192xf32, #tpu.memory_space<vmem>> -> memref<1x32x192xf32, #tpu.memory_space<vmem>>
      %dma_wait3A_449 = tpu.memref_squeeze %dma_wait3A_448 : memref<1x32x192xf32, #tpu.memory_space<vmem>> -> memref<32x192xf32, #tpu.memory_space<vmem>>
      %dma_wait3A_450 = arith.constant 0 : i32
      %dma_wait3A_451 = arith.constant 0 : i32
      %dma_wait3A_452 = tpu.memref_slice %arg6[%dma_wait3A_450, %dma_wait3A_451] : memref<50176x192xf32, #tpu.memory_space<hbm>> -> memref<32x192xf32, #tpu.memory_space<hbm>>
      %dma_wait3A_453 = arith.constant 0 : i32
      %dma_wait3A_454 = arith.constant 0 : i32
      %dma_wait3A_455 = tpu.memref_slice %arg14[%dma_wait3A_445, %dma_wait3A_453, %dma_wait3A_454] : memref<2x32x192xf32, #tpu.memory_space<vmem>> -> memref<1x32x192xf32, #tpu.memory_space<vmem>>
      %dma_wait3A_456 = tpu.memref_squeeze %dma_wait3A_455 : memref<1x32x192xf32, #tpu.memory_space<vmem>> -> memref<32x192xf32, #tpu.memory_space<vmem>>
      %dma_wait3A_457 = arith.constant 0 : i32
      %dma_wait3A_458 = arith.constant 0 : i32
      %dma_wait3A_459 = tpu.memref_slice %arg6[%dma_wait3A_457, %dma_wait3A_458] : memref<50176x192xf32, #tpu.memory_space<hbm>> -> memref<32x192xf32, #tpu.memory_space<hbm>>
      tpu.wait_dma2 semaphore(%arg18 : memref<!tpu.dma_semaphore, #tpu.memory_space<semaphore_mem>>) src(%dma_wait3A_459 : memref<32x192xf32, #tpu.memory_space<hbm>>) dst(%dma_wait3A_456 : memref<32x192xf32, #tpu.memory_space<vmem>>)
      %dma_wait3A_460 = arith.constant 0 : i32
      %dma_wait3A_461 = arith.constant 0 : i32
      %dma_wait3A_462 = arith.constant 0 : i32
      %dma_wait3A_463 = tpu.memref_slice %arg15[%dma_wait3A_460, %dma_wait3A_461, %dma_wait3A_462] : memref<2x32x192xf32, #tpu.memory_space<vmem>> -> memref<1x32x192xf32, #tpu.memory_space<vmem>>
      %dma_wait3A_464 = tpu.memref_squeeze %dma_wait3A_463 : memref<1x32x192xf32, #tpu.memory_space<vmem>> -> memref<32x192xf32, #tpu.memory_space<vmem>>
      %dma_wait3A_465 = arith.constant 0 : i32
      %dma_wait3A_466 = arith.constant 0 : i32
      %dma_wait3A_467 = tpu.memref_slice %arg7[%dma_wait3A_465, %dma_wait3A_466] : memref<50176x192xf32, #tpu.memory_space<hbm>> -> memref<32x192xf32, #tpu.memory_space<hbm>>
      %dma_wait3A_468 = arith.constant 0 : i32
      %dma_wait3A_469 = arith.constant 0 : i32
      %dma_wait3A_470 = tpu.memref_slice %arg15[%dma_wait3A_460, %dma_wait3A_468, %dma_wait3A_469] : memref<2x32x192xf32, #tpu.memory_space<vmem>> -> memref<1x32x192xf32, #tpu.memory_space<vmem>>
      %dma_wait3A_471 = tpu.memref_squeeze %dma_wait3A_470 : memref<1x32x192xf32, #tpu.memory_space<vmem>> -> memref<32x192xf32, #tpu.memory_space<vmem>>
      %dma_wait3A_472 = arith.constant 0 : i32
      %dma_wait3A_473 = arith.constant 0 : i32
      %dma_wait3A_474 = tpu.memref_slice %arg7[%dma_wait3A_472, %dma_wait3A_473] : memref<50176x192xf32, #tpu.memory_space<hbm>> -> memref<32x192xf32, #tpu.memory_space<hbm>>
      tpu.wait_dma2 semaphore(%arg18 : memref<!tpu.dma_semaphore, #tpu.memory_space<semaphore_mem>>) src(%dma_wait3A_474 : memref<32x192xf32, #tpu.memory_space<hbm>>) dst(%dma_wait3A_471 : memref<32x192xf32, #tpu.memory_space<vmem>>)
      %ge3A = arith.constant 2 : i32
      %ge3A_475 = arith.cmpi sge, %add3A_384, %ge3A : i32
      %convert_element_type3A = arith.extui %ge3A_475 : i1 to i32
      %cond3A = arith.constant 0 : i32
      %cond3A_476 = arith.cmpi ne, %convert_element_type3A, %cond3A : i32
      scf.if %cond3A_476 {
        %dma_wait3A_656 = arith.constant 0 : i32
        %dma_wait3A_657 = arith.constant 0 : i32
        %dma_wait3A_658 = arith.constant 0 : i32
        %dma_wait3A_659 = tpu.memref_slice %arg16[%dma_wait3A_656, %dma_wait3A_657, %dma_wait3A_658] : memref<2x32x192xf32, #tpu.memory_space<vmem>> -> memref<1x32x192xf32, #tpu.memory_space<vmem>>
        %dma_wait3A_660 = tpu.memref_squeeze %dma_wait3A_659 : memref<1x32x192xf32, #tpu.memory_space<vmem>> -> memref<32x192xf32, #tpu.memory_space<vmem>>
        %dma_wait3A_661 = arith.constant 0 : i32
        %dma_wait3A_662 = arith.constant 0 : i32
        %dma_wait3A_663 = tpu.memref_slice %arg8[%dma_wait3A_661, %dma_wait3A_662] : memref<50176x192xf32, #tpu.memory_space<hbm>> -> memref<32x192xf32, #tpu.memory_space<hbm>>
        %dma_wait3A_664 = arith.constant 0 : i32
        %dma_wait3A_665 = arith.constant 0 : i32
        %dma_wait3A_666 = tpu.memref_slice %arg8[%dma_wait3A_664, %dma_wait3A_665] : memref<50176x192xf32, #tpu.memory_space<hbm>> -> memref<32x192xf32, #tpu.memory_space<hbm>>
        %dma_wait3A_667 = arith.constant 0 : i32
        %dma_wait3A_668 = arith.constant 0 : i32
        %dma_wait3A_669 = tpu.memref_slice %arg16[%dma_wait3A_656, %dma_wait3A_667, %dma_wait3A_668] : memref<2x32x192xf32, #tpu.memory_space<vmem>> -> memref<1x32x192xf32, #tpu.memory_space<vmem>>
        %dma_wait3A_670 = tpu.memref_squeeze %dma_wait3A_669 : memref<1x32x192xf32, #tpu.memory_space<vmem>> -> memref<32x192xf32, #tpu.memory_space<vmem>>
        tpu.wait_dma2 semaphore(%arg20 : memref<!tpu.dma_semaphore, #tpu.memory_space<semaphore_mem>>) src(%dma_wait3A_670 : memref<32x192xf32, #tpu.memory_space<vmem>>) dst(%dma_wait3A_666 : memref<32x192xf32, #tpu.memory_space<hbm>>)
        %dma_wait3A_671 = arith.constant 0 : i32
        %dma_wait3A_672 = arith.constant 0 : i32
        %dma_wait3A_673 = arith.constant 0 : i32
        %dma_wait3A_674 = tpu.memref_slice %arg17[%dma_wait3A_671, %dma_wait3A_672, %dma_wait3A_673] : memref<2x32x192xf32, #tpu.memory_space<vmem>> -> memref<1x32x192xf32, #tpu.memory_space<vmem>>
        %dma_wait3A_675 = tpu.memref_squeeze %dma_wait3A_674 : memref<1x32x192xf32, #tpu.memory_space<vmem>> -> memref<32x192xf32, #tpu.memory_space<vmem>>
        %dma_wait3A_676 = arith.constant 0 : i32
        %dma_wait3A_677 = arith.constant 0 : i32
        %dma_wait3A_678 = tpu.memref_slice %arg9[%dma_wait3A_676, %dma_wait3A_677] : memref<50176x192xf32, #tpu.memory_space<hbm>> -> memref<32x192xf32, #tpu.memory_space<hbm>>
        %dma_wait3A_679 = arith.constant 0 : i32
        %dma_wait3A_680 = arith.constant 0 : i32
        %dma_wait3A_681 = tpu.memref_slice %arg9[%dma_wait3A_679, %dma_wait3A_680] : memref<50176x192xf32, #tpu.memory_space<hbm>> -> memref<32x192xf32, #tpu.memory_space<hbm>>
        %dma_wait3A_682 = arith.constant 0 : i32
        %dma_wait3A_683 = arith.constant 0 : i32
        %dma_wait3A_684 = tpu.memref_slice %arg17[%dma_wait3A_671, %dma_wait3A_682, %dma_wait3A_683] : memref<2x32x192xf32, #tpu.memory_space<vmem>> -> memref<1x32x192xf32, #tpu.memory_space<vmem>>
        %dma_wait3A_685 = tpu.memref_squeeze %dma_wait3A_684 : memref<1x32x192xf32, #tpu.memory_space<vmem>> -> memref<32x192xf32, #tpu.memory_space<vmem>>
        tpu.wait_dma2 semaphore(%arg20 : memref<!tpu.dma_semaphore, #tpu.memory_space<semaphore_mem>>) src(%dma_wait3A_685 : memref<32x192xf32, #tpu.memory_space<vmem>>) dst(%dma_wait3A_681 : memref<32x192xf32, #tpu.memory_space<hbm>>)
      } else {
      }
      %parallel_loop3A_477 = arith.constant 0 : i32
      %parallel_loop3A_478 = arith.constant 384 : i32
      %parallel_loop3A_479 = arith.constant 1 : i32
      scf.for %parallel_loop3A_656 = %parallel_loop3A_477 to %parallel_loop3A_478 step %parallel_loop3A_479  : i32 {
        %parallel_loop3A_657 = arith.constant 12 : i32
        %parallel_loop3A_658 = arith.divsi %parallel_loop3A_656, %parallel_loop3A_657 : i32
        %parallel_loop3A_659 = arith.constant 0 : i32
        %parallel_loop3A_660 = arith.cmpi sgt, %parallel_loop3A_656, %parallel_loop3A_659 : i32
        %parallel_loop3A_661 = arith.extui %parallel_loop3A_660 : i1 to i32
        %parallel_loop3A_662 = arith.constant 0 : i32
        %parallel_loop3A_663 = arith.cmpi slt, %parallel_loop3A_656, %parallel_loop3A_662 : i32
        %parallel_loop3A_664 = arith.extui %parallel_loop3A_663 : i1 to i32
        %parallel_loop3A_665 = arith.subi %parallel_loop3A_661, %parallel_loop3A_664 : i32
        %parallel_loop3A_666 = arith.constant 0 : i32
        %parallel_loop3A_667 = arith.cmpi sgt, %parallel_loop3A_657, %parallel_loop3A_666 : i32
        %parallel_loop3A_668 = arith.extui %parallel_loop3A_667 : i1 to i32
        %parallel_loop3A_669 = arith.constant 0 : i32
        %parallel_loop3A_670 = arith.cmpi slt, %parallel_loop3A_657, %parallel_loop3A_669 : i32
        %parallel_loop3A_671 = arith.extui %parallel_loop3A_670 : i1 to i32
        %parallel_loop3A_672 = arith.subi %parallel_loop3A_668, %parallel_loop3A_671 : i32
        %parallel_loop3A_673 = arith.cmpi ne, %parallel_loop3A_665, %parallel_loop3A_672 : i32
        %parallel_loop3A_674 = arith.remsi %parallel_loop3A_656, %parallel_loop3A_657 : i32
        %parallel_loop3A_675 = arith.constant 0 : i32
        %parallel_loop3A_676 = arith.cmpi ne, %parallel_loop3A_674, %parallel_loop3A_675 : i32
        %parallel_loop3A_677 = arith.andi %parallel_loop3A_673, %parallel_loop3A_676 : i1
        %parallel_loop3A_678 = arith.constant 1 : i32
        %parallel_loop3A_679 = arith.subi %parallel_loop3A_658, %parallel_loop3A_678 : i32
        %parallel_loop3A_680 = arith.select %parallel_loop3A_677, %parallel_loop3A_679, %parallel_loop3A_658 : i32
        %parallel_loop3A_681 = arith.constant 12 : i32
        %parallel_loop3A_682 = arith.constant 0 : i32
        %parallel_loop3A_683 = arith.cmpi eq, %parallel_loop3A_681, %parallel_loop3A_682 : i32
        %parallel_loop3A_684 = arith.constant 1 : i32
        %parallel_loop3A_685 = arith.select %parallel_loop3A_683, %parallel_loop3A_684, %parallel_loop3A_681 : i32
        %parallel_loop3A_686 = arith.remsi %parallel_loop3A_656, %parallel_loop3A_685 : i32
        %parallel_loop3A_687 = arith.constant 0 : i32
        %parallel_loop3A_688 = arith.cmpi ne, %parallel_loop3A_686, %parallel_loop3A_687 : i32
        %parallel_loop3A_689 = arith.constant 0 : i32
        %parallel_loop3A_690 = arith.cmpi slt, %parallel_loop3A_686, %parallel_loop3A_689 : i32
        %parallel_loop3A_691 = arith.constant 0 : i32
        %parallel_loop3A_692 = arith.cmpi slt, %parallel_loop3A_685, %parallel_loop3A_691 : i32
        %parallel_loop3A_693 = arith.xori %parallel_loop3A_690, %parallel_loop3A_692 : i1
        %parallel_loop3A_694 = arith.andi %parallel_loop3A_693, %parallel_loop3A_688 : i1
        %parallel_loop3A_695 = arith.addi %parallel_loop3A_686, %parallel_loop3A_685 : i32
        %parallel_loop3A_696 = arith.select %parallel_loop3A_694, %parallel_loop3A_695, %parallel_loop3A_686 : i32
        %parallel_loop3A_697 = arith.constant 16 : i32
        %parallel_loop3A_698 = arith.muli %parallel_loop3A_696, %parallel_loop3A_697 : i32
        %parallel_loop3A_699 = arith.constant 0 : i32
        %parallel_loop3A_700 = arith.index_cast %parallel_loop3A_699 : i32 to index
        %parallel_loop3A_701 = arith.index_cast %parallel_loop3A_680 : i32 to index
        %parallel_loop3A_702 = arith.index_cast %parallel_loop3A_698 : i32 to index
        %parallel_loop3A_703 = tpu.vector_load %arg10[%parallel_loop3A_700, %parallel_loop3A_701, %parallel_loop3A_702] {strides = array<i32>} : memref<2x32x192xf32, #tpu.memory_space<vmem>>, vector<1x1x16xf32>,
        %parallel_loop3A_704 = vector.shape_cast %parallel_loop3A_703 : vector<1x1x16xf32> to vector<16xf32>
        %parallel_loop3A_705 = arith.constant 0 : i32
        %parallel_loop3A_706 = arith.index_cast %parallel_loop3A_705 : i32 to index
        %parallel_loop3A_707 = arith.index_cast %parallel_loop3A_680 : i32 to index
        %parallel_loop3A_708 = arith.index_cast %parallel_loop3A_698 : i32 to index
        %parallel_loop3A_709 = tpu.vector_load %arg13[%parallel_loop3A_706, %parallel_loop3A_707, %parallel_loop3A_708] {strides = array<i32>} : memref<2x32x192xf32, #tpu.memory_space<vmem>>, vector<1x1x16xf32>,
        %parallel_loop3A_710 = vector.shape_cast %parallel_loop3A_709 : vector<1x1x16xf32> to vector<16xf32>
        %parallel_loop3A_711 = arith.constant 0 : i32
        %parallel_loop3A_712 = arith.index_cast %parallel_loop3A_711 : i32 to index
        %parallel_loop3A_713 = arith.index_cast %parallel_loop3A_680 : i32 to index
        %parallel_loop3A_714 = arith.index_cast %parallel_loop3A_698 : i32 to index
        %parallel_loop3A_715 = tpu.vector_load %arg11[%parallel_loop3A_712, %parallel_loop3A_713, %parallel_loop3A_714] {strides = array<i32>} : memref<2x32x192xf32, #tpu.memory_space<vmem>>, vector<1x1x16xf32>,
        %parallel_loop3A_716 = vector.shape_cast %parallel_loop3A_715 : vector<1x1x16xf32> to vector<16xf32>
        %parallel_loop3A_717 = arith.constant 0 : i32
        %parallel_loop3A_718 = arith.index_cast %parallel_loop3A_717 : i32 to index
        %parallel_loop3A_719 = arith.index_cast %parallel_loop3A_680 : i32 to index
        %parallel_loop3A_720 = arith.index_cast %parallel_loop3A_698 : i32 to index
        %parallel_loop3A_721 = tpu.vector_load %arg14[%parallel_loop3A_718, %parallel_loop3A_719, %parallel_loop3A_720] {strides = array<i32>} : memref<2x32x192xf32, #tpu.memory_space<vmem>>, vector<1x1x16xf32>,
        %parallel_loop3A_722 = vector.shape_cast %parallel_loop3A_721 : vector<1x1x16xf32> to vector<16xf32>
        %parallel_loop3A_723 = arith.constant 0 : i32
        %parallel_loop3A_724 = arith.index_cast %parallel_loop3A_723 : i32 to index
        %parallel_loop3A_725 = arith.index_cast %parallel_loop3A_680 : i32 to index
        %parallel_loop3A_726 = arith.index_cast %parallel_loop3A_698 : i32 to index
        %parallel_loop3A_727 = tpu.vector_load %arg12[%parallel_loop3A_724, %parallel_loop3A_725, %parallel_loop3A_726] {strides = array<i32>} : memref<2x32x192xf32, #tpu.memory_space<vmem>>, vector<1x1x16xf32>,
        %parallel_loop3A_728 = vector.shape_cast %parallel_loop3A_727 : vector<1x1x16xf32> to vector<16xf32>
        %parallel_loop3A_729 = arith.constant 0 : i32
        %parallel_loop3A_730 = arith.index_cast %parallel_loop3A_729 : i32 to index
        %parallel_loop3A_731 = arith.index_cast %parallel_loop3A_680 : i32 to index
        %parallel_loop3A_732 = arith.index_cast %parallel_loop3A_698 : i32 to index
        %parallel_loop3A_733 = tpu.vector_load %arg15[%parallel_loop3A_730, %parallel_loop3A_731, %parallel_loop3A_732] {strides = array<i32>} : memref<2x32x192xf32, #tpu.memory_space<vmem>>, vector<1x1x16xf32>,
        %parallel_loop3A_734 = vector.shape_cast %parallel_loop3A_733 : vector<1x1x16xf32> to vector<16xf32>
        %parallel_loop3A_735 = arith.mulf %parallel_loop3A_704, %parallel_loop3A_704 : vector<16xf32>
        %parallel_loop3A_736 = arith.mulf %parallel_loop3A_710, %parallel_loop3A_710 : vector<16xf32>
        %parallel_loop3A_737 = arith.addf %parallel_loop3A_735, %parallel_loop3A_736 : vector<16xf32>
        %parallel_loop3A_738 = arith.mulf %parallel_loop3A_716, %parallel_loop3A_716 : vector<16xf32>
        %parallel_loop3A_739 = arith.mulf %parallel_loop3A_722, %parallel_loop3A_722 : vector<16xf32>
        %parallel_loop3A_740 = arith.addf %parallel_loop3A_738, %parallel_loop3A_739 : vector<16xf32>
        %parallel_loop3A_741 = arith.mulf %parallel_loop3A_728, %parallel_loop3A_728 : vector<16xf32>
        %parallel_loop3A_742 = arith.mulf %parallel_loop3A_734, %parallel_loop3A_734 : vector<16xf32>
        %parallel_loop3A_743 = arith.addf %parallel_loop3A_741, %parallel_loop3A_742 : vector<16xf32>
        %parallel_loop3A_744 = arith.cmpf ogt, %parallel_loop3A_740, %parallel_loop3A_737 : vector<16xf32>
        %parallel_loop3A_745 = arith.select %parallel_loop3A_744, %parallel_loop3A_716, %parallel_loop3A_704 : vector<16xi1>, vector<16xf32>
        %parallel_loop3A_746 = arith.select %parallel_loop3A_744, %parallel_loop3A_722, %parallel_loop3A_710 : vector<16xi1>, vector<16xf32>
        %parallel_loop3A_747 = arith.maximumf %parallel_loop3A_737, %parallel_loop3A_740 : vector<16xf32>
        %parallel_loop3A_748 = arith.cmpf ogt, %parallel_loop3A_743, %parallel_loop3A_747 : vector<16xf32>
        %parallel_loop3A_749 = arith.select %parallel_loop3A_748, %parallel_loop3A_728, %parallel_loop3A_745 : vector<16xi1>, vector<16xf32>
        %parallel_loop3A_750 = arith.constant 0 : i32
        %parallel_loop3A_751 = arith.index_cast %parallel_loop3A_750 : i32 to index
        %parallel_loop3A_752 = arith.index_cast %parallel_loop3A_680 : i32 to index
        %parallel_loop3A_753 = arith.index_cast %parallel_loop3A_698 : i32 to index
        %parallel_loop3A_754 = tpu.vector_load %arg16[%parallel_loop3A_751, %parallel_loop3A_752, %parallel_loop3A_753] {strides = array<i32>} : memref<2x32x192xf32, #tpu.memory_space<vmem>>, vector<1x1x16xf32>,
        %parallel_loop3A_755 = vector.shape_cast %parallel_loop3A_754 : vector<1x1x16xf32> to vector<16xf32>
        %parallel_loop3A_756 = vector.shape_cast %parallel_loop3A_749 : vector<16xf32> to vector<1x1x16xf32>
        tpu.vector_store %arg16[%parallel_loop3A_751, %parallel_loop3A_752, %parallel_loop3A_753], %parallel_loop3A_756 {strides = array<i32>} : memref<2x32x192xf32, #tpu.memory_space<vmem>>, vector<1x1x16xf32>,
        %parallel_loop3A_757 = arith.select %parallel_loop3A_748, %parallel_loop3A_734, %parallel_loop3A_746 : vector<16xi1>, vector<16xf32>
        %parallel_loop3A_758 = arith.constant 0 : i32
        %parallel_loop3A_759 = arith.index_cast %parallel_loop3A_758 : i32 to index
        %parallel_loop3A_760 = arith.index_cast %parallel_loop3A_680 : i32 to index
        %parallel_loop3A_761 = arith.index_cast %parallel_loop3A_698 : i32 to index
        %parallel_loop3A_762 = tpu.vector_load %arg17[%parallel_loop3A_759, %parallel_loop3A_760, %parallel_loop3A_761] {strides = array<i32>} : memref<2x32x192xf32, #tpu.memory_space<vmem>>, vector<1x1x16xf32>,
        %parallel_loop3A_763 = vector.shape_cast %parallel_loop3A_762 : vector<1x1x16xf32> to vector<16xf32>
        %parallel_loop3A_764 = vector.shape_cast %parallel_loop3A_757 : vector<16xf32> to vector<1x1x16xf32>
        tpu.vector_store %arg17[%parallel_loop3A_759, %parallel_loop3A_760, %parallel_loop3A_761], %parallel_loop3A_764 {strides = array<i32>} : memref<2x32x192xf32, #tpu.memory_space<vmem>>, vector<1x1x16xf32>,
      } {sc.loop_unroll_factor = 4 : i64, sc.parallel_access}
      %add3A_480 = arith.constant 2 : i32
      %add3A_481 = arith.addi %add3A_384, %add3A_480 : i32
      %lt3A = arith.constant 49 : i32
      %lt3A_482 = arith.cmpi slt, %add3A_481, %lt3A : i32
      %convert_element_type3A_483 = arith.extui %lt3A_482 : i1 to i32
      %cond3A_484 = arith.constant 0 : i32
      %cond3A_485 = arith.cmpi ne, %convert_element_type3A_483, %cond3A_484 : i32
      scf.if %cond3A_485 {
        %add3A_656 = arith.constant 2 : i32
        %add3A_657 = arith.addi %add3A_384, %add3A_656 : i32
        %mul3A_658 = arith.constant 32 : i32
        %mul3A_659 = arith.muli %add3A_657, %mul3A_658 : i32
        %add3A_660 = arith.addi %mul3A_2, %mul3A_659 : i32
        %multiple_of3A_661 = tpu.assume_multiple %add3A_660, 32 : i32
        %dma_start3A_662 = arith.constant 0 : i32
        %dma_start3A_663 = arith.constant 0 : i32
        %dma_start3A_664 = arith.constant 0 : i32
        %dma_start3A_665 = tpu.memref_slice %arg10[%dma_start3A_662, %dma_start3A_663, %dma_start3A_664] : memref<2x32x192xf32, #tpu.memory_space<vmem>> -> memref<1x32x192xf32, #tpu.memory_space<vmem>>
        %dma_start3A_666 = tpu.memref_squeeze %dma_start3A_665 : memref<1x32x192xf32, #tpu.memory_space<vmem>> -> memref<32x192xf32, #tpu.memory_space<vmem>>
        %dma_start3A_667 = arith.constant 0 : i32
        %dma_start3A_668 = tpu.memref_slice %arg2[%multiple_of3A_661, %dma_start3A_667] : memref<50176x192xf32, #tpu.memory_space<hbm>> -> memref<32x192xf32, #tpu.memory_space<hbm>>
        %dma_start3A_669 = arith.constant 0 : i32
        %dma_start3A_670 = arith.constant 0 : i32
        %dma_start3A_671 = tpu.memref_slice %arg10[%dma_start3A_662, %dma_start3A_669, %dma_start3A_670] : memref<2x32x192xf32, #tpu.memory_space<vmem>> -> memref<1x32x192xf32, #tpu.memory_space<vmem>>
        %dma_start3A_672 = tpu.memref_squeeze %dma_start3A_671 : memref<1x32x192xf32, #tpu.memory_space<vmem>> -> memref<32x192xf32, #tpu.memory_space<vmem>>
        %dma_start3A_673 = arith.constant 0 : i32
        %dma_start3A_674 = tpu.memref_slice %arg2[%multiple_of3A_661, %dma_start3A_673] : memref<50176x192xf32, #tpu.memory_space<hbm>> -> memref<32x192xf32, #tpu.memory_space<hbm>>
        tpu.enqueue_dma source(%dma_start3A_674 : memref<32x192xf32, #tpu.memory_space<hbm>>) target(%dma_start3A_672 : memref<32x192xf32, #tpu.memory_space<vmem>>) target_semaphore(%arg18 : memref<!tpu.dma_semaphore, #tpu.memory_space<semaphore_mem>>)
        %dma_start3A_675 = arith.constant 0 : i32
        %dma_start3A_676 = arith.constant 0 : i32
        %dma_start3A_677 = arith.constant 0 : i32
        %dma_start3A_678 = tpu.memref_slice %arg11[%dma_start3A_675, %dma_start3A_676, %dma_start3A_677] : memref<2x32x192xf32, #tpu.memory_space<vmem>> -> memref<1x32x192xf32, #tpu.memory_space<vmem>>
        %dma_start3A_679 = tpu.memref_squeeze %dma_start3A_678 : memref<1x32x192xf32, #tpu.memory_space<vmem>> -> memref<32x192xf32, #tpu.memory_space<vmem>>
        %dma_start3A_680 = arith.constant 0 : i32
        %dma_start3A_681 = tpu.memref_slice %arg3[%multiple_of3A_661, %dma_start3A_680] : memref<50176x192xf32, #tpu.memory_space<hbm>> -> memref<32x192xf32, #tpu.memory_space<hbm>>
        %dma_start3A_682 = arith.constant 0 : i32
        %dma_start3A_683 = arith.constant 0 : i32
        %dma_start3A_684 = tpu.memref_slice %arg11[%dma_start3A_675, %dma_start3A_682, %dma_start3A_683] : memref<2x32x192xf32, #tpu.memory_space<vmem>> -> memref<1x32x192xf32, #tpu.memory_space<vmem>>
        %dma_start3A_685 = tpu.memref_squeeze %dma_start3A_684 : memref<1x32x192xf32, #tpu.memory_space<vmem>> -> memref<32x192xf32, #tpu.memory_space<vmem>>
        %dma_start3A_686 = arith.constant 0 : i32
        %dma_start3A_687 = tpu.memref_slice %arg3[%multiple_of3A_661, %dma_start3A_686] : memref<50176x192xf32, #tpu.memory_space<hbm>> -> memref<32x192xf32, #tpu.memory_space<hbm>>
        tpu.enqueue_dma source(%dma_start3A_687 : memref<32x192xf32, #tpu.memory_space<hbm>>) target(%dma_start3A_685 : memref<32x192xf32, #tpu.memory_space<vmem>>) target_semaphore(%arg18 : memref<!tpu.dma_semaphore, #tpu.memory_space<semaphore_mem>>)
        %dma_start3A_688 = arith.constant 0 : i32
        %dma_start3A_689 = arith.constant 0 : i32
        %dma_start3A_690 = arith.constant 0 : i32
        %dma_start3A_691 = tpu.memref_slice %arg12[%dma_start3A_688, %dma_start3A_689, %dma_start3A_690] : memref<2x32x192xf32, #tpu.memory_space<vmem>> -> memref<1x32x192xf32, #tpu.memory_space<vmem>>
        %dma_start3A_692 = tpu.memref_squeeze %dma_start3A_691 : memref<1x32x192xf32, #tpu.memory_space<vmem>> -> memref<32x192xf32, #tpu.memory_space<vmem>>
        %dma_start3A_693 = arith.constant 0 : i32
        %dma_start3A_694 = tpu.memref_slice %arg4[%multiple_of3A_661, %dma_start3A_693] : memref<50176x192xf32, #tpu.memory_space<hbm>> -> memref<32x192xf32, #tpu.memory_space<hbm>>
        %dma_start3A_695 = arith.constant 0 : i32
        %dma_start3A_696 = arith.constant 0 : i32
        %dma_start3A_697 = tpu.memref_slice %arg12[%dma_start3A_688, %dma_start3A_695, %dma_start3A_696] : memref<2x32x192xf32, #tpu.memory_space<vmem>> -> memref<1x32x192xf32, #tpu.memory_space<vmem>>
        %dma_start3A_698 = tpu.memref_squeeze %dma_start3A_697 : memref<1x32x192xf32, #tpu.memory_space<vmem>> -> memref<32x192xf32, #tpu.memory_space<vmem>>
        %dma_start3A_699 = arith.constant 0 : i32
        %dma_start3A_700 = tpu.memref_slice %arg4[%multiple_of3A_661, %dma_start3A_699] : memref<50176x192xf32, #tpu.memory_space<hbm>> -> memref<32x192xf32, #tpu.memory_space<hbm>>
        tpu.enqueue_dma source(%dma_start3A_700 : memref<32x192xf32, #tpu.memory_space<hbm>>) target(%dma_start3A_698 : memref<32x192xf32, #tpu.memory_space<vmem>>) target_semaphore(%arg18 : memref<!tpu.dma_semaphore, #tpu.memory_space<semaphore_mem>>)
        %dma_start3A_701 = arith.constant 0 : i32
        %dma_start3A_702 = arith.constant 0 : i32
        %dma_start3A_703 = arith.constant 0 : i32
        %dma_start3A_704 = tpu.memref_slice %arg13[%dma_start3A_701, %dma_start3A_702, %dma_start3A_703] : memref<2x32x192xf32, #tpu.memory_space<vmem>> -> memref<1x32x192xf32, #tpu.memory_space<vmem>>
        %dma_start3A_705 = tpu.memref_squeeze %dma_start3A_704 : memref<1x32x192xf32, #tpu.memory_space<vmem>> -> memref<32x192xf32, #tpu.memory_space<vmem>>
        %dma_start3A_706 = arith.constant 0 : i32
        %dma_start3A_707 = tpu.memref_slice %arg5[%multiple_of3A_661, %dma_start3A_706] : memref<50176x192xf32, #tpu.memory_space<hbm>> -> memref<32x192xf32, #tpu.memory_space<hbm>>
        %dma_start3A_708 = arith.constant 0 : i32
        %dma_start3A_709 = arith.constant 0 : i32
        %dma_start3A_710 = tpu.memref_slice %arg13[%dma_start3A_701, %dma_start3A_708, %dma_start3A_709] : memref<2x32x192xf32, #tpu.memory_space<vmem>> -> memref<1x32x192xf32, #tpu.memory_space<vmem>>
        %dma_start3A_711 = tpu.memref_squeeze %dma_start3A_710 : memref<1x32x192xf32, #tpu.memory_space<vmem>> -> memref<32x192xf32, #tpu.memory_space<vmem>>
        %dma_start3A_712 = arith.constant 0 : i32
        %dma_start3A_713 = tpu.memref_slice %arg5[%multiple_of3A_661, %dma_start3A_712] : memref<50176x192xf32, #tpu.memory_space<hbm>> -> memref<32x192xf32, #tpu.memory_space<hbm>>
        tpu.enqueue_dma source(%dma_start3A_713 : memref<32x192xf32, #tpu.memory_space<hbm>>) target(%dma_start3A_711 : memref<32x192xf32, #tpu.memory_space<vmem>>) target_semaphore(%arg18 : memref<!tpu.dma_semaphore, #tpu.memory_space<semaphore_mem>>)
        %dma_start3A_714 = arith.constant 0 : i32
        %dma_start3A_715 = arith.constant 0 : i32
        %dma_start3A_716 = arith.constant 0 : i32
        %dma_start3A_717 = tpu.memref_slice %arg14[%dma_start3A_714, %dma_start3A_715, %dma_start3A_716] : memref<2x32x192xf32, #tpu.memory_space<vmem>> -> memref<1x32x192xf32, #tpu.memory_space<vmem>>
        %dma_start3A_718 = tpu.memref_squeeze %dma_start3A_717 : memref<1x32x192xf32, #tpu.memory_space<vmem>> -> memref<32x192xf32, #tpu.memory_space<vmem>>
        %dma_start3A_719 = arith.constant 0 : i32
        %dma_start3A_720 = tpu.memref_slice %arg6[%multiple_of3A_661, %dma_start3A_719] : memref<50176x192xf32, #tpu.memory_space<hbm>> -> memref<32x192xf32, #tpu.memory_space<hbm>>
        %dma_start3A_721 = arith.constant 0 : i32
        %dma_start3A_722 = arith.constant 0 : i32
        %dma_start3A_723 = tpu.memref_slice %arg14[%dma_start3A_714, %dma_start3A_721, %dma_start3A_722] : memref<2x32x192xf32, #tpu.memory_space<vmem>> -> memref<1x32x192xf32, #tpu.memory_space<vmem>>
        %dma_start3A_724 = tpu.memref_squeeze %dma_start3A_723 : memref<1x32x192xf32, #tpu.memory_space<vmem>> -> memref<32x192xf32, #tpu.memory_space<vmem>>
        %dma_start3A_725 = arith.constant 0 : i32
        %dma_start3A_726 = tpu.memref_slice %arg6[%multiple_of3A_661, %dma_start3A_725] : memref<50176x192xf32, #tpu.memory_space<hbm>> -> memref<32x192xf32, #tpu.memory_space<hbm>>
        tpu.enqueue_dma source(%dma_start3A_726 : memref<32x192xf32, #tpu.memory_space<hbm>>) target(%dma_start3A_724 : memref<32x192xf32, #tpu.memory_space<vmem>>) target_semaphore(%arg18 : memref<!tpu.dma_semaphore, #tpu.memory_space<semaphore_mem>>)
        %dma_start3A_727 = arith.constant 0 : i32
        %dma_start3A_728 = arith.constant 0 : i32
        %dma_start3A_729 = arith.constant 0 : i32
        %dma_start3A_730 = tpu.memref_slice %arg15[%dma_start3A_727, %dma_start3A_728, %dma_start3A_729] : memref<2x32x192xf32, #tpu.memory_space<vmem>> -> memref<1x32x192xf32, #tpu.memory_space<vmem>>
        %dma_start3A_731 = tpu.memref_squeeze %dma_start3A_730 : memref<1x32x192xf32, #tpu.memory_space<vmem>> -> memref<32x192xf32, #tpu.memory_space<vmem>>
        %dma_start3A_732 = arith.constant 0 : i32
        %dma_start3A_733 = tpu.memref_slice %arg7[%multiple_of3A_661, %dma_start3A_732] : memref<50176x192xf32, #tpu.memory_space<hbm>> -> memref<32x192xf32, #tpu.memory_space<hbm>>
        %dma_start3A_734 = arith.constant 0 : i32
        %dma_start3A_735 = arith.constant 0 : i32
        %dma_start3A_736 = tpu.memref_slice %arg15[%dma_start3A_727, %dma_start3A_734, %dma_start3A_735] : memref<2x32x192xf32, #tpu.memory_space<vmem>> -> memref<1x32x192xf32, #tpu.memory_space<vmem>>
        %dma_start3A_737 = tpu.memref_squeeze %dma_start3A_736 : memref<1x32x192xf32, #tpu.memory_space<vmem>> -> memref<32x192xf32, #tpu.memory_space<vmem>>
        %dma_start3A_738 = arith.constant 0 : i32
        %dma_start3A_739 = tpu.memref_slice %arg7[%multiple_of3A_661, %dma_start3A_738] : memref<50176x192xf32, #tpu.memory_space<hbm>> -> memref<32x192xf32, #tpu.memory_space<hbm>>
        tpu.enqueue_dma source(%dma_start3A_739 : memref<32x192xf32, #tpu.memory_space<hbm>>) target(%dma_start3A_737 : memref<32x192xf32, #tpu.memory_space<vmem>>) target_semaphore(%arg18 : memref<!tpu.dma_semaphore, #tpu.memory_space<semaphore_mem>>)
      } else {
      }
      %mul3A_486 = arith.constant 32 : i32
      %mul3A_487 = arith.muli %add3A_384, %mul3A_486 : i32
      %add3A_488 = arith.addi %mul3A_2, %mul3A_487 : i32
      %multiple_of3A_489 = tpu.assume_multiple %add3A_488, 32 : i32
      %dma_start3A_490 = arith.constant 0 : i32
      %dma_start3A_491 = arith.constant 0 : i32
      %dma_start3A_492 = arith.constant 0 : i32
      %dma_start3A_493 = tpu.memref_slice %arg16[%dma_start3A_490, %dma_start3A_491, %dma_start3A_492] : memref<2x32x192xf32, #tpu.memory_space<vmem>> -> memref<1x32x192xf32, #tpu.memory_space<vmem>>
      %dma_start3A_494 = tpu.memref_squeeze %dma_start3A_493 : memref<1x32x192xf32, #tpu.memory_space<vmem>> -> memref<32x192xf32, #tpu.memory_space<vmem>>
      %dma_start3A_495 = arith.constant 0 : i32
      %dma_start3A_496 = tpu.memref_slice %arg8[%multiple_of3A_489, %dma_start3A_495] : memref<50176x192xf32, #tpu.memory_space<hbm>> -> memref<32x192xf32, #tpu.memory_space<hbm>>
      %dma_start3A_497 = arith.constant 0 : i32
      %dma_start3A_498 = tpu.memref_slice %arg8[%multiple_of3A_489, %dma_start3A_497] : memref<50176x192xf32, #tpu.memory_space<hbm>> -> memref<32x192xf32, #tpu.memory_space<hbm>>
      %dma_start3A_499 = arith.constant 0 : i32
      %dma_start3A_500 = arith.constant 0 : i32
      %dma_start3A_501 = tpu.memref_slice %arg16[%dma_start3A_490, %dma_start3A_499, %dma_start3A_500] : memref<2x32x192xf32, #tpu.memory_space<vmem>> -> memref<1x32x192xf32, #tpu.memory_space<vmem>>
      %dma_start3A_502 = tpu.memref_squeeze %dma_start3A_501 : memref<1x32x192xf32, #tpu.memory_space<vmem>> -> memref<32x192xf32, #tpu.memory_space<vmem>>
      tpu.enqueue_dma source(%dma_start3A_502 : memref<32x192xf32, #tpu.memory_space<vmem>>) target(%dma_start3A_498 : memref<32x192xf32, #tpu.memory_space<hbm>>) target_semaphore(%arg20 : memref<!tpu.dma_semaphore, #tpu.memory_space<semaphore_mem>>)
      %dma_start3A_503 = arith.constant 0 : i32
      %dma_start3A_504 = arith.constant 0 : i32
      %dma_start3A_505 = arith.constant 0 : i32
      %dma_start3A_506 = tpu.memref_slice %arg17[%dma_start3A_503, %dma_start3A_504, %dma_start3A_505] : memref<2x32x192xf32, #tpu.memory_space<vmem>> -> memref<1x32x192xf32, #tpu.memory_space<vmem>>
      %dma_start3A_507 = tpu.memref_squeeze %dma_start3A_506 : memref<1x32x192xf32, #tpu.memory_space<vmem>> -> memref<32x192xf32, #tpu.memory_space<vmem>>
      %dma_start3A_508 = arith.constant 0 : i32
      %dma_start3A_509 = tpu.memref_slice %arg9[%multiple_of3A_489, %dma_start3A_508] : memref<50176x192xf32, #tpu.memory_space<hbm>> -> memref<32x192xf32, #tpu.memory_space<hbm>>
      %dma_start3A_510 = arith.constant 0 : i32
      %dma_start3A_511 = tpu.memref_slice %arg9[%multiple_of3A_489, %dma_start3A_510] : memref<50176x192xf32, #tpu.memory_space<hbm>> -> memref<32x192xf32, #tpu.memory_space<hbm>>
      %dma_start3A_512 = arith.constant 0 : i32
      %dma_start3A_513 = arith.constant 0 : i32
      %dma_start3A_514 = tpu.memref_slice %arg17[%dma_start3A_503, %dma_start3A_512, %dma_start3A_513] : memref<2x32x192xf32, #tpu.memory_space<vmem>> -> memref<1x32x192xf32, #tpu.memory_space<vmem>>
      %dma_start3A_515 = tpu.memref_squeeze %dma_start3A_514 : memref<1x32x192xf32, #tpu.memory_space<vmem>> -> memref<32x192xf32, #tpu.memory_space<vmem>>
      tpu.enqueue_dma source(%dma_start3A_515 : memref<32x192xf32, #tpu.memory_space<vmem>>) target(%dma_start3A_511 : memref<32x192xf32, #tpu.memory_space<hbm>>) target_semaphore(%arg20 : memref<!tpu.dma_semaphore, #tpu.memory_space<semaphore_mem>>)
      %mul3A_516 = arith.constant 2 : i32
      %mul3A_517 = arith.muli %scan3A_379, %mul3A_516 : i32
      %add3A_518 = arith.constant 1 : i32
      %add3A_519 = arith.addi %mul3A_517, %add3A_518 : i32
      %dma_wait3A_520 = arith.constant 1 : i32
      %dma_wait3A_521 = arith.constant 0 : i32
      %dma_wait3A_522 = arith.constant 0 : i32
      %dma_wait3A_523 = tpu.memref_slice %arg10[%dma_wait3A_520, %dma_wait3A_521, %dma_wait3A_522] : memref<2x32x192xf32, #tpu.memory_space<vmem>> -> memref<1x32x192xf32, #tpu.memory_space<vmem>>
      %dma_wait3A_524 = tpu.memref_squeeze %dma_wait3A_523 : memref<1x32x192xf32, #tpu.memory_space<vmem>> -> memref<32x192xf32, #tpu.memory_space<vmem>>
      %dma_wait3A_525 = arith.constant 0 : i32
      %dma_wait3A_526 = arith.constant 0 : i32
      %dma_wait3A_527 = tpu.memref_slice %arg2[%dma_wait3A_525, %dma_wait3A_526] : memref<50176x192xf32, #tpu.memory_space<hbm>> -> memref<32x192xf32, #tpu.memory_space<hbm>>
      %dma_wait3A_528 = arith.constant 0 : i32
      %dma_wait3A_529 = arith.constant 0 : i32
      %dma_wait3A_530 = tpu.memref_slice %arg10[%dma_wait3A_520, %dma_wait3A_528, %dma_wait3A_529] : memref<2x32x192xf32, #tpu.memory_space<vmem>> -> memref<1x32x192xf32, #tpu.memory_space<vmem>>
      %dma_wait3A_531 = tpu.memref_squeeze %dma_wait3A_530 : memref<1x32x192xf32, #tpu.memory_space<vmem>> -> memref<32x192xf32, #tpu.memory_space<vmem>>
      %dma_wait3A_532 = arith.constant 0 : i32
      %dma_wait3A_533 = arith.constant 0 : i32
      %dma_wait3A_534 = tpu.memref_slice %arg2[%dma_wait3A_532, %dma_wait3A_533] : memref<50176x192xf32, #tpu.memory_space<hbm>> -> memref<32x192xf32, #tpu.memory_space<hbm>>
      tpu.wait_dma2 semaphore(%arg19 : memref<!tpu.dma_semaphore, #tpu.memory_space<semaphore_mem>>) src(%dma_wait3A_534 : memref<32x192xf32, #tpu.memory_space<hbm>>) dst(%dma_wait3A_531 : memref<32x192xf32, #tpu.memory_space<vmem>>)
      %dma_wait3A_535 = arith.constant 1 : i32
      %dma_wait3A_536 = arith.constant 0 : i32
      %dma_wait3A_537 = arith.constant 0 : i32
      %dma_wait3A_538 = tpu.memref_slice %arg11[%dma_wait3A_535, %dma_wait3A_536, %dma_wait3A_537] : memref<2x32x192xf32, #tpu.memory_space<vmem>> -> memref<1x32x192xf32, #tpu.memory_space<vmem>>
      %dma_wait3A_539 = tpu.memref_squeeze %dma_wait3A_538 : memref<1x32x192xf32, #tpu.memory_space<vmem>> -> memref<32x192xf32, #tpu.memory_space<vmem>>
      %dma_wait3A_540 = arith.constant 0 : i32
      %dma_wait3A_541 = arith.constant 0 : i32
      %dma_wait3A_542 = tpu.memref_slice %arg3[%dma_wait3A_540, %dma_wait3A_541] : memref<50176x192xf32, #tpu.memory_space<hbm>> -> memref<32x192xf32, #tpu.memory_space<hbm>>
      %dma_wait3A_543 = arith.constant 0 : i32
      %dma_wait3A_544 = arith.constant 0 : i32
      %dma_wait3A_545 = tpu.memref_slice %arg11[%dma_wait3A_535, %dma_wait3A_543, %dma_wait3A_544] : memref<2x32x192xf32, #tpu.memory_space<vmem>> -> memref<1x32x192xf32, #tpu.memory_space<vmem>>
      %dma_wait3A_546 = tpu.memref_squeeze %dma_wait3A_545 : memref<1x32x192xf32, #tpu.memory_space<vmem>> -> memref<32x192xf32, #tpu.memory_space<vmem>>
      %dma_wait3A_547 = arith.constant 0 : i32
      %dma_wait3A_548 = arith.constant 0 : i32
      %dma_wait3A_549 = tpu.memref_slice %arg3[%dma_wait3A_547, %dma_wait3A_548] : memref<50176x192xf32, #tpu.memory_space<hbm>> -> memref<32x192xf32, #tpu.memory_space<hbm>>
      tpu.wait_dma2 semaphore(%arg19 : memref<!tpu.dma_semaphore, #tpu.memory_space<semaphore_mem>>) src(%dma_wait3A_549 : memref<32x192xf32, #tpu.memory_space<hbm>>) dst(%dma_wait3A_546 : memref<32x192xf32, #tpu.memory_space<vmem>>)
      %dma_wait3A_550 = arith.constant 1 : i32
      %dma_wait3A_551 = arith.constant 0 : i32
      %dma_wait3A_552 = arith.constant 0 : i32
      %dma_wait3A_553 = tpu.memref_slice %arg12[%dma_wait3A_550, %dma_wait3A_551, %dma_wait3A_552] : memref<2x32x192xf32, #tpu.memory_space<vmem>> -> memref<1x32x192xf32, #tpu.memory_space<vmem>>
      %dma_wait3A_554 = tpu.memref_squeeze %dma_wait3A_553 : memref<1x32x192xf32, #tpu.memory_space<vmem>> -> memref<32x192xf32, #tpu.memory_space<vmem>>
      %dma_wait3A_555 = arith.constant 0 : i32
      %dma_wait3A_556 = arith.constant 0 : i32
      %dma_wait3A_557 = tpu.memref_slice %arg4[%dma_wait3A_555, %dma_wait3A_556] : memref<50176x192xf32, #tpu.memory_space<hbm>> -> memref<32x192xf32, #tpu.memory_space<hbm>>
      %dma_wait3A_558 = arith.constant 0 : i32
      %dma_wait3A_559 = arith.constant 0 : i32
      %dma_wait3A_560 = tpu.memref_slice %arg12[%dma_wait3A_550, %dma_wait3A_558, %dma_wait3A_559] : memref<2x32x192xf32, #tpu.memory_space<vmem>> -> memref<1x32x192xf32, #tpu.memory_space<vmem>>
      %dma_wait3A_561 = tpu.memref_squeeze %dma_wait3A_560 : memref<1x32x192xf32, #tpu.memory_space<vmem>> -> memref<32x192xf32, #tpu.memory_space<vmem>>
      %dma_wait3A_562 = arith.constant 0 : i32
      %dma_wait3A_563 = arith.constant 0 : i32
      %dma_wait3A_564 = tpu.memref_slice %arg4[%dma_wait3A_562, %dma_wait3A_563] : memref<50176x192xf32, #tpu.memory_space<hbm>> -> memref<32x192xf32, #tpu.memory_space<hbm>>
      tpu.wait_dma2 semaphore(%arg19 : memref<!tpu.dma_semaphore, #tpu.memory_space<semaphore_mem>>) src(%dma_wait3A_564 : memref<32x192xf32, #tpu.memory_space<hbm>>) dst(%dma_wait3A_561 : memref<32x192xf32, #tpu.memory_space<vmem>>)
      %dma_wait3A_565 = arith.constant 1 : i32
      %dma_wait3A_566 = arith.constant 0 : i32
      %dma_wait3A_567 = arith.constant 0 : i32
      %dma_wait3A_568 = tpu.memref_slice %arg13[%dma_wait3A_565, %dma_wait3A_566, %dma_wait3A_567] : memref<2x32x192xf32, #tpu.memory_space<vmem>> -> memref<1x32x192xf32, #tpu.memory_space<vmem>>
      %dma_wait3A_569 = tpu.memref_squeeze %dma_wait3A_568 : memref<1x32x192xf32, #tpu.memory_space<vmem>> -> memref<32x192xf32, #tpu.memory_space<vmem>>
      %dma_wait3A_570 = arith.constant 0 : i32
      %dma_wait3A_571 = arith.constant 0 : i32
      %dma_wait3A_572 = tpu.memref_slice %arg5[%dma_wait3A_570, %dma_wait3A_571] : memref<50176x192xf32, #tpu.memory_space<hbm>> -> memref<32x192xf32, #tpu.memory_space<hbm>>
      %dma_wait3A_573 = arith.constant 0 : i32
      %dma_wait3A_574 = arith.constant 0 : i32
      %dma_wait3A_575 = tpu.memref_slice %arg13[%dma_wait3A_565, %dma_wait3A_573, %dma_wait3A_574] : memref<2x32x192xf32, #tpu.memory_space<vmem>> -> memref<1x32x192xf32, #tpu.memory_space<vmem>>
      %dma_wait3A_576 = tpu.memref_squeeze %dma_wait3A_575 : memref<1x32x192xf32, #tpu.memory_space<vmem>> -> memref<32x192xf32, #tpu.memory_space<vmem>>
      %dma_wait3A_577 = arith.constant 0 : i32
      %dma_wait3A_578 = arith.constant 0 : i32
      %dma_wait3A_579 = tpu.memref_slice %arg5[%dma_wait3A_577, %dma_wait3A_578] : memref<50176x192xf32, #tpu.memory_space<hbm>> -> memref<32x192xf32, #tpu.memory_space<hbm>>
      tpu.wait_dma2 semaphore(%arg19 : memref<!tpu.dma_semaphore, #tpu.memory_space<semaphore_mem>>) src(%dma_wait3A_579 : memref<32x192xf32, #tpu.memory_space<hbm>>) dst(%dma_wait3A_576 : memref<32x192xf32, #tpu.memory_space<vmem>>)
      %dma_wait3A_580 = arith.constant 1 : i32
      %dma_wait3A_581 = arith.constant 0 : i32
      %dma_wait3A_582 = arith.constant 0 : i32
      %dma_wait3A_583 = tpu.memref_slice %arg14[%dma_wait3A_580, %dma_wait3A_581, %dma_wait3A_582] : memref<2x32x192xf32, #tpu.memory_space<vmem>> -> memref<1x32x192xf32, #tpu.memory_space<vmem>>
      %dma_wait3A_584 = tpu.memref_squeeze %dma_wait3A_583 : memref<1x32x192xf32, #tpu.memory_space<vmem>> -> memref<32x192xf32, #tpu.memory_space<vmem>>
      %dma_wait3A_585 = arith.constant 0 : i32
      %dma_wait3A_586 = arith.constant 0 : i32
      %dma_wait3A_587 = tpu.memref_slice %arg6[%dma_wait3A_585, %dma_wait3A_586] : memref<50176x192xf32, #tpu.memory_space<hbm>> -> memref<32x192xf32, #tpu.memory_space<hbm>>
      %dma_wait3A_588 = arith.constant 0 : i32
      %dma_wait3A_589 = arith.constant 0 : i32
      %dma_wait3A_590 = tpu.memref_slice %arg14[%dma_wait3A_580, %dma_wait3A_588, %dma_wait3A_589] : memref<2x32x192xf32, #tpu.memory_space<vmem>> -> memref<1x32x192xf32, #tpu.memory_space<vmem>>
      %dma_wait3A_591 = tpu.memref_squeeze %dma_wait3A_590 : memref<1x32x192xf32, #tpu.memory_space<vmem>> -> memref<32x192xf32, #tpu.memory_space<vmem>>
      %dma_wait3A_592 = arith.constant 0 : i32
      %dma_wait3A_593 = arith.constant 0 : i32
      %dma_wait3A_594 = tpu.memref_slice %arg6[%dma_wait3A_592, %dma_wait3A_593] : memref<50176x192xf32, #tpu.memory_space<hbm>> -> memref<32x192xf32, #tpu.memory_space<hbm>>
      tpu.wait_dma2 semaphore(%arg19 : memref<!tpu.dma_semaphore, #tpu.memory_space<semaphore_mem>>) src(%dma_wait3A_594 : memref<32x192xf32, #tpu.memory_space<hbm>>) dst(%dma_wait3A_591 : memref<32x192xf32, #tpu.memory_space<vmem>>)
      %dma_wait3A_595 = arith.constant 1 : i32
      %dma_wait3A_596 = arith.constant 0 : i32
      %dma_wait3A_597 = arith.constant 0 : i32
      %dma_wait3A_598 = tpu.memref_slice %arg15[%dma_wait3A_595, %dma_wait3A_596, %dma_wait3A_597] : memref<2x32x192xf32, #tpu.memory_space<vmem>> -> memref<1x32x192xf32, #tpu.memory_space<vmem>>
      %dma_wait3A_599 = tpu.memref_squeeze %dma_wait3A_598 : memref<1x32x192xf32, #tpu.memory_space<vmem>> -> memref<32x192xf32, #tpu.memory_space<vmem>>
      %dma_wait3A_600 = arith.constant 0 : i32
      %dma_wait3A_601 = arith.constant 0 : i32
      %dma_wait3A_602 = tpu.memref_slice %arg7[%dma_wait3A_600, %dma_wait3A_601] : memref<50176x192xf32, #tpu.memory_space<hbm>> -> memref<32x192xf32, #tpu.memory_space<hbm>>
      %dma_wait3A_603 = arith.constant 0 : i32
      %dma_wait3A_604 = arith.constant 0 : i32
      %dma_wait3A_605 = tpu.memref_slice %arg15[%dma_wait3A_595, %dma_wait3A_603, %dma_wait3A_604] : memref<2x32x192xf32, #tpu.memory_space<vmem>> -> memref<1x32x192xf32, #tpu.memory_space<vmem>>
      %dma_wait3A_606 = tpu.memref_squeeze %dma_wait3A_605 : memref<1x32x192xf32, #tpu.memory_space<vmem>> -> memref<32x192xf32, #tpu.memory_space<vmem>>
      %dma_wait3A_607 = arith.constant 0 : i32
      %dma_wait3A_608 = arith.constant 0 : i32
      %dma_wait3A_609 = tpu.memref_slice %arg7[%dma_wait3A_607, %dma_wait3A_608] : memref<50176x192xf32, #tpu.memory_space<hbm>> -> memref<32x192xf32, #tpu.memory_space<hbm>>
      tpu.wait_dma2 semaphore(%arg19 : memref<!tpu.dma_semaphore, #tpu.memory_space<semaphore_mem>>) src(%dma_wait3A_609 : memref<32x192xf32, #tpu.memory_space<hbm>>) dst(%dma_wait3A_606 : memref<32x192xf32, #tpu.memory_space<vmem>>)
      %ge3A_610 = arith.constant 2 : i32
      %ge3A_611 = arith.cmpi sge, %add3A_519, %ge3A_610 : i32
      %convert_element_type3A_612 = arith.extui %ge3A_611 : i1 to i32
      %cond3A_613 = arith.constant 0 : i32
      %cond3A_614 = arith.cmpi ne, %convert_element_type3A_612, %cond3A_613 : i32
      scf.if %cond3A_614 {
        %dma_wait3A_656 = arith.constant 1 : i32
        %dma_wait3A_657 = arith.constant 0 : i32
        %dma_wait3A_658 = arith.constant 0 : i32
        %dma_wait3A_659 = tpu.memref_slice %arg16[%dma_wait3A_656, %dma_wait3A_657, %dma_wait3A_658] : memref<2x32x192xf32, #tpu.memory_space<vmem>> -> memref<1x32x192xf32, #tpu.memory_space<vmem>>
        %dma_wait3A_660 = tpu.memref_squeeze %dma_wait3A_659 : memref<1x32x192xf32, #tpu.memory_space<vmem>> -> memref<32x192xf32, #tpu.memory_space<vmem>>
        %dma_wait3A_661 = arith.constant 0 : i32
        %dma_wait3A_662 = arith.constant 0 : i32
        %dma_wait3A_663 = tpu.memref_slice %arg8[%dma_wait3A_661, %dma_wait3A_662] : memref<50176x192xf32, #tpu.memory_space<hbm>> -> memref<32x192xf32, #tpu.memory_space<hbm>>
        %dma_wait3A_664 = arith.constant 0 : i32
        %dma_wait3A_665 = arith.constant 0 : i32
        %dma_wait3A_666 = tpu.memref_slice %arg8[%dma_wait3A_664, %dma_wait3A_665] : memref<50176x192xf32, #tpu.memory_space<hbm>> -> memref<32x192xf32, #tpu.memory_space<hbm>>
        %dma_wait3A_667 = arith.constant 0 : i32
        %dma_wait3A_668 = arith.constant 0 : i32
        %dma_wait3A_669 = tpu.memref_slice %arg16[%dma_wait3A_656, %dma_wait3A_667, %dma_wait3A_668] : memref<2x32x192xf32, #tpu.memory_space<vmem>> -> memref<1x32x192xf32, #tpu.memory_space<vmem>>
        %dma_wait3A_670 = tpu.memref_squeeze %dma_wait3A_669 : memref<1x32x192xf32, #tpu.memory_space<vmem>> -> memref<32x192xf32, #tpu.memory_space<vmem>>
        tpu.wait_dma2 semaphore(%arg21 : memref<!tpu.dma_semaphore, #tpu.memory_space<semaphore_mem>>) src(%dma_wait3A_670 : memref<32x192xf32, #tpu.memory_space<vmem>>) dst(%dma_wait3A_666 : memref<32x192xf32, #tpu.memory_space<hbm>>)
        %dma_wait3A_671 = arith.constant 1 : i32
        %dma_wait3A_672 = arith.constant 0 : i32
        %dma_wait3A_673 = arith.constant 0 : i32
        %dma_wait3A_674 = tpu.memref_slice %arg17[%dma_wait3A_671, %dma_wait3A_672, %dma_wait3A_673] : memref<2x32x192xf32, #tpu.memory_space<vmem>> -> memref<1x32x192xf32, #tpu.memory_space<vmem>>
        %dma_wait3A_675 = tpu.memref_squeeze %dma_wait3A_674 : memref<1x32x192xf32, #tpu.memory_space<vmem>> -> memref<32x192xf32, #tpu.memory_space<vmem>>
        %dma_wait3A_676 = arith.constant 0 : i32
        %dma_wait3A_677 = arith.constant 0 : i32
        %dma_wait3A_678 = tpu.memref_slice %arg9[%dma_wait3A_676, %dma_wait3A_677] : memref<50176x192xf32, #tpu.memory_space<hbm>> -> memref<32x192xf32, #tpu.memory_space<hbm>>
        %dma_wait3A_679 = arith.constant 0 : i32
        %dma_wait3A_680 = arith.constant 0 : i32
        %dma_wait3A_681 = tpu.memref_slice %arg9[%dma_wait3A_679, %dma_wait3A_680] : memref<50176x192xf32, #tpu.memory_space<hbm>> -> memref<32x192xf32, #tpu.memory_space<hbm>>
        %dma_wait3A_682 = arith.constant 0 : i32
        %dma_wait3A_683 = arith.constant 0 : i32
        %dma_wait3A_684 = tpu.memref_slice %arg17[%dma_wait3A_671, %dma_wait3A_682, %dma_wait3A_683] : memref<2x32x192xf32, #tpu.memory_space<vmem>> -> memref<1x32x192xf32, #tpu.memory_space<vmem>>
        %dma_wait3A_685 = tpu.memref_squeeze %dma_wait3A_684 : memref<1x32x192xf32, #tpu.memory_space<vmem>> -> memref<32x192xf32, #tpu.memory_space<vmem>>
        tpu.wait_dma2 semaphore(%arg21 : memref<!tpu.dma_semaphore, #tpu.memory_space<semaphore_mem>>) src(%dma_wait3A_685 : memref<32x192xf32, #tpu.memory_space<vmem>>) dst(%dma_wait3A_681 : memref<32x192xf32, #tpu.memory_space<hbm>>)
      } else {
      }
      %parallel_loop3A_615 = arith.constant 0 : i32
      %parallel_loop3A_616 = arith.constant 384 : i32
      %parallel_loop3A_617 = arith.constant 1 : i32
      scf.for %parallel_loop3A_656 = %parallel_loop3A_615 to %parallel_loop3A_616 step %parallel_loop3A_617  : i32 {
        %parallel_loop3A_657 = arith.constant 12 : i32
        %parallel_loop3A_658 = arith.divsi %parallel_loop3A_656, %parallel_loop3A_657 : i32
        %parallel_loop3A_659 = arith.constant 0 : i32
        %parallel_loop3A_660 = arith.cmpi sgt, %parallel_loop3A_656, %parallel_loop3A_659 : i32
        %parallel_loop3A_661 = arith.extui %parallel_loop3A_660 : i1 to i32
        %parallel_loop3A_662 = arith.constant 0 : i32
        %parallel_loop3A_663 = arith.cmpi slt, %parallel_loop3A_656, %parallel_loop3A_662 : i32
        %parallel_loop3A_664 = arith.extui %parallel_loop3A_663 : i1 to i32
        %parallel_loop3A_665 = arith.subi %parallel_loop3A_661, %parallel_loop3A_664 : i32
        %parallel_loop3A_666 = arith.constant 0 : i32
        %parallel_loop3A_667 = arith.cmpi sgt, %parallel_loop3A_657, %parallel_loop3A_666 : i32
        %parallel_loop3A_668 = arith.extui %parallel_loop3A_667 : i1 to i32
        %parallel_loop3A_669 = arith.constant 0 : i32
        %parallel_loop3A_670 = arith.cmpi slt, %parallel_loop3A_657, %parallel_loop3A_669 : i32
        %parallel_loop3A_671 = arith.extui %parallel_loop3A_670 : i1 to i32
        %parallel_loop3A_672 = arith.subi %parallel_loop3A_668, %parallel_loop3A_671 : i32
        %parallel_loop3A_673 = arith.cmpi ne, %parallel_loop3A_665, %parallel_loop3A_672 : i32
        %parallel_loop3A_674 = arith.remsi %parallel_loop3A_656, %parallel_loop3A_657 : i32
        %parallel_loop3A_675 = arith.constant 0 : i32
        %parallel_loop3A_676 = arith.cmpi ne, %parallel_loop3A_674, %parallel_loop3A_675 : i32
        %parallel_loop3A_677 = arith.andi %parallel_loop3A_673, %parallel_loop3A_676 : i1
        %parallel_loop3A_678 = arith.constant 1 : i32
        %parallel_loop3A_679 = arith.subi %parallel_loop3A_658, %parallel_loop3A_678 : i32
        %parallel_loop3A_680 = arith.select %parallel_loop3A_677, %parallel_loop3A_679, %parallel_loop3A_658 : i32
        %parallel_loop3A_681 = arith.constant 12 : i32
        %parallel_loop3A_682 = arith.constant 0 : i32
        %parallel_loop3A_683 = arith.cmpi eq, %parallel_loop3A_681, %parallel_loop3A_682 : i32
        %parallel_loop3A_684 = arith.constant 1 : i32
        %parallel_loop3A_685 = arith.select %parallel_loop3A_683, %parallel_loop3A_684, %parallel_loop3A_681 : i32
        %parallel_loop3A_686 = arith.remsi %parallel_loop3A_656, %parallel_loop3A_685 : i32
        %parallel_loop3A_687 = arith.constant 0 : i32
        %parallel_loop3A_688 = arith.cmpi ne, %parallel_loop3A_686, %parallel_loop3A_687 : i32
        %parallel_loop3A_689 = arith.constant 0 : i32
        %parallel_loop3A_690 = arith.cmpi slt, %parallel_loop3A_686, %parallel_loop3A_689 : i32
        %parallel_loop3A_691 = arith.constant 0 : i32
        %parallel_loop3A_692 = arith.cmpi slt, %parallel_loop3A_685, %parallel_loop3A_691 : i32
        %parallel_loop3A_693 = arith.xori %parallel_loop3A_690, %parallel_loop3A_692 : i1
        %parallel_loop3A_694 = arith.andi %parallel_loop3A_693, %parallel_loop3A_688 : i1
        %parallel_loop3A_695 = arith.addi %parallel_loop3A_686, %parallel_loop3A_685 : i32
        %parallel_loop3A_696 = arith.select %parallel_loop3A_694, %parallel_loop3A_695, %parallel_loop3A_686 : i32
        %parallel_loop3A_697 = arith.constant 16 : i32
        %parallel_loop3A_698 = arith.muli %parallel_loop3A_696, %parallel_loop3A_697 : i32
        %parallel_loop3A_699 = arith.constant 1 : i32
        %parallel_loop3A_700 = arith.index_cast %parallel_loop3A_699 : i32 to index
        %parallel_loop3A_701 = arith.index_cast %parallel_loop3A_680 : i32 to index
        %parallel_loop3A_702 = arith.index_cast %parallel_loop3A_698 : i32 to index
        %parallel_loop3A_703 = tpu.vector_load %arg10[%parallel_loop3A_700, %parallel_loop3A_701, %parallel_loop3A_702] {strides = array<i32>} : memref<2x32x192xf32, #tpu.memory_space<vmem>>, vector<1x1x16xf32>,
        %parallel_loop3A_704 = vector.shape_cast %parallel_loop3A_703 : vector<1x1x16xf32> to vector<16xf32>
        %parallel_loop3A_705 = arith.constant 1 : i32
        %parallel_loop3A_706 = arith.index_cast %parallel_loop3A_705 : i32 to index
        %parallel_loop3A_707 = arith.index_cast %parallel_loop3A_680 : i32 to index
        %parallel_loop3A_708 = arith.index_cast %parallel_loop3A_698 : i32 to index
        %parallel_loop3A_709 = tpu.vector_load %arg13[%parallel_loop3A_706, %parallel_loop3A_707, %parallel_loop3A_708] {strides = array<i32>} : memref<2x32x192xf32, #tpu.memory_space<vmem>>, vector<1x1x16xf32>,
        %parallel_loop3A_710 = vector.shape_cast %parallel_loop3A_709 : vector<1x1x16xf32> to vector<16xf32>
        %parallel_loop3A_711 = arith.constant 1 : i32
        %parallel_loop3A_712 = arith.index_cast %parallel_loop3A_711 : i32 to index
        %parallel_loop3A_713 = arith.index_cast %parallel_loop3A_680 : i32 to index
        %parallel_loop3A_714 = arith.index_cast %parallel_loop3A_698 : i32 to index
        %parallel_loop3A_715 = tpu.vector_load %arg11[%parallel_loop3A_712, %parallel_loop3A_713, %parallel_loop3A_714] {strides = array<i32>} : memref<2x32x192xf32, #tpu.memory_space<vmem>>, vector<1x1x16xf32>,
        %parallel_loop3A_716 = vector.shape_cast %parallel_loop3A_715 : vector<1x1x16xf32> to vector<16xf32>
        %parallel_loop3A_717 = arith.constant 1 : i32
        %parallel_loop3A_718 = arith.index_cast %parallel_loop3A_717 : i32 to index
        %parallel_loop3A_719 = arith.index_cast %parallel_loop3A_680 : i32 to index
        %parallel_loop3A_720 = arith.index_cast %parallel_loop3A_698 : i32 to index
        %parallel_loop3A_721 = tpu.vector_load %arg14[%parallel_loop3A_718, %parallel_loop3A_719, %parallel_loop3A_720] {strides = array<i32>} : memref<2x32x192xf32, #tpu.memory_space<vmem>>, vector<1x1x16xf32>,
        %parallel_loop3A_722 = vector.shape_cast %parallel_loop3A_721 : vector<1x1x16xf32> to vector<16xf32>
        %parallel_loop3A_723 = arith.constant 1 : i32
        %parallel_loop3A_724 = arith.index_cast %parallel_loop3A_723 : i32 to index
        %parallel_loop3A_725 = arith.index_cast %parallel_loop3A_680 : i32 to index
        %parallel_loop3A_726 = arith.index_cast %parallel_loop3A_698 : i32 to index
        %parallel_loop3A_727 = tpu.vector_load %arg12[%parallel_loop3A_724, %parallel_loop3A_725, %parallel_loop3A_726] {strides = array<i32>} : memref<2x32x192xf32, #tpu.memory_space<vmem>>, vector<1x1x16xf32>,
        %parallel_loop3A_728 = vector.shape_cast %parallel_loop3A_727 : vector<1x1x16xf32> to vector<16xf32>
        %parallel_loop3A_729 = arith.constant 1 : i32
        %parallel_loop3A_730 = arith.index_cast %parallel_loop3A_729 : i32 to index
        %parallel_loop3A_731 = arith.index_cast %parallel_loop3A_680 : i32 to index
        %parallel_loop3A_732 = arith.index_cast %parallel_loop3A_698 : i32 to index
        %parallel_loop3A_733 = tpu.vector_load %arg15[%parallel_loop3A_730, %parallel_loop3A_731, %parallel_loop3A_732] {strides = array<i32>} : memref<2x32x192xf32, #tpu.memory_space<vmem>>, vector<1x1x16xf32>,
        %parallel_loop3A_734 = vector.shape_cast %parallel_loop3A_733 : vector<1x1x16xf32> to vector<16xf32>
        %parallel_loop3A_735 = arith.mulf %parallel_loop3A_704, %parallel_loop3A_704 : vector<16xf32>
        %parallel_loop3A_736 = arith.mulf %parallel_loop3A_710, %parallel_loop3A_710 : vector<16xf32>
        %parallel_loop3A_737 = arith.addf %parallel_loop3A_735, %parallel_loop3A_736 : vector<16xf32>
        %parallel_loop3A_738 = arith.mulf %parallel_loop3A_716, %parallel_loop3A_716 : vector<16xf32>
        %parallel_loop3A_739 = arith.mulf %parallel_loop3A_722, %parallel_loop3A_722 : vector<16xf32>
        %parallel_loop3A_740 = arith.addf %parallel_loop3A_738, %parallel_loop3A_739 : vector<16xf32>
        %parallel_loop3A_741 = arith.mulf %parallel_loop3A_728, %parallel_loop3A_728 : vector<16xf32>
        %parallel_loop3A_742 = arith.mulf %parallel_loop3A_734, %parallel_loop3A_734 : vector<16xf32>
        %parallel_loop3A_743 = arith.addf %parallel_loop3A_741, %parallel_loop3A_742 : vector<16xf32>
        %parallel_loop3A_744 = arith.cmpf ogt, %parallel_loop3A_740, %parallel_loop3A_737 : vector<16xf32>
        %parallel_loop3A_745 = arith.select %parallel_loop3A_744, %parallel_loop3A_716, %parallel_loop3A_704 : vector<16xi1>, vector<16xf32>
        %parallel_loop3A_746 = arith.select %parallel_loop3A_744, %parallel_loop3A_722, %parallel_loop3A_710 : vector<16xi1>, vector<16xf32>
        %parallel_loop3A_747 = arith.maximumf %parallel_loop3A_737, %parallel_loop3A_740 : vector<16xf32>
        %parallel_loop3A_748 = arith.cmpf ogt, %parallel_loop3A_743, %parallel_loop3A_747 : vector<16xf32>
        %parallel_loop3A_749 = arith.select %parallel_loop3A_748, %parallel_loop3A_728, %parallel_loop3A_745 : vector<16xi1>, vector<16xf32>
        %parallel_loop3A_750 = arith.constant 1 : i32
        %parallel_loop3A_751 = arith.index_cast %parallel_loop3A_750 : i32 to index
        %parallel_loop3A_752 = arith.index_cast %parallel_loop3A_680 : i32 to index
        %parallel_loop3A_753 = arith.index_cast %parallel_loop3A_698 : i32 to index
        %parallel_loop3A_754 = tpu.vector_load %arg16[%parallel_loop3A_751, %parallel_loop3A_752, %parallel_loop3A_753] {strides = array<i32>} : memref<2x32x192xf32, #tpu.memory_space<vmem>>, vector<1x1x16xf32>,
        %parallel_loop3A_755 = vector.shape_cast %parallel_loop3A_754 : vector<1x1x16xf32> to vector<16xf32>
        %parallel_loop3A_756 = vector.shape_cast %parallel_loop3A_749 : vector<16xf32> to vector<1x1x16xf32>
        tpu.vector_store %arg16[%parallel_loop3A_751, %parallel_loop3A_752, %parallel_loop3A_753], %parallel_loop3A_756 {strides = array<i32>} : memref<2x32x192xf32, #tpu.memory_space<vmem>>, vector<1x1x16xf32>,
        %parallel_loop3A_757 = arith.select %parallel_loop3A_748, %parallel_loop3A_734, %parallel_loop3A_746 : vector<16xi1>, vector<16xf32>
        %parallel_loop3A_758 = arith.constant 1 : i32
        %parallel_loop3A_759 = arith.index_cast %parallel_loop3A_758 : i32 to index
        %parallel_loop3A_760 = arith.index_cast %parallel_loop3A_680 : i32 to index
        %parallel_loop3A_761 = arith.index_cast %parallel_loop3A_698 : i32 to index
        %parallel_loop3A_762 = tpu.vector_load %arg17[%parallel_loop3A_759, %parallel_loop3A_760, %parallel_loop3A_761] {strides = array<i32>} : memref<2x32x192xf32, #tpu.memory_space<vmem>>, vector<1x1x16xf32>,
        %parallel_loop3A_763 = vector.shape_cast %parallel_loop3A_762 : vector<1x1x16xf32> to vector<16xf32>
        %parallel_loop3A_764 = vector.shape_cast %parallel_loop3A_757 : vector<16xf32> to vector<1x1x16xf32>
        tpu.vector_store %arg17[%parallel_loop3A_759, %parallel_loop3A_760, %parallel_loop3A_761], %parallel_loop3A_764 {strides = array<i32>} : memref<2x32x192xf32, #tpu.memory_space<vmem>>, vector<1x1x16xf32>,
      } {sc.loop_unroll_factor = 4 : i64, sc.parallel_access}
      %add3A_618 = arith.constant 2 : i32
      %add3A_619 = arith.addi %add3A_519, %add3A_618 : i32
      %lt3A_620 = arith.constant 49 : i32
      %lt3A_621 = arith.cmpi slt, %add3A_619, %lt3A_620 : i32
      %convert_element_type3A_622 = arith.extui %lt3A_621 : i1 to i32
      %cond3A_623 = arith.constant 0 : i32
      %cond3A_624 = arith.cmpi ne, %convert_element_type3A_622, %cond3A_623 : i32
      scf.if %cond3A_624 {
        %add3A_656 = arith.constant 2 : i32
        %add3A_657 = arith.addi %add3A_519, %add3A_656 : i32
        %mul3A_658 = arith.constant 32 : i32
        %mul3A_659 = arith.muli %add3A_657, %mul3A_658 : i32
        %add3A_660 = arith.addi %mul3A_2, %mul3A_659 : i32
        %multiple_of3A_661 = tpu.assume_multiple %add3A_660, 32 : i32
        %dma_start3A_662 = arith.constant 1 : i32
        %dma_start3A_663 = arith.constant 0 : i32
        %dma_start3A_664 = arith.constant 0 : i32
        %dma_start3A_665 = tpu.memref_slice %arg10[%dma_start3A_662, %dma_start3A_663, %dma_start3A_664] : memref<2x32x192xf32, #tpu.memory_space<vmem>> -> memref<1x32x192xf32, #tpu.memory_space<vmem>>
        %dma_start3A_666 = tpu.memref_squeeze %dma_start3A_665 : memref<1x32x192xf32, #tpu.memory_space<vmem>> -> memref<32x192xf32, #tpu.memory_space<vmem>>
        %dma_start3A_667 = arith.constant 0 : i32
        %dma_start3A_668 = tpu.memref_slice %arg2[%multiple_of3A_661, %dma_start3A_667] : memref<50176x192xf32, #tpu.memory_space<hbm>> -> memref<32x192xf32, #tpu.memory_space<hbm>>
        %dma_start3A_669 = arith.constant 0 : i32
        %dma_start3A_670 = arith.constant 0 : i32
        %dma_start3A_671 = tpu.memref_slice %arg10[%dma_start3A_662, %dma_start3A_669, %dma_start3A_670] : memref<2x32x192xf32, #tpu.memory_space<vmem>> -> memref<1x32x192xf32, #tpu.memory_space<vmem>>
        %dma_start3A_672 = tpu.memref_squeeze %dma_start3A_671 : memref<1x32x192xf32, #tpu.memory_space<vmem>> -> memref<32x192xf32, #tpu.memory_space<vmem>>
        %dma_start3A_673 = arith.constant 0 : i32
        %dma_start3A_674 = tpu.memref_slice %arg2[%multiple_of3A_661, %dma_start3A_673] : memref<50176x192xf32, #tpu.memory_space<hbm>> -> memref<32x192xf32, #tpu.memory_space<hbm>>
        tpu.enqueue_dma source(%dma_start3A_674 : memref<32x192xf32, #tpu.memory_space<hbm>>) target(%dma_start3A_672 : memref<32x192xf32, #tpu.memory_space<vmem>>) target_semaphore(%arg19 : memref<!tpu.dma_semaphore, #tpu.memory_space<semaphore_mem>>)
        %dma_start3A_675 = arith.constant 1 : i32
        %dma_start3A_676 = arith.constant 0 : i32
        %dma_start3A_677 = arith.constant 0 : i32
        %dma_start3A_678 = tpu.memref_slice %arg11[%dma_start3A_675, %dma_start3A_676, %dma_start3A_677] : memref<2x32x192xf32, #tpu.memory_space<vmem>> -> memref<1x32x192xf32, #tpu.memory_space<vmem>>
        %dma_start3A_679 = tpu.memref_squeeze %dma_start3A_678 : memref<1x32x192xf32, #tpu.memory_space<vmem>> -> memref<32x192xf32, #tpu.memory_space<vmem>>
        %dma_start3A_680 = arith.constant 0 : i32
        %dma_start3A_681 = tpu.memref_slice %arg3[%multiple_of3A_661, %dma_start3A_680] : memref<50176x192xf32, #tpu.memory_space<hbm>> -> memref<32x192xf32, #tpu.memory_space<hbm>>
        %dma_start3A_682 = arith.constant 0 : i32
        %dma_start3A_683 = arith.constant 0 : i32
        %dma_start3A_684 = tpu.memref_slice %arg11[%dma_start3A_675, %dma_start3A_682, %dma_start3A_683] : memref<2x32x192xf32, #tpu.memory_space<vmem>> -> memref<1x32x192xf32, #tpu.memory_space<vmem>>
        %dma_start3A_685 = tpu.memref_squeeze %dma_start3A_684 : memref<1x32x192xf32, #tpu.memory_space<vmem>> -> memref<32x192xf32, #tpu.memory_space<vmem>>
        %dma_start3A_686 = arith.constant 0 : i32
        %dma_start3A_687 = tpu.memref_slice %arg3[%multiple_of3A_661, %dma_start3A_686] : memref<50176x192xf32, #tpu.memory_space<hbm>> -> memref<32x192xf32, #tpu.memory_space<hbm>>
        tpu.enqueue_dma source(%dma_start3A_687 : memref<32x192xf32, #tpu.memory_space<hbm>>) target(%dma_start3A_685 : memref<32x192xf32, #tpu.memory_space<vmem>>) target_semaphore(%arg19 : memref<!tpu.dma_semaphore, #tpu.memory_space<semaphore_mem>>)
        %dma_start3A_688 = arith.constant 1 : i32
        %dma_start3A_689 = arith.constant 0 : i32
        %dma_start3A_690 = arith.constant 0 : i32
        %dma_start3A_691 = tpu.memref_slice %arg12[%dma_start3A_688, %dma_start3A_689, %dma_start3A_690] : memref<2x32x192xf32, #tpu.memory_space<vmem>> -> memref<1x32x192xf32, #tpu.memory_space<vmem>>
        %dma_start3A_692 = tpu.memref_squeeze %dma_start3A_691 : memref<1x32x192xf32, #tpu.memory_space<vmem>> -> memref<32x192xf32, #tpu.memory_space<vmem>>
        %dma_start3A_693 = arith.constant 0 : i32
        %dma_start3A_694 = tpu.memref_slice %arg4[%multiple_of3A_661, %dma_start3A_693] : memref<50176x192xf32, #tpu.memory_space<hbm>> -> memref<32x192xf32, #tpu.memory_space<hbm>>
        %dma_start3A_695 = arith.constant 0 : i32
        %dma_start3A_696 = arith.constant 0 : i32
        %dma_start3A_697 = tpu.memref_slice %arg12[%dma_start3A_688, %dma_start3A_695, %dma_start3A_696] : memref<2x32x192xf32, #tpu.memory_space<vmem>> -> memref<1x32x192xf32, #tpu.memory_space<vmem>>
        %dma_start3A_698 = tpu.memref_squeeze %dma_start3A_697 : memref<1x32x192xf32, #tpu.memory_space<vmem>> -> memref<32x192xf32, #tpu.memory_space<vmem>>
        %dma_start3A_699 = arith.constant 0 : i32
        %dma_start3A_700 = tpu.memref_slice %arg4[%multiple_of3A_661, %dma_start3A_699] : memref<50176x192xf32, #tpu.memory_space<hbm>> -> memref<32x192xf32, #tpu.memory_space<hbm>>
        tpu.enqueue_dma source(%dma_start3A_700 : memref<32x192xf32, #tpu.memory_space<hbm>>) target(%dma_start3A_698 : memref<32x192xf32, #tpu.memory_space<vmem>>) target_semaphore(%arg19 : memref<!tpu.dma_semaphore, #tpu.memory_space<semaphore_mem>>)
        %dma_start3A_701 = arith.constant 1 : i32
        %dma_start3A_702 = arith.constant 0 : i32
        %dma_start3A_703 = arith.constant 0 : i32
        %dma_start3A_704 = tpu.memref_slice %arg13[%dma_start3A_701, %dma_start3A_702, %dma_start3A_703] : memref<2x32x192xf32, #tpu.memory_space<vmem>> -> memref<1x32x192xf32, #tpu.memory_space<vmem>>
        %dma_start3A_705 = tpu.memref_squeeze %dma_start3A_704 : memref<1x32x192xf32, #tpu.memory_space<vmem>> -> memref<32x192xf32, #tpu.memory_space<vmem>>
        %dma_start3A_706 = arith.constant 0 : i32
        %dma_start3A_707 = tpu.memref_slice %arg5[%multiple_of3A_661, %dma_start3A_706] : memref<50176x192xf32, #tpu.memory_space<hbm>> -> memref<32x192xf32, #tpu.memory_space<hbm>>
        %dma_start3A_708 = arith.constant 0 : i32
        %dma_start3A_709 = arith.constant 0 : i32
        %dma_start3A_710 = tpu.memref_slice %arg13[%dma_start3A_701, %dma_start3A_708, %dma_start3A_709] : memref<2x32x192xf32, #tpu.memory_space<vmem>> -> memref<1x32x192xf32, #tpu.memory_space<vmem>>
        %dma_start3A_711 = tpu.memref_squeeze %dma_start3A_710 : memref<1x32x192xf32, #tpu.memory_space<vmem>> -> memref<32x192xf32, #tpu.memory_space<vmem>>
        %dma_start3A_712 = arith.constant 0 : i32
        %dma_start3A_713 = tpu.memref_slice %arg5[%multiple_of3A_661, %dma_start3A_712] : memref<50176x192xf32, #tpu.memory_space<hbm>> -> memref<32x192xf32, #tpu.memory_space<hbm>>
        tpu.enqueue_dma source(%dma_start3A_713 : memref<32x192xf32, #tpu.memory_space<hbm>>) target(%dma_start3A_711 : memref<32x192xf32, #tpu.memory_space<vmem>>) target_semaphore(%arg19 : memref<!tpu.dma_semaphore, #tpu.memory_space<semaphore_mem>>)
        %dma_start3A_714 = arith.constant 1 : i32
        %dma_start3A_715 = arith.constant 0 : i32
        %dma_start3A_716 = arith.constant 0 : i32
        %dma_start3A_717 = tpu.memref_slice %arg14[%dma_start3A_714, %dma_start3A_715, %dma_start3A_716] : memref<2x32x192xf32, #tpu.memory_space<vmem>> -> memref<1x32x192xf32, #tpu.memory_space<vmem>>
        %dma_start3A_718 = tpu.memref_squeeze %dma_start3A_717 : memref<1x32x192xf32, #tpu.memory_space<vmem>> -> memref<32x192xf32, #tpu.memory_space<vmem>>
        %dma_start3A_719 = arith.constant 0 : i32
        %dma_start3A_720 = tpu.memref_slice %arg6[%multiple_of3A_661, %dma_start3A_719] : memref<50176x192xf32, #tpu.memory_space<hbm>> -> memref<32x192xf32, #tpu.memory_space<hbm>>
        %dma_start3A_721 = arith.constant 0 : i32
        %dma_start3A_722 = arith.constant 0 : i32
        %dma_start3A_723 = tpu.memref_slice %arg14[%dma_start3A_714, %dma_start3A_721, %dma_start3A_722] : memref<2x32x192xf32, #tpu.memory_space<vmem>> -> memref<1x32x192xf32, #tpu.memory_space<vmem>>
        %dma_start3A_724 = tpu.memref_squeeze %dma_start3A_723 : memref<1x32x192xf32, #tpu.memory_space<vmem>> -> memref<32x192xf32, #tpu.memory_space<vmem>>
        %dma_start3A_725 = arith.constant 0 : i32
        %dma_start3A_726 = tpu.memref_slice %arg6[%multiple_of3A_661, %dma_start3A_725] : memref<50176x192xf32, #tpu.memory_space<hbm>> -> memref<32x192xf32, #tpu.memory_space<hbm>>
        tpu.enqueue_dma source(%dma_start3A_726 : memref<32x192xf32, #tpu.memory_space<hbm>>) target(%dma_start3A_724 : memref<32x192xf32, #tpu.memory_space<vmem>>) target_semaphore(%arg19 : memref<!tpu.dma_semaphore, #tpu.memory_space<semaphore_mem>>)
        %dma_start3A_727 = arith.constant 1 : i32
        %dma_start3A_728 = arith.constant 0 : i32
        %dma_start3A_729 = arith.constant 0 : i32
        %dma_start3A_730 = tpu.memref_slice %arg15[%dma_start3A_727, %dma_start3A_728, %dma_start3A_729] : memref<2x32x192xf32, #tpu.memory_space<vmem>> -> memref<1x32x192xf32, #tpu.memory_space<vmem>>
        %dma_start3A_731 = tpu.memref_squeeze %dma_start3A_730 : memref<1x32x192xf32, #tpu.memory_space<vmem>> -> memref<32x192xf32, #tpu.memory_space<vmem>>
        %dma_start3A_732 = arith.constant 0 : i32
        %dma_start3A_733 = tpu.memref_slice %arg7[%multiple_of3A_661, %dma_start3A_732] : memref<50176x192xf32, #tpu.memory_space<hbm>> -> memref<32x192xf32, #tpu.memory_space<hbm>>
        %dma_start3A_734 = arith.constant 0 : i32
        %dma_start3A_735 = arith.constant 0 : i32
        %dma_start3A_736 = tpu.memref_slice %arg15[%dma_start3A_727, %dma_start3A_734, %dma_start3A_735] : memref<2x32x192xf32, #tpu.memory_space<vmem>> -> memref<1x32x192xf32, #tpu.memory_space<vmem>>
        %dma_start3A_737 = tpu.memref_squeeze %dma_start3A_736 : memref<1x32x192xf32, #tpu.memory_space<vmem>> -> memref<32x192xf32, #tpu.memory_space<vmem>>
        %dma_start3A_738 = arith.constant 0 : i32
        %dma_start3A_739 = tpu.memref_slice %arg7[%multiple_of3A_661, %dma_start3A_738] : memref<50176x192xf32, #tpu.memory_space<hbm>> -> memref<32x192xf32, #tpu.memory_space<hbm>>
        tpu.enqueue_dma source(%dma_start3A_739 : memref<32x192xf32, #tpu.memory_space<hbm>>) target(%dma_start3A_737 : memref<32x192xf32, #tpu.memory_space<vmem>>) target_semaphore(%arg19 : memref<!tpu.dma_semaphore, #tpu.memory_space<semaphore_mem>>)
      } else {
      }
      %mul3A_625 = arith.constant 32 : i32
      %mul3A_626 = arith.muli %add3A_519, %mul3A_625 : i32
      %add3A_627 = arith.addi %mul3A_2, %mul3A_626 : i32
      %multiple_of3A_628 = tpu.assume_multiple %add3A_627, 32 : i32
      %dma_start3A_629 = arith.constant 1 : i32
      %dma_start3A_630 = arith.constant 0 : i32
      %dma_start3A_631 = arith.constant 0 : i32
      %dma_start3A_632 = tpu.memref_slice %arg16[%dma_start3A_629, %dma_start3A_630, %dma_start3A_631] : memref<2x32x192xf32, #tpu.memory_space<vmem>> -> memref<1x32x192xf32, #tpu.memory_space<vmem>>
      %dma_start3A_633 = tpu.memref_squeeze %dma_start3A_632 : memref<1x32x192xf32, #tpu.memory_space<vmem>> -> memref<32x192xf32, #tpu.memory_space<vmem>>
      %dma_start3A_634 = arith.constant 0 : i32
      %dma_start3A_635 = tpu.memref_slice %arg8[%multiple_of3A_628, %dma_start3A_634] : memref<50176x192xf32, #tpu.memory_space<hbm>> -> memref<32x192xf32, #tpu.memory_space<hbm>>
      %dma_start3A_636 = arith.constant 0 : i32
      %dma_start3A_637 = tpu.memref_slice %arg8[%multiple_of3A_628, %dma_start3A_636] : memref<50176x192xf32, #tpu.memory_space<hbm>> -> memref<32x192xf32, #tpu.memory_space<hbm>>
      %dma_start3A_638 = arith.constant 0 : i32
      %dma_start3A_639 = arith.constant 0 : i32
      %dma_start3A_640 = tpu.memref_slice %arg16[%dma_start3A_629, %dma_start3A_638, %dma_start3A_639] : memref<2x32x192xf32, #tpu.memory_space<vmem>> -> memref<1x32x192xf32, #tpu.memory_space<vmem>>
      %dma_start3A_641 = tpu.memref_squeeze %dma_start3A_640 : memref<1x32x192xf32, #tpu.memory_space<vmem>> -> memref<32x192xf32, #tpu.memory_space<vmem>>
      tpu.enqueue_dma source(%dma_start3A_641 : memref<32x192xf32, #tpu.memory_space<vmem>>) target(%dma_start3A_637 : memref<32x192xf32, #tpu.memory_space<hbm>>) target_semaphore(%arg21 : memref<!tpu.dma_semaphore, #tpu.memory_space<semaphore_mem>>)
      %dma_start3A_642 = arith.constant 1 : i32
      %dma_start3A_643 = arith.constant 0 : i32
      %dma_start3A_644 = arith.constant 0 : i32
      %dma_start3A_645 = tpu.memref_slice %arg17[%dma_start3A_642, %dma_start3A_643, %dma_start3A_644] : memref<2x32x192xf32, #tpu.memory_space<vmem>> -> memref<1x32x192xf32, #tpu.memory_space<vmem>>
      %dma_start3A_646 = tpu.memref_squeeze %dma_start3A_645 : memref<1x32x192xf32, #tpu.memory_space<vmem>> -> memref<32x192xf32, #tpu.memory_space<vmem>>
      %dma_start3A_647 = arith.constant 0 : i32
      %dma_start3A_648 = tpu.memref_slice %arg9[%multiple_of3A_628, %dma_start3A_647] : memref<50176x192xf32, #tpu.memory_space<hbm>> -> memref<32x192xf32, #tpu.memory_space<hbm>>
      %dma_start3A_649 = arith.constant 0 : i32
      %dma_start3A_650 = tpu.memref_slice %arg9[%multiple_of3A_628, %dma_start3A_649] : memref<50176x192xf32, #tpu.memory_space<hbm>> -> memref<32x192xf32, #tpu.memory_space<hbm>>
      %dma_start3A_651 = arith.constant 0 : i32
      %dma_start3A_652 = arith.constant 0 : i32
      %dma_start3A_653 = tpu.memref_slice %arg17[%dma_start3A_642, %dma_start3A_651, %dma_start3A_652] : memref<2x32x192xf32, #tpu.memory_space<vmem>> -> memref<1x32x192xf32, #tpu.memory_space<vmem>>
      %dma_start3A_654 = tpu.memref_squeeze %dma_start3A_653 : memref<1x32x192xf32, #tpu.memory_space<vmem>> -> memref<32x192xf32, #tpu.memory_space<vmem>>
      tpu.enqueue_dma source(%dma_start3A_654 : memref<32x192xf32, #tpu.memory_space<vmem>>) target(%dma_start3A_650 : memref<32x192xf32, #tpu.memory_space<hbm>>) target_semaphore(%arg21 : memref<!tpu.dma_semaphore, #tpu.memory_space<semaphore_mem>>)
      %scan3A_655 = arith.constant 0 : i32
      scf.yield %scan3A_655 : i32
    }
    %scan3A_168 = arith.constant 24 : i32
    %dma_wait3A = arith.constant 0 : i32
    %dma_wait3A_169 = arith.constant 0 : i32
    %dma_wait3A_170 = arith.constant 0 : i32
    %dma_wait3A_171 = tpu.memref_slice %arg10[%dma_wait3A, %dma_wait3A_169, %dma_wait3A_170] : memref<2x32x192xf32, #tpu.memory_space<vmem>> -> memref<1x32x192xf32, #tpu.memory_space<vmem>>
    %dma_wait3A_172 = tpu.memref_squeeze %dma_wait3A_171 : memref<1x32x192xf32, #tpu.memory_space<vmem>> -> memref<32x192xf32, #tpu.memory_space<vmem>>
    %dma_wait3A_173 = arith.constant 0 : i32
    %dma_wait3A_174 = arith.constant 0 : i32
    %dma_wait3A_175 = tpu.memref_slice %arg2[%dma_wait3A_173, %dma_wait3A_174] : memref<50176x192xf32, #tpu.memory_space<hbm>> -> memref<32x192xf32, #tpu.memory_space<hbm>>
    %dma_wait3A_176 = arith.constant 0 : i32
    %dma_wait3A_177 = arith.constant 0 : i32
    %dma_wait3A_178 = tpu.memref_slice %arg10[%dma_wait3A, %dma_wait3A_176, %dma_wait3A_177] : memref<2x32x192xf32, #tpu.memory_space<vmem>> -> memref<1x32x192xf32, #tpu.memory_space<vmem>>
    %dma_wait3A_179 = tpu.memref_squeeze %dma_wait3A_178 : memref<1x32x192xf32, #tpu.memory_space<vmem>> -> memref<32x192xf32, #tpu.memory_space<vmem>>
    %dma_wait3A_180 = arith.constant 0 : i32
    %dma_wait3A_181 = arith.constant 0 : i32
    %dma_wait3A_182 = tpu.memref_slice %arg2[%dma_wait3A_180, %dma_wait3A_181] : memref<50176x192xf32, #tpu.memory_space<hbm>> -> memref<32x192xf32, #tpu.memory_space<hbm>>
    tpu.wait_dma2 semaphore(%arg18 : memref<!tpu.dma_semaphore, #tpu.memory_space<semaphore_mem>>) src(%dma_wait3A_182 : memref<32x192xf32, #tpu.memory_space<hbm>>) dst(%dma_wait3A_179 : memref<32x192xf32, #tpu.memory_space<vmem>>)
    %dma_wait3A_183 = arith.constant 0 : i32
    %dma_wait3A_184 = arith.constant 0 : i32
    %dma_wait3A_185 = arith.constant 0 : i32
    %dma_wait3A_186 = tpu.memref_slice %arg11[%dma_wait3A_183, %dma_wait3A_184, %dma_wait3A_185] : memref<2x32x192xf32, #tpu.memory_space<vmem>> -> memref<1x32x192xf32, #tpu.memory_space<vmem>>
    %dma_wait3A_187 = tpu.memref_squeeze %dma_wait3A_186 : memref<1x32x192xf32, #tpu.memory_space<vmem>> -> memref<32x192xf32, #tpu.memory_space<vmem>>
    %dma_wait3A_188 = arith.constant 0 : i32
    %dma_wait3A_189 = arith.constant 0 : i32
    %dma_wait3A_190 = tpu.memref_slice %arg3[%dma_wait3A_188, %dma_wait3A_189] : memref<50176x192xf32, #tpu.memory_space<hbm>> -> memref<32x192xf32, #tpu.memory_space<hbm>>
    %dma_wait3A_191 = arith.constant 0 : i32
    %dma_wait3A_192 = arith.constant 0 : i32
    %dma_wait3A_193 = tpu.memref_slice %arg11[%dma_wait3A_183, %dma_wait3A_191, %dma_wait3A_192] : memref<2x32x192xf32, #tpu.memory_space<vmem>> -> memref<1x32x192xf32, #tpu.memory_space<vmem>>
    %dma_wait3A_194 = tpu.memref_squeeze %dma_wait3A_193 : memref<1x32x192xf32, #tpu.memory_space<vmem>> -> memref<32x192xf32, #tpu.memory_space<vmem>>
    %dma_wait3A_195 = arith.constant 0 : i32
    %dma_wait3A_196 = arith.constant 0 : i32
    %dma_wait3A_197 = tpu.memref_slice %arg3[%dma_wait3A_195, %dma_wait3A_196] : memref<50176x192xf32, #tpu.memory_space<hbm>> -> memref<32x192xf32, #tpu.memory_space<hbm>>
    tpu.wait_dma2 semaphore(%arg18 : memref<!tpu.dma_semaphore, #tpu.memory_space<semaphore_mem>>) src(%dma_wait3A_197 : memref<32x192xf32, #tpu.memory_space<hbm>>) dst(%dma_wait3A_194 : memref<32x192xf32, #tpu.memory_space<vmem>>)
    %dma_wait3A_198 = arith.constant 0 : i32
    %dma_wait3A_199 = arith.constant 0 : i32
    %dma_wait3A_200 = arith.constant 0 : i32
    %dma_wait3A_201 = tpu.memref_slice %arg12[%dma_wait3A_198, %dma_wait3A_199, %dma_wait3A_200] : memref<2x32x192xf32, #tpu.memory_space<vmem>> -> memref<1x32x192xf32, #tpu.memory_space<vmem>>
    %dma_wait3A_202 = tpu.memref_squeeze %dma_wait3A_201 : memref<1x32x192xf32, #tpu.memory_space<vmem>> -> memref<32x192xf32, #tpu.memory_space<vmem>>
    %dma_wait3A_203 = arith.constant 0 : i32
    %dma_wait3A_204 = arith.constant 0 : i32
    %dma_wait3A_205 = tpu.memref_slice %arg4[%dma_wait3A_203, %dma_wait3A_204] : memref<50176x192xf32, #tpu.memory_space<hbm>> -> memref<32x192xf32, #tpu.memory_space<hbm>>
    %dma_wait3A_206 = arith.constant 0 : i32
    %dma_wait3A_207 = arith.constant 0 : i32
    %dma_wait3A_208 = tpu.memref_slice %arg12[%dma_wait3A_198, %dma_wait3A_206, %dma_wait3A_207] : memref<2x32x192xf32, #tpu.memory_space<vmem>> -> memref<1x32x192xf32, #tpu.memory_space<vmem>>
    %dma_wait3A_209 = tpu.memref_squeeze %dma_wait3A_208 : memref<1x32x192xf32, #tpu.memory_space<vmem>> -> memref<32x192xf32, #tpu.memory_space<vmem>>
    %dma_wait3A_210 = arith.constant 0 : i32
    %dma_wait3A_211 = arith.constant 0 : i32
    %dma_wait3A_212 = tpu.memref_slice %arg4[%dma_wait3A_210, %dma_wait3A_211] : memref<50176x192xf32, #tpu.memory_space<hbm>> -> memref<32x192xf32, #tpu.memory_space<hbm>>
    tpu.wait_dma2 semaphore(%arg18 : memref<!tpu.dma_semaphore, #tpu.memory_space<semaphore_mem>>) src(%dma_wait3A_212 : memref<32x192xf32, #tpu.memory_space<hbm>>) dst(%dma_wait3A_209 : memref<32x192xf32, #tpu.memory_space<vmem>>)
    %dma_wait3A_213 = arith.constant 0 : i32
    %dma_wait3A_214 = arith.constant 0 : i32
    %dma_wait3A_215 = arith.constant 0 : i32
    %dma_wait3A_216 = tpu.memref_slice %arg13[%dma_wait3A_213, %dma_wait3A_214, %dma_wait3A_215] : memref<2x32x192xf32, #tpu.memory_space<vmem>> -> memref<1x32x192xf32, #tpu.memory_space<vmem>>
    %dma_wait3A_217 = tpu.memref_squeeze %dma_wait3A_216 : memref<1x32x192xf32, #tpu.memory_space<vmem>> -> memref<32x192xf32, #tpu.memory_space<vmem>>
    %dma_wait3A_218 = arith.constant 0 : i32
    %dma_wait3A_219 = arith.constant 0 : i32
    %dma_wait3A_220 = tpu.memref_slice %arg5[%dma_wait3A_218, %dma_wait3A_219] : memref<50176x192xf32, #tpu.memory_space<hbm>> -> memref<32x192xf32, #tpu.memory_space<hbm>>
    %dma_wait3A_221 = arith.constant 0 : i32
    %dma_wait3A_222 = arith.constant 0 : i32
    %dma_wait3A_223 = tpu.memref_slice %arg13[%dma_wait3A_213, %dma_wait3A_221, %dma_wait3A_222] : memref<2x32x192xf32, #tpu.memory_space<vmem>> -> memref<1x32x192xf32, #tpu.memory_space<vmem>>
    %dma_wait3A_224 = tpu.memref_squeeze %dma_wait3A_223 : memref<1x32x192xf32, #tpu.memory_space<vmem>> -> memref<32x192xf32, #tpu.memory_space<vmem>>
    %dma_wait3A_225 = arith.constant 0 : i32
    %dma_wait3A_226 = arith.constant 0 : i32
    %dma_wait3A_227 = tpu.memref_slice %arg5[%dma_wait3A_225, %dma_wait3A_226] : memref<50176x192xf32, #tpu.memory_space<hbm>> -> memref<32x192xf32, #tpu.memory_space<hbm>>
    tpu.wait_dma2 semaphore(%arg18 : memref<!tpu.dma_semaphore, #tpu.memory_space<semaphore_mem>>) src(%dma_wait3A_227 : memref<32x192xf32, #tpu.memory_space<hbm>>) dst(%dma_wait3A_224 : memref<32x192xf32, #tpu.memory_space<vmem>>)
    %dma_wait3A_228 = arith.constant 0 : i32
    %dma_wait3A_229 = arith.constant 0 : i32
    %dma_wait3A_230 = arith.constant 0 : i32
    %dma_wait3A_231 = tpu.memref_slice %arg14[%dma_wait3A_228, %dma_wait3A_229, %dma_wait3A_230] : memref<2x32x192xf32, #tpu.memory_space<vmem>> -> memref<1x32x192xf32, #tpu.memory_space<vmem>>
    %dma_wait3A_232 = tpu.memref_squeeze %dma_wait3A_231 : memref<1x32x192xf32, #tpu.memory_space<vmem>> -> memref<32x192xf32, #tpu.memory_space<vmem>>
    %dma_wait3A_233 = arith.constant 0 : i32
    %dma_wait3A_234 = arith.constant 0 : i32
    %dma_wait3A_235 = tpu.memref_slice %arg6[%dma_wait3A_233, %dma_wait3A_234] : memref<50176x192xf32, #tpu.memory_space<hbm>> -> memref<32x192xf32, #tpu.memory_space<hbm>>
    %dma_wait3A_236 = arith.constant 0 : i32
    %dma_wait3A_237 = arith.constant 0 : i32
    %dma_wait3A_238 = tpu.memref_slice %arg14[%dma_wait3A_228, %dma_wait3A_236, %dma_wait3A_237] : memref<2x32x192xf32, #tpu.memory_space<vmem>> -> memref<1x32x192xf32, #tpu.memory_space<vmem>>
    %dma_wait3A_239 = tpu.memref_squeeze %dma_wait3A_238 : memref<1x32x192xf32, #tpu.memory_space<vmem>> -> memref<32x192xf32, #tpu.memory_space<vmem>>
    %dma_wait3A_240 = arith.constant 0 : i32
    %dma_wait3A_241 = arith.constant 0 : i32
    %dma_wait3A_242 = tpu.memref_slice %arg6[%dma_wait3A_240, %dma_wait3A_241] : memref<50176x192xf32, #tpu.memory_space<hbm>> -> memref<32x192xf32, #tpu.memory_space<hbm>>
    tpu.wait_dma2 semaphore(%arg18 : memref<!tpu.dma_semaphore, #tpu.memory_space<semaphore_mem>>) src(%dma_wait3A_242 : memref<32x192xf32, #tpu.memory_space<hbm>>) dst(%dma_wait3A_239 : memref<32x192xf32, #tpu.memory_space<vmem>>)
    %dma_wait3A_243 = arith.constant 0 : i32
    %dma_wait3A_244 = arith.constant 0 : i32
    %dma_wait3A_245 = arith.constant 0 : i32
    %dma_wait3A_246 = tpu.memref_slice %arg15[%dma_wait3A_243, %dma_wait3A_244, %dma_wait3A_245] : memref<2x32x192xf32, #tpu.memory_space<vmem>> -> memref<1x32x192xf32, #tpu.memory_space<vmem>>
    %dma_wait3A_247 = tpu.memref_squeeze %dma_wait3A_246 : memref<1x32x192xf32, #tpu.memory_space<vmem>> -> memref<32x192xf32, #tpu.memory_space<vmem>>
    %dma_wait3A_248 = arith.constant 0 : i32
    %dma_wait3A_249 = arith.constant 0 : i32
    %dma_wait3A_250 = tpu.memref_slice %arg7[%dma_wait3A_248, %dma_wait3A_249] : memref<50176x192xf32, #tpu.memory_space<hbm>> -> memref<32x192xf32, #tpu.memory_space<hbm>>
    %dma_wait3A_251 = arith.constant 0 : i32
    %dma_wait3A_252 = arith.constant 0 : i32
    %dma_wait3A_253 = tpu.memref_slice %arg15[%dma_wait3A_243, %dma_wait3A_251, %dma_wait3A_252] : memref<2x32x192xf32, #tpu.memory_space<vmem>> -> memref<1x32x192xf32, #tpu.memory_space<vmem>>
    %dma_wait3A_254 = tpu.memref_squeeze %dma_wait3A_253 : memref<1x32x192xf32, #tpu.memory_space<vmem>> -> memref<32x192xf32, #tpu.memory_space<vmem>>
    %dma_wait3A_255 = arith.constant 0 : i32
    %dma_wait3A_256 = arith.constant 0 : i32
    %dma_wait3A_257 = tpu.memref_slice %arg7[%dma_wait3A_255, %dma_wait3A_256] : memref<50176x192xf32, #tpu.memory_space<hbm>> -> memref<32x192xf32, #tpu.memory_space<hbm>>
    tpu.wait_dma2 semaphore(%arg18 : memref<!tpu.dma_semaphore, #tpu.memory_space<semaphore_mem>>) src(%dma_wait3A_257 : memref<32x192xf32, #tpu.memory_space<hbm>>) dst(%dma_wait3A_254 : memref<32x192xf32, #tpu.memory_space<vmem>>)
    %dma_wait3A_258 = arith.constant 0 : i32
    %dma_wait3A_259 = arith.constant 0 : i32
    %dma_wait3A_260 = arith.constant 0 : i32
    %dma_wait3A_261 = tpu.memref_slice %arg16[%dma_wait3A_258, %dma_wait3A_259, %dma_wait3A_260] : memref<2x32x192xf32, #tpu.memory_space<vmem>> -> memref<1x32x192xf32, #tpu.memory_space<vmem>>
    %dma_wait3A_262 = tpu.memref_squeeze %dma_wait3A_261 : memref<1x32x192xf32, #tpu.memory_space<vmem>> -> memref<32x192xf32, #tpu.memory_space<vmem>>
    %dma_wait3A_263 = arith.constant 0 : i32
    %dma_wait3A_264 = arith.constant 0 : i32
    %dma_wait3A_265 = tpu.memref_slice %arg8[%dma_wait3A_263, %dma_wait3A_264] : memref<50176x192xf32, #tpu.memory_space<hbm>> -> memref<32x192xf32, #tpu.memory_space<hbm>>
    %dma_wait3A_266 = arith.constant 0 : i32
    %dma_wait3A_267 = arith.constant 0 : i32
    %dma_wait3A_268 = tpu.memref_slice %arg8[%dma_wait3A_266, %dma_wait3A_267] : memref<50176x192xf32, #tpu.memory_space<hbm>> -> memref<32x192xf32, #tpu.memory_space<hbm>>
    %dma_wait3A_269 = arith.constant 0 : i32
    %dma_wait3A_270 = arith.constant 0 : i32
    %dma_wait3A_271 = tpu.memref_slice %arg16[%dma_wait3A_258, %dma_wait3A_269, %dma_wait3A_270] : memref<2x32x192xf32, #tpu.memory_space<vmem>> -> memref<1x32x192xf32, #tpu.memory_space<vmem>>
    %dma_wait3A_272 = tpu.memref_squeeze %dma_wait3A_271 : memref<1x32x192xf32, #tpu.memory_space<vmem>> -> memref<32x192xf32, #tpu.memory_space<vmem>>
    tpu.wait_dma2 semaphore(%arg20 : memref<!tpu.dma_semaphore, #tpu.memory_space<semaphore_mem>>) src(%dma_wait3A_272 : memref<32x192xf32, #tpu.memory_space<vmem>>) dst(%dma_wait3A_268 : memref<32x192xf32, #tpu.memory_space<hbm>>)
    %dma_wait3A_273 = arith.constant 0 : i32
    %dma_wait3A_274 = arith.constant 0 : i32
    %dma_wait3A_275 = arith.constant 0 : i32
    %dma_wait3A_276 = tpu.memref_slice %arg17[%dma_wait3A_273, %dma_wait3A_274, %dma_wait3A_275] : memref<2x32x192xf32, #tpu.memory_space<vmem>> -> memref<1x32x192xf32, #tpu.memory_space<vmem>>
    %dma_wait3A_277 = tpu.memref_squeeze %dma_wait3A_276 : memref<1x32x192xf32, #tpu.memory_space<vmem>> -> memref<32x192xf32, #tpu.memory_space<vmem>>
    %dma_wait3A_278 = arith.constant 0 : i32
    %dma_wait3A_279 = arith.constant 0 : i32
    %dma_wait3A_280 = tpu.memref_slice %arg9[%dma_wait3A_278, %dma_wait3A_279] : memref<50176x192xf32, #tpu.memory_space<hbm>> -> memref<32x192xf32, #tpu.memory_space<hbm>>
    %dma_wait3A_281 = arith.constant 0 : i32
    %dma_wait3A_282 = arith.constant 0 : i32
    %dma_wait3A_283 = tpu.memref_slice %arg9[%dma_wait3A_281, %dma_wait3A_282] : memref<50176x192xf32, #tpu.memory_space<hbm>> -> memref<32x192xf32, #tpu.memory_space<hbm>>
    %dma_wait3A_284 = arith.constant 0 : i32
    %dma_wait3A_285 = arith.constant 0 : i32
    %dma_wait3A_286 = tpu.memref_slice %arg17[%dma_wait3A_273, %dma_wait3A_284, %dma_wait3A_285] : memref<2x32x192xf32, #tpu.memory_space<vmem>> -> memref<1x32x192xf32, #tpu.memory_space<vmem>>
    %dma_wait3A_287 = tpu.memref_squeeze %dma_wait3A_286 : memref<1x32x192xf32, #tpu.memory_space<vmem>> -> memref<32x192xf32, #tpu.memory_space<vmem>>
    tpu.wait_dma2 semaphore(%arg20 : memref<!tpu.dma_semaphore, #tpu.memory_space<semaphore_mem>>) src(%dma_wait3A_287 : memref<32x192xf32, #tpu.memory_space<vmem>>) dst(%dma_wait3A_283 : memref<32x192xf32, #tpu.memory_space<hbm>>)
    %parallel_loop3A = arith.constant 0 : i32
    %parallel_loop3A_288 = arith.constant 384 : i32
    %parallel_loop3A_289 = arith.constant 1 : i32
    scf.for %parallel_loop3A_379 = %parallel_loop3A to %parallel_loop3A_288 step %parallel_loop3A_289  : i32 {
      %parallel_loop3A_380 = arith.constant 12 : i32
      %parallel_loop3A_381 = arith.divsi %parallel_loop3A_379, %parallel_loop3A_380 : i32
      %parallel_loop3A_382 = arith.constant 0 : i32
      %parallel_loop3A_383 = arith.cmpi sgt, %parallel_loop3A_379, %parallel_loop3A_382 : i32
      %parallel_loop3A_384 = arith.extui %parallel_loop3A_383 : i1 to i32
      %parallel_loop3A_385 = arith.constant 0 : i32
      %parallel_loop3A_386 = arith.cmpi slt, %parallel_loop3A_379, %parallel_loop3A_385 : i32
      %parallel_loop3A_387 = arith.extui %parallel_loop3A_386 : i1 to i32
      %parallel_loop3A_388 = arith.subi %parallel_loop3A_384, %parallel_loop3A_387 : i32
      %parallel_loop3A_389 = arith.constant 0 : i32
      %parallel_loop3A_390 = arith.cmpi sgt, %parallel_loop3A_380, %parallel_loop3A_389 : i32
      %parallel_loop3A_391 = arith.extui %parallel_loop3A_390 : i1 to i32
      %parallel_loop3A_392 = arith.constant 0 : i32
      %parallel_loop3A_393 = arith.cmpi slt, %parallel_loop3A_380, %parallel_loop3A_392 : i32
      %parallel_loop3A_394 = arith.extui %parallel_loop3A_393 : i1 to i32
      %parallel_loop3A_395 = arith.subi %parallel_loop3A_391, %parallel_loop3A_394 : i32
      %parallel_loop3A_396 = arith.cmpi ne, %parallel_loop3A_388, %parallel_loop3A_395 : i32
      %parallel_loop3A_397 = arith.remsi %parallel_loop3A_379, %parallel_loop3A_380 : i32
      %parallel_loop3A_398 = arith.constant 0 : i32
      %parallel_loop3A_399 = arith.cmpi ne, %parallel_loop3A_397, %parallel_loop3A_398 : i32
      %parallel_loop3A_400 = arith.andi %parallel_loop3A_396, %parallel_loop3A_399 : i1
      %parallel_loop3A_401 = arith.constant 1 : i32
      %parallel_loop3A_402 = arith.subi %parallel_loop3A_381, %parallel_loop3A_401 : i32
      %parallel_loop3A_403 = arith.select %parallel_loop3A_400, %parallel_loop3A_402, %parallel_loop3A_381 : i32
      %parallel_loop3A_404 = arith.constant 12 : i32
      %parallel_loop3A_405 = arith.constant 0 : i32
      %parallel_loop3A_406 = arith.cmpi eq, %parallel_loop3A_404, %parallel_loop3A_405 : i32
      %parallel_loop3A_407 = arith.constant 1 : i32
      %parallel_loop3A_408 = arith.select %parallel_loop3A_406, %parallel_loop3A_407, %parallel_loop3A_404 : i32
      %parallel_loop3A_409 = arith.remsi %parallel_loop3A_379, %parallel_loop3A_408 : i32
      %parallel_loop3A_410 = arith.constant 0 : i32
      %parallel_loop3A_411 = arith.cmpi ne, %parallel_loop3A_409, %parallel_loop3A_410 : i32
      %parallel_loop3A_412 = arith.constant 0 : i32
      %parallel_loop3A_413 = arith.cmpi slt, %parallel_loop3A_409, %parallel_loop3A_412 : i32
      %parallel_loop3A_414 = arith.constant 0 : i32
      %parallel_loop3A_415 = arith.cmpi slt, %parallel_loop3A_408, %parallel_loop3A_414 : i32
      %parallel_loop3A_416 = arith.xori %parallel_loop3A_413, %parallel_loop3A_415 : i1
      %parallel_loop3A_417 = arith.andi %parallel_loop3A_416, %parallel_loop3A_411 : i1
      %parallel_loop3A_418 = arith.addi %parallel_loop3A_409, %parallel_loop3A_408 : i32
      %parallel_loop3A_419 = arith.select %parallel_loop3A_417, %parallel_loop3A_418, %parallel_loop3A_409 : i32
      %parallel_loop3A_420 = arith.constant 16 : i32
      %parallel_loop3A_421 = arith.muli %parallel_loop3A_419, %parallel_loop3A_420 : i32
      %parallel_loop3A_422 = arith.constant 0 : i32
      %parallel_loop3A_423 = arith.index_cast %parallel_loop3A_422 : i32 to index
      %parallel_loop3A_424 = arith.index_cast %parallel_loop3A_403 : i32 to index
      %parallel_loop3A_425 = arith.index_cast %parallel_loop3A_421 : i32 to index
      %parallel_loop3A_426 = tpu.vector_load %arg10[%parallel_loop3A_423, %parallel_loop3A_424, %parallel_loop3A_425] {strides = array<i32>} : memref<2x32x192xf32, #tpu.memory_space<vmem>>, vector<1x1x16xf32>,
      %parallel_loop3A_427 = vector.shape_cast %parallel_loop3A_426 : vector<1x1x16xf32> to vector<16xf32>
      %parallel_loop3A_428 = arith.constant 0 : i32
      %parallel_loop3A_429 = arith.index_cast %parallel_loop3A_428 : i32 to index
      %parallel_loop3A_430 = arith.index_cast %parallel_loop3A_403 : i32 to index
      %parallel_loop3A_431 = arith.index_cast %parallel_loop3A_421 : i32 to index
      %parallel_loop3A_432 = tpu.vector_load %arg13[%parallel_loop3A_429, %parallel_loop3A_430, %parallel_loop3A_431] {strides = array<i32>} : memref<2x32x192xf32, #tpu.memory_space<vmem>>, vector<1x1x16xf32>,
      %parallel_loop3A_433 = vector.shape_cast %parallel_loop3A_432 : vector<1x1x16xf32> to vector<16xf32>
      %parallel_loop3A_434 = arith.constant 0 : i32
      %parallel_loop3A_435 = arith.index_cast %parallel_loop3A_434 : i32 to index
      %parallel_loop3A_436 = arith.index_cast %parallel_loop3A_403 : i32 to index
      %parallel_loop3A_437 = arith.index_cast %parallel_loop3A_421 : i32 to index
      %parallel_loop3A_438 = tpu.vector_load %arg11[%parallel_loop3A_435, %parallel_loop3A_436, %parallel_loop3A_437] {strides = array<i32>} : memref<2x32x192xf32, #tpu.memory_space<vmem>>, vector<1x1x16xf32>,
      %parallel_loop3A_439 = vector.shape_cast %parallel_loop3A_438 : vector<1x1x16xf32> to vector<16xf32>
      %parallel_loop3A_440 = arith.constant 0 : i32
      %parallel_loop3A_441 = arith.index_cast %parallel_loop3A_440 : i32 to index
      %parallel_loop3A_442 = arith.index_cast %parallel_loop3A_403 : i32 to index
      %parallel_loop3A_443 = arith.index_cast %parallel_loop3A_421 : i32 to index
      %parallel_loop3A_444 = tpu.vector_load %arg14[%parallel_loop3A_441, %parallel_loop3A_442, %parallel_loop3A_443] {strides = array<i32>} : memref<2x32x192xf32, #tpu.memory_space<vmem>>, vector<1x1x16xf32>,
      %parallel_loop3A_445 = vector.shape_cast %parallel_loop3A_444 : vector<1x1x16xf32> to vector<16xf32>
      %parallel_loop3A_446 = arith.constant 0 : i32
      %parallel_loop3A_447 = arith.index_cast %parallel_loop3A_446 : i32 to index
      %parallel_loop3A_448 = arith.index_cast %parallel_loop3A_403 : i32 to index
      %parallel_loop3A_449 = arith.index_cast %parallel_loop3A_421 : i32 to index
      %parallel_loop3A_450 = tpu.vector_load %arg12[%parallel_loop3A_447, %parallel_loop3A_448, %parallel_loop3A_449] {strides = array<i32>} : memref<2x32x192xf32, #tpu.memory_space<vmem>>, vector<1x1x16xf32>,
      %parallel_loop3A_451 = vector.shape_cast %parallel_loop3A_450 : vector<1x1x16xf32> to vector<16xf32>
      %parallel_loop3A_452 = arith.constant 0 : i32
      %parallel_loop3A_453 = arith.index_cast %parallel_loop3A_452 : i32 to index
      %parallel_loop3A_454 = arith.index_cast %parallel_loop3A_403 : i32 to index
      %parallel_loop3A_455 = arith.index_cast %parallel_loop3A_421 : i32 to index
      %parallel_loop3A_456 = tpu.vector_load %arg15[%parallel_loop3A_453, %parallel_loop3A_454, %parallel_loop3A_455] {strides = array<i32>} : memref<2x32x192xf32, #tpu.memory_space<vmem>>, vector<1x1x16xf32>,
      %parallel_loop3A_457 = vector.shape_cast %parallel_loop3A_456 : vector<1x1x16xf32> to vector<16xf32>
      %parallel_loop3A_458 = arith.mulf %parallel_loop3A_427, %parallel_loop3A_427 : vector<16xf32>
      %parallel_loop3A_459 = arith.mulf %parallel_loop3A_433, %parallel_loop3A_433 : vector<16xf32>
      %parallel_loop3A_460 = arith.addf %parallel_loop3A_458, %parallel_loop3A_459 : vector<16xf32>
      %parallel_loop3A_461 = arith.mulf %parallel_loop3A_439, %parallel_loop3A_439 : vector<16xf32>
      %parallel_loop3A_462 = arith.mulf %parallel_loop3A_445, %parallel_loop3A_445 : vector<16xf32>
      %parallel_loop3A_463 = arith.addf %parallel_loop3A_461, %parallel_loop3A_462 : vector<16xf32>
      %parallel_loop3A_464 = arith.mulf %parallel_loop3A_451, %parallel_loop3A_451 : vector<16xf32>
      %parallel_loop3A_465 = arith.mulf %parallel_loop3A_457, %parallel_loop3A_457 : vector<16xf32>
      %parallel_loop3A_466 = arith.addf %parallel_loop3A_464, %parallel_loop3A_465 : vector<16xf32>
      %parallel_loop3A_467 = arith.cmpf ogt, %parallel_loop3A_463, %parallel_loop3A_460 : vector<16xf32>
      %parallel_loop3A_468 = arith.select %parallel_loop3A_467, %parallel_loop3A_439, %parallel_loop3A_427 : vector<16xi1>, vector<16xf32>
      %parallel_loop3A_469 = arith.select %parallel_loop3A_467, %parallel_loop3A_445, %parallel_loop3A_433 : vector<16xi1>, vector<16xf32>
      %parallel_loop3A_470 = arith.maximumf %parallel_loop3A_460, %parallel_loop3A_463 : vector<16xf32>
      %parallel_loop3A_471 = arith.cmpf ogt, %parallel_loop3A_466, %parallel_loop3A_470 : vector<16xf32>
      %parallel_loop3A_472 = arith.select %parallel_loop3A_471, %parallel_loop3A_451, %parallel_loop3A_468 : vector<16xi1>, vector<16xf32>
      %parallel_loop3A_473 = arith.constant 0 : i32
      %parallel_loop3A_474 = arith.index_cast %parallel_loop3A_473 : i32 to index
      %parallel_loop3A_475 = arith.index_cast %parallel_loop3A_403 : i32 to index
      %parallel_loop3A_476 = arith.index_cast %parallel_loop3A_421 : i32 to index
      %parallel_loop3A_477 = tpu.vector_load %arg16[%parallel_loop3A_474, %parallel_loop3A_475, %parallel_loop3A_476] {strides = array<i32>} : memref<2x32x192xf32, #tpu.memory_space<vmem>>, vector<1x1x16xf32>,
      %parallel_loop3A_478 = vector.shape_cast %parallel_loop3A_477 : vector<1x1x16xf32> to vector<16xf32>
      %parallel_loop3A_479 = vector.shape_cast %parallel_loop3A_472 : vector<16xf32> to vector<1x1x16xf32>
      tpu.vector_store %arg16[%parallel_loop3A_474, %parallel_loop3A_475, %parallel_loop3A_476], %parallel_loop3A_479 {strides = array<i32>} : memref<2x32x192xf32, #tpu.memory_space<vmem>>, vector<1x1x16xf32>,
      %parallel_loop3A_480 = arith.select %parallel_loop3A_471, %parallel_loop3A_457, %parallel_loop3A_469 : vector<16xi1>, vector<16xf32>
      %parallel_loop3A_481 = arith.constant 0 : i32
      %parallel_loop3A_482 = arith.index_cast %parallel_loop3A_481 : i32 to index
      %parallel_loop3A_483 = arith.index_cast %parallel_loop3A_403 : i32 to index
      %parallel_loop3A_484 = arith.index_cast %parallel_loop3A_421 : i32 to index
      %parallel_loop3A_485 = tpu.vector_load %arg17[%parallel_loop3A_482, %parallel_loop3A_483, %parallel_loop3A_484] {strides = array<i32>} : memref<2x32x192xf32, #tpu.memory_space<vmem>>, vector<1x1x16xf32>,
      %parallel_loop3A_486 = vector.shape_cast %parallel_loop3A_485 : vector<1x1x16xf32> to vector<16xf32>
      %parallel_loop3A_487 = vector.shape_cast %parallel_loop3A_480 : vector<16xf32> to vector<1x1x16xf32>
      tpu.vector_store %arg17[%parallel_loop3A_482, %parallel_loop3A_483, %parallel_loop3A_484], %parallel_loop3A_487 {strides = array<i32>} : memref<2x32x192xf32, #tpu.memory_space<vmem>>, vector<1x1x16xf32>,
    } {sc.loop_unroll_factor = 4 : i64, sc.parallel_access}
    %add3A_290 = arith.constant 1536 : i32
    %add3A_291 = arith.addi %mul3A_2, %add3A_290 : i32
    %multiple_of3A_292 = tpu.assume_multiple %add3A_291, 32 : i32
    %dma_start3A_293 = arith.constant 0 : i32
    %dma_start3A_294 = arith.constant 0 : i32
    %dma_start3A_295 = arith.constant 0 : i32
    %dma_start3A_296 = tpu.memref_slice %arg16[%dma_start3A_293, %dma_start3A_294, %dma_start3A_295] : memref<2x32x192xf32, #tpu.memory_space<vmem>> -> memref<1x32x192xf32, #tpu.memory_space<vmem>>
    %dma_start3A_297 = tpu.memref_squeeze %dma_start3A_296 : memref<1x32x192xf32, #tpu.memory_space<vmem>> -> memref<32x192xf32, #tpu.memory_space<vmem>>
    %dma_start3A_298 = arith.constant 0 : i32
    %dma_start3A_299 = tpu.memref_slice %arg8[%multiple_of3A_292, %dma_start3A_298] : memref<50176x192xf32, #tpu.memory_space<hbm>> -> memref<32x192xf32, #tpu.memory_space<hbm>>
    %dma_start3A_300 = arith.constant 0 : i32
    %dma_start3A_301 = tpu.memref_slice %arg8[%multiple_of3A_292, %dma_start3A_300] : memref<50176x192xf32, #tpu.memory_space<hbm>> -> memref<32x192xf32, #tpu.memory_space<hbm>>
    %dma_start3A_302 = arith.constant 0 : i32
    %dma_start3A_303 = arith.constant 0 : i32
    %dma_start3A_304 = tpu.memref_slice %arg16[%dma_start3A_293, %dma_start3A_302, %dma_start3A_303] : memref<2x32x192xf32, #tpu.memory_space<vmem>> -> memref<1x32x192xf32, #tpu.memory_space<vmem>>
    %dma_start3A_305 = tpu.memref_squeeze %dma_start3A_304 : memref<1x32x192xf32, #tpu.memory_space<vmem>> -> memref<32x192xf32, #tpu.memory_space<vmem>>
    tpu.enqueue_dma source(%dma_start3A_305 : memref<32x192xf32, #tpu.memory_space<vmem>>) target(%dma_start3A_301 : memref<32x192xf32, #tpu.memory_space<hbm>>) target_semaphore(%arg20 : memref<!tpu.dma_semaphore, #tpu.memory_space<semaphore_mem>>)
    %dma_start3A_306 = arith.constant 0 : i32
    %dma_start3A_307 = arith.constant 0 : i32
    %dma_start3A_308 = arith.constant 0 : i32
    %dma_start3A_309 = tpu.memref_slice %arg17[%dma_start3A_306, %dma_start3A_307, %dma_start3A_308] : memref<2x32x192xf32, #tpu.memory_space<vmem>> -> memref<1x32x192xf32, #tpu.memory_space<vmem>>
    %dma_start3A_310 = tpu.memref_squeeze %dma_start3A_309 : memref<1x32x192xf32, #tpu.memory_space<vmem>> -> memref<32x192xf32, #tpu.memory_space<vmem>>
    %dma_start3A_311 = arith.constant 0 : i32
    %dma_start3A_312 = tpu.memref_slice %arg9[%multiple_of3A_292, %dma_start3A_311] : memref<50176x192xf32, #tpu.memory_space<hbm>> -> memref<32x192xf32, #tpu.memory_space<hbm>>
    %dma_start3A_313 = arith.constant 0 : i32
    %dma_start3A_314 = tpu.memref_slice %arg9[%multiple_of3A_292, %dma_start3A_313] : memref<50176x192xf32, #tpu.memory_space<hbm>> -> memref<32x192xf32, #tpu.memory_space<hbm>>
    %dma_start3A_315 = arith.constant 0 : i32
    %dma_start3A_316 = arith.constant 0 : i32
    %dma_start3A_317 = tpu.memref_slice %arg17[%dma_start3A_306, %dma_start3A_315, %dma_start3A_316] : memref<2x32x192xf32, #tpu.memory_space<vmem>> -> memref<1x32x192xf32, #tpu.memory_space<vmem>>
    %dma_start3A_318 = tpu.memref_squeeze %dma_start3A_317 : memref<1x32x192xf32, #tpu.memory_space<vmem>> -> memref<32x192xf32, #tpu.memory_space<vmem>>
    tpu.enqueue_dma source(%dma_start3A_318 : memref<32x192xf32, #tpu.memory_space<vmem>>) target(%dma_start3A_314 : memref<32x192xf32, #tpu.memory_space<hbm>>) target_semaphore(%arg20 : memref<!tpu.dma_semaphore, #tpu.memory_space<semaphore_mem>>)
    %dma_wait3A_319 = arith.constant 0 : i32
    %dma_wait3A_320 = arith.constant 0 : i32
    %dma_wait3A_321 = arith.constant 0 : i32
    %dma_wait3A_322 = tpu.memref_slice %arg16[%dma_wait3A_319, %dma_wait3A_320, %dma_wait3A_321] : memref<2x32x192xf32, #tpu.memory_space<vmem>> -> memref<1x32x192xf32, #tpu.memory_space<vmem>>
    %dma_wait3A_323 = tpu.memref_squeeze %dma_wait3A_322 : memref<1x32x192xf32, #tpu.memory_space<vmem>> -> memref<32x192xf32, #tpu.memory_space<vmem>>
    %dma_wait3A_324 = arith.constant 0 : i32
    %dma_wait3A_325 = arith.constant 0 : i32
    %dma_wait3A_326 = tpu.memref_slice %arg8[%dma_wait3A_324, %dma_wait3A_325] : memref<50176x192xf32, #tpu.memory_space<hbm>> -> memref<32x192xf32, #tpu.memory_space<hbm>>
    %dma_wait3A_327 = arith.constant 0 : i32
    %dma_wait3A_328 = arith.constant 0 : i32
    %dma_wait3A_329 = tpu.memref_slice %arg8[%dma_wait3A_327, %dma_wait3A_328] : memref<50176x192xf32, #tpu.memory_space<hbm>> -> memref<32x192xf32, #tpu.memory_space<hbm>>
    %dma_wait3A_330 = arith.constant 0 : i32
    %dma_wait3A_331 = arith.constant 0 : i32
    %dma_wait3A_332 = tpu.memref_slice %arg16[%dma_wait3A_319, %dma_wait3A_330, %dma_wait3A_331] : memref<2x32x192xf32, #tpu.memory_space<vmem>> -> memref<1x32x192xf32, #tpu.memory_space<vmem>>
    %dma_wait3A_333 = tpu.memref_squeeze %dma_wait3A_332 : memref<1x32x192xf32, #tpu.memory_space<vmem>> -> memref<32x192xf32, #tpu.memory_space<vmem>>
    tpu.wait_dma2 semaphore(%arg20 : memref<!tpu.dma_semaphore, #tpu.memory_space<semaphore_mem>>) src(%dma_wait3A_333 : memref<32x192xf32, #tpu.memory_space<vmem>>) dst(%dma_wait3A_329 : memref<32x192xf32, #tpu.memory_space<hbm>>)
    %dma_wait3A_334 = arith.constant 0 : i32
    %dma_wait3A_335 = arith.constant 0 : i32
    %dma_wait3A_336 = arith.constant 0 : i32
    %dma_wait3A_337 = tpu.memref_slice %arg17[%dma_wait3A_334, %dma_wait3A_335, %dma_wait3A_336] : memref<2x32x192xf32, #tpu.memory_space<vmem>> -> memref<1x32x192xf32, #tpu.memory_space<vmem>>
    %dma_wait3A_338 = tpu.memref_squeeze %dma_wait3A_337 : memref<1x32x192xf32, #tpu.memory_space<vmem>> -> memref<32x192xf32, #tpu.memory_space<vmem>>
    %dma_wait3A_339 = arith.constant 0 : i32
    %dma_wait3A_340 = arith.constant 0 : i32
    %dma_wait3A_341 = tpu.memref_slice %arg9[%dma_wait3A_339, %dma_wait3A_340] : memref<50176x192xf32, #tpu.memory_space<hbm>> -> memref<32x192xf32, #tpu.memory_space<hbm>>
    %dma_wait3A_342 = arith.constant 0 : i32
    %dma_wait3A_343 = arith.constant 0 : i32
    %dma_wait3A_344 = tpu.memref_slice %arg9[%dma_wait3A_342, %dma_wait3A_343] : memref<50176x192xf32, #tpu.memory_space<hbm>> -> memref<32x192xf32, #tpu.memory_space<hbm>>
    %dma_wait3A_345 = arith.constant 0 : i32
    %dma_wait3A_346 = arith.constant 0 : i32
    %dma_wait3A_347 = tpu.memref_slice %arg17[%dma_wait3A_334, %dma_wait3A_345, %dma_wait3A_346] : memref<2x32x192xf32, #tpu.memory_space<vmem>> -> memref<1x32x192xf32, #tpu.memory_space<vmem>>
    %dma_wait3A_348 = tpu.memref_squeeze %dma_wait3A_347 : memref<1x32x192xf32, #tpu.memory_space<vmem>> -> memref<32x192xf32, #tpu.memory_space<vmem>>
    tpu.wait_dma2 semaphore(%arg20 : memref<!tpu.dma_semaphore, #tpu.memory_space<semaphore_mem>>) src(%dma_wait3A_348 : memref<32x192xf32, #tpu.memory_space<vmem>>) dst(%dma_wait3A_344 : memref<32x192xf32, #tpu.memory_space<hbm>>)
    %dma_wait3A_349 = arith.constant 1 : i32
    %dma_wait3A_350 = arith.constant 0 : i32
    %dma_wait3A_351 = arith.constant 0 : i32
    %dma_wait3A_352 = tpu.memref_slice %arg16[%dma_wait3A_349, %dma_wait3A_350, %dma_wait3A_351] : memref<2x32x192xf32, #tpu.memory_space<vmem>> -> memref<1x32x192xf32, #tpu.memory_space<vmem>>
    %dma_wait3A_353 = tpu.memref_squeeze %dma_wait3A_352 : memref<1x32x192xf32, #tpu.memory_space<vmem>> -> memref<32x192xf32, #tpu.memory_space<vmem>>
    %dma_wait3A_354 = arith.constant 0 : i32
    %dma_wait3A_355 = arith.constant 0 : i32
    %dma_wait3A_356 = tpu.memref_slice %arg8[%dma_wait3A_354, %dma_wait3A_355] : memref<50176x192xf32, #tpu.memory_space<hbm>> -> memref<32x192xf32, #tpu.memory_space<hbm>>
    %dma_wait3A_357 = arith.constant 0 : i32
    %dma_wait3A_358 = arith.constant 0 : i32
    %dma_wait3A_359 = tpu.memref_slice %arg8[%dma_wait3A_357, %dma_wait3A_358] : memref<50176x192xf32, #tpu.memory_space<hbm>> -> memref<32x192xf32, #tpu.memory_space<hbm>>
    %dma_wait3A_360 = arith.constant 0 : i32
    %dma_wait3A_361 = arith.constant 0 : i32
    %dma_wait3A_362 = tpu.memref_slice %arg16[%dma_wait3A_349, %dma_wait3A_360, %dma_wait3A_361] : memref<2x32x192xf32, #tpu.memory_space<vmem>> -> memref<1x32x192xf32, #tpu.memory_space<vmem>>
    %dma_wait3A_363 = tpu.memref_squeeze %dma_wait3A_362 : memref<1x32x192xf32, #tpu.memory_space<vmem>> -> memref<32x192xf32, #tpu.memory_space<vmem>>
    tpu.wait_dma2 semaphore(%arg21 : memref<!tpu.dma_semaphore, #tpu.memory_space<semaphore_mem>>) src(%dma_wait3A_363 : memref<32x192xf32, #tpu.memory_space<vmem>>) dst(%dma_wait3A_359 : memref<32x192xf32, #tpu.memory_space<hbm>>)
    %dma_wait3A_364 = arith.constant 1 : i32
    %dma_wait3A_365 = arith.constant 0 : i32
    %dma_wait3A_366 = arith.constant 0 : i32
    %dma_wait3A_367 = tpu.memref_slice %arg17[%dma_wait3A_364, %dma_wait3A_365, %dma_wait3A_366] : memref<2x32x192xf32, #tpu.memory_space<vmem>> -> memref<1x32x192xf32, #tpu.memory_space<vmem>>
    %dma_wait3A_368 = tpu.memref_squeeze %dma_wait3A_367 : memref<1x32x192xf32, #tpu.memory_space<vmem>> -> memref<32x192xf32, #tpu.memory_space<vmem>>
    %dma_wait3A_369 = arith.constant 0 : i32
    %dma_wait3A_370 = arith.constant 0 : i32
    %dma_wait3A_371 = tpu.memref_slice %arg9[%dma_wait3A_369, %dma_wait3A_370] : memref<50176x192xf32, #tpu.memory_space<hbm>> -> memref<32x192xf32, #tpu.memory_space<hbm>>
    %dma_wait3A_372 = arith.constant 0 : i32
    %dma_wait3A_373 = arith.constant 0 : i32
    %dma_wait3A_374 = tpu.memref_slice %arg9[%dma_wait3A_372, %dma_wait3A_373] : memref<50176x192xf32, #tpu.memory_space<hbm>> -> memref<32x192xf32, #tpu.memory_space<hbm>>
    %dma_wait3A_375 = arith.constant 0 : i32
    %dma_wait3A_376 = arith.constant 0 : i32
    %dma_wait3A_377 = tpu.memref_slice %arg17[%dma_wait3A_364, %dma_wait3A_375, %dma_wait3A_376] : memref<2x32x192xf32, #tpu.memory_space<vmem>> -> memref<1x32x192xf32, #tpu.memory_space<vmem>>
    %dma_wait3A_378 = tpu.memref_squeeze %dma_wait3A_377 : memref<1x32x192xf32, #tpu.memory_space<vmem>> -> memref<32x192xf32, #tpu.memory_space<vmem>>
    tpu.wait_dma2 semaphore(%arg21 : memref<!tpu.dma_semaphore, #tpu.memory_space<semaphore_mem>>) src(%dma_wait3A_378 : memref<32x192xf32, #tpu.memory_space<vmem>>) dst(%dma_wait3A_374 : memref<32x192xf32, #tpu.memory_space<hbm>>)
    return
  }
}

</mosaic_0001>

<sc_bundles>
// kernel: kernel.3.cloned.1.call-start
scs
__scs_entry_jumppad:
0x0: {  	(pc) =	sbr.rel $0x88, $3  }
0x1: {  	(tag) =	ssettag $0x0;
	lr =	simm.s32 $0x1  }
0x2: {  	[smem:$0x3F9B] =	sst lr;
	_ =	strace $0xD0000000  }
0x3: {  	_ = 	snop  }
0x4: {  	_ = 	snop  }
0x5: {  	_ = 	snop  }
0x6: {  	_ = 	snop  }
0x7: {  	_ = 	snop  }
__scs_overlays_trampoline_lowered:
0x8: {  	[smem:$0x3FAA] =	sst s0  }
0x9: {  	[smem:$0x3FAB] =	sst s1  }
0xa: {  	[smem:$0x3FAC] =	sst s2  }
0xb: {  	[smem:$0x3FAD] =	sst s3  }
0xc: {  	[smem:$0x3FAE] =	sst s4  }
0xd: {  	[smem:$0x3FAF] =	sst s5  }
0xe: {  	[smem:$0x3FB0] =	sst s6  }
0xf: {  	[smem:$0x3FB1] =	sst s7  }
0x10: {  	[smem:$0x3FB2] =	sst s8  }
0x11: {  	[smem:$0x3FB3] =	sst s9;
	s0 =	simm.s32 @!p0 $0x0  }
0x12: {  	s1 =	sld [smem:$0x3F99];
	s0 =	simm.s32 @p0 $0x1  }
0x13: {  	[smem:$0x3FB4] =	sst s0;
	s0 =	simm.s32 @!p1 $0x0  }
0x14: {  	s2 =	sld [smem:$0x3F98];
	s0 =	simm.s32 @p1 $0x1  }
0x15: {  	[smem:$0x3FB5] =	sst s0;
	s0 =	simm.s32 @!p2 $0x0  }
0x16: {  	s3 =	sld [smem:$0x3FDB];
	s0 =	simm.s32 @p2 $0x1  }
0x17: {  	s4 =	simm.s32 $0x1BF5;
	[smem:$0x3FB7] =	sst s0  }
0x18: {  	s0 =	sld [smem:$0x3F9A];
	_ =	swait.ge [sflag:s4], $0x0  }
0x19: {  	s7 =	sld [smem:$0x3F9B]  }
0x1a: {  	s8 =	sadd.s32 $0xFFFFE003, lr  }
0x1b: {  	s9 =	sadd.s32 $0xFFFFFEF7, lr;
	s5 =	simm.s32 $0xFFFFFFFF;
	p2 =	slt.u32 s8, $0xFFFFF086  }
0x1c: {  	p1 =	slt.u32 s9, $0xF7A;
	s5 =	simm.s32 @!p2 $0x0  }
0x1d: {  	s5 =	simm.s32 @p1 $0x1;
	p0 =	seq.s32 s7, s2  }
0x1e: {  	s7 =	smul.u32 @!p0 $0xF7A, s2;
	p2 =	seq.s32 @!p0 s5, $0x0  }
0x1f: {  	s9 =	smul.u32 $0xF7A, s1;
	s8 =	simm.s32 @!p0 $0x1BF5;
	p2 =	por !p2, p0  }
0x20: {  	[sflag:s8] =	ssyncset.s32 @!p0 $0xFFFFF086;
	s6 =	sadd.s32 @!p0 s3, s7;
	s7 =	simm.s32 @!p0 $0x108  }
0x21: {  	s3 =	sadd.s32 s3, s9;
	s6 =	sadd.s32 @!p0 $0x88, s6;
	s7 =	simm.s32 @p2 $0x1082  }
0x22: {  	[simem:s7], [sflag:s8] =	dma.local @!p0 [hbm:s6], $0xF7A  }
0x23: {  	s9 =	sor.u32 $0xD0000000, s2;
	s6 =	simm.s32 $0x108;
	_ =	swait.ge @!p0 [sflag:s8], $0x0  }
0x24: {  	s3 =	sadd.s32 $0x88, s3;
	s6 =	simm.s32 @!p1 $0x1082;
	[sflag:s4] =	ssyncset.s32 $0xFFFFF086  }
0x25: {  	[simem:s6], [sflag:s4] =	dma.local [hbm:s3], $0xF7A  }
0x26: {  	[smem:$0x3F9B] =	sst s1;
	(tag) =	ssettag s2;
	_ =	strace s9  }
0x27: {  	s1 =	sld [smem:$0x3FAB]  }
0x28: {  	s2 =	sld [smem:$0x3FAC]  }
0x29: {  	s4 =	sld [smem:$0x3FAE]  }
0x2a: {  	p0 =	seq.s32 s5, $0x0;
	s5 =	sld [smem:$0x3FAF]  }
0x2b: {  	s6 =	sld [smem:$0x3FB0]  }
0x2c: {  	s7 =	sld [smem:$0x3FB1]  }
0x2d: {  	s3 =	simm.s32 $0x108;
	s8 =	sld [smem:$0x3FB2]  }
0x2e: {  	s3 =	simm.s32 @!p0 $0x1082;
	s9 =	sld [smem:$0x3FB3]  }
0x2f: {  	lr =	sadd.s32 s0, s3;
	s0 =	sld [smem:$0x3FAA]  }
0x30: {  	s3 =	sld [smem:$0x3FAD]  }
0x31: {  	[smem:$0x3FB6] =	sst s10  }
0x32: {  	s10 =	sld [smem:$0x3FB4];
	_ =	sdelay $0x3  }
0x33: {  	p0 =	seq.s32 s10, $0x1;
	s10 =	sld [smem:$0x3FB6];
	_ =	sdelay $0x3  }
0x34: {  	[smem:$0x3FB6] =	sst s10  }
0x35: {  	s10 =	sld [smem:$0x3FB5];
	_ =	sdelay $0x3  }
0x36: {  	p1 =	seq.s32 s10, $0x1;
	s10 =	sld [smem:$0x3FB6];
	_ =	sdelay $0x3  }
0x37: {  	[smem:$0x3FB6] =	sst s10  }
0x38: {  	s10 =	sld [smem:$0x3FB7]  }
0x39: {  	_ = 	snop;
	(pc) =	sbr.ind lr, $3  }
0x3a: {  	_ = 	snop  }
0x3b: {  	_ = 	snop  }
0x3c: {  	p2 =	seq.s32 s10, $0x1;
	s10 =	sld [smem:$0x3FB6]  }
0x3d: {  	_ =	shalt  }
0x3e: {  	_ =	shalt  }
0x3f: {  	_ =	shalt  }
0x40: {  	_ =	shalt  }
0x41: {  	_ =	shalt  }
0x42: {  	_ =	shalt  }
0x43: {  	_ =	shalt  }
0x44: {  	_ =	shalt  }
0x45: {  	_ =	shalt  }
0x46: {  	_ =	shalt  }
0x47: {  	_ =	shalt  }
0x48: {  	_ =	shalt  }
0x49: {  	_ =	shalt  }
0x4a: {  	_ =	shalt  }
0x4b: {  	_ =	shalt  }
0x4c: {  	_ =	shalt  }
0x4d: {  	_ =	shalt  }
0x4e: {  	_ =	shalt  }
0x4f: {  	_ =	shalt  }
0x50: {  	_ =	shalt  }
0x51: {  	_ =	shalt  }
0x52: {  	_ =	shalt  }
0x53: {  	_ =	shalt  }
0x54: {  	_ =	shalt  }
0x55: {  	_ =	shalt  }
0x56: {  	_ =	shalt  }
0x57: {  	_ =	shalt  }
0x58: {  	_ =	shalt  }
0x59: {  	_ =	shalt  }
0x5a: {  	_ =	shalt  }
0x5b: {  	_ =	shalt  }
0x5c: {  	_ =	shalt  }
0x5d: {  	_ =	shalt  }
0x5e: {  	_ =	shalt  }
0x5f: {  	_ =	shalt  }
0x60: {  	_ =	shalt  }
0x61: {  	_ =	shalt  }
0x62: {  	_ =	shalt  }
0x63: {  	_ =	shalt  }
0x64: {  	_ =	shalt  }
0x65: {  	_ =	shalt  }
0x66: {  	_ =	shalt  }
0x67: {  	_ =	shalt  }
0x68: {  	_ =	shalt  }
0x69: {  	_ =	shalt  }
0x6a: {  	_ =	shalt  }
0x6b: {  	_ =	shalt  }
0x6c: {  	_ =	shalt  }
0x6d: {  	_ =	shalt  }
0x6e: {  	_ =	shalt  }
0x6f: {  	_ =	shalt  }
0x70: {  	_ =	shalt  }
0x71: {  	_ =	shalt  }
0x72: {  	_ =	shalt  }
0x73: {  	_ =	shalt  }
0x74: {  	_ =	shalt  }
0x75: {  	_ =	shalt  }
0x76: {  	_ =	shalt  }
0x77: {  	_ =	shalt  }
0x78: {  	_ =	shalt  }
0x79: {  	_ =	shalt  }
0x7a: {  	_ =	shalt  }
0x7b: {  	_ =	shalt  }
0x7c: {  	_ =	shalt  }
0x7d: {  	_ =	shalt  }
0x7e: {  	_ =	shalt  }
0x7f: {  	_ =	shalt  }
0x80: {  	_ =	shalt  }
0x81: {  	_ =	shalt  }
0x82: {  	_ =	shalt  }
0x83: {  	_ =	shalt  }
0x84: {  	_ =	shalt  }
0x85: {  	_ =	shalt  }
0x86: {  	_ =	shalt  }
0x87: {  	_ =	shalt  }
.Lfunc_end0:
.L_simem_size_0:
called_computation_lowered:
.L_overlay_start_0:
0x88: {  	s2 =	sld [smem:$0x3FD9]  }
0x89: {  	s3 =	sld [smem:$0x3FFE];
	_ =	sdelay $0x1  }
0x8a: {  	s1 =	srdreg.scid  }
0x8b: {  	s0 =	sand.u32 $0x1, s1  }
0x8c: {  	s15 =	sshll.u32 s0, $0xA;
	s2 =	sadd.s32 s3, s2  }
0x8d: {  	s2 =	sadd.s32 s2, s15  }
0x8e: {  	[smem:$0x3FC2] =	sst s2  }
0x8f: {  	_ = 	snop  }
0x90: {  	s2 =	sld [smem:$0x3FC9]  }
0x91: {  	s16 =	sld [smem:$0x3FC8]  }
0x92: {  	s4 =	sld [smem:$0x3FC7]  }
0x93: {  	s5 =	sld [smem:$0x3FD0]  }
0x94: {  	s6 =	sld [smem:$0x3FC6]  }
0x95: {  	s7 =	sld [smem:$0x3FC5]  }
0x96: {  	s9 =	simm.s32 $0xA;
	s10 =	simm.s32 $0x10;
	s8 =	sld [smem:$0x3FC4]  }
0x97: {  	[smem:s10], [sflag:s9] =	dma.local [hbm:s5], $0x1  }
0x98: {  	_ =	swait.eq [sflag:s9], $0x1  }
0x99: {  	[sflag:s9] =	ssyncset.done $0x0  }
0x9a: {  	s17 =	sld [smem:$0x10];
	[sflag:s9] =	ssyncadd.s32 $0xFFFFFFFF  }
0x9b: {  	s18 =	sld [smem:$0x11];
	(tm) =	ssettm $0x1  }
0x9c: {  	s19 =	sld [smem:$0x3FFB];
	_ =	sdelay $0x3  }
0x9d: {  	_ =	strace s19  }
0x9e: {  	s10 =	sld [smem:$0x3FFC];
	_ =	sdelay $0x3  }
0x9f: {  	_ =	strace s10  }
0xa0: {  	s10 =	sld [smem:$0x3FFD];
	_ =	sdelay $0x3  }
0xa1: {  	_ =	strace s10  }
0xa2: {  	_ =	strace $0x8FFFFFFF  }
0xa3: {  	s20 =	sld [smem:$0x3FDB];
	_ =	sdelay $0x1  }
0xa4: {  	s11 =	simm.s32 $_scs_section_size  }
0xa5: {  	s12 =	simm.s32 $_size__tile_overlayer_lowered;
	s13 =	simm.s32 $_tile_overlayer_lowered  }
0xa6: {  	s23 =	simm.s32 $0x1BFF;
	s22 =	sshll.u32 s13, $0x1;
	s10 =	sadd.s32 s11, s20  }
0xa7: {  	s14 =	simm.s32 $0x0;
	s21 =	sshll.u32 s12, $0x1;
	s12 =	sadd.s32 s22, s10  }
0xa8: {  	[timem:s14], [sflag:s23] =	dma.local [hbm:s12], s21  }
0xa9: {  	_ =	swait.ge [sflag:s23], s21  }
0xaa: {  	s11 =	ssub.s32 $0x0, s21;
	[sflag:s23] =	ssyncset.done $0x0  }
0xab: {  	[sflag:s23] =	ssyncadd.s32 s11;
	_ =	sdelay $0x1  }
0xac: {  	s24 =	simm.s32 $0x1B8B  }
0xad: {  	_ =	swait.ge [sflag:s24], $0x1  }
0xae: {  	[sflag:s24] =	ssyncset.done $0x0  }
0xaf: {  	s25 =	simm.s32 $0x1B8E;
	[sflag:s24] =	ssyncadd.s32 $0xFFFFFFFF  }
0xb0: {  	s26 =	simm.s32 $execute0_lowered;
	[smem:$0x3FD2] =	sst s25  }
0xb1: {  	s11 =	sshll.u32 s26, $0x1;
	_ =	strace $0x80000046;
	[dreg:$0x1] =	wrdreg $0xFFFFFFFF  }
0xb2: {  	s28 =	simm.s32 $_size_execute0_lowered;
	s10 =	sadd.s32 s10, s11;
	[dreg:$0x0] =	wrdreg $0x0  }
0xb3: {  	s11 =	sshll.u32 s28, $0x1;
	[dreg:$0x2] =	wrdreg s10  }
0xb4: {  	[dreg:$0x3] =	wrdreg s11  }
0xb5: {  	[dreg:$0x4] =	wrdreg $0xC0  }
0xb6: {  	_ =	task [dreg:s14], $0x5FFFF  }
0xb7: {  	[dreg:$0x1] =	wrdreg $0xFFFFFFFF  }
0xb8: {  	[dreg:$0x0] =	wrdreg $0x60  }
0xb9: {  	[dreg:$0x2] =	wrdreg s2  }
0xba: {  	[dreg:$0x3] =	wrdreg s16  }
0xbb: {  	[dreg:$0x4] =	wrdreg s4  }
0xbc: {  	[dreg:$0x5] =	wrdreg s6  }
0xbd: {  	[dreg:$0x6] =	wrdreg s7  }
0xbe: {  	[dreg:$0x7] =	wrdreg s8  }
0xbf: {  	[dreg:$0x8] =	wrdreg s17  }
0xc0: {  	[dreg:$0x9] =	wrdreg s18  }
0xc1: {  	[dreg:$0xa] =	wrdreg $0x9  }
0xc2: {  	_ =	task.clear_ibuf [dreg:s14], $0xBFFFF;
	_ =	strace $0x90000046  }
0xc3: {  	s29 =	simm.s32 $0x9;
	_ =	strace $0x80000048  }
0xc4: {  	_ =	swait.ge [sflag:s29], $0x1  }
0xc5: {  	[sflag:s29] =	ssyncadd.s32 $0xFFFFFFFF  }
0xc6: {  	_ =	strace $0x90000048  }
0xc7: {  	_ =	sfence  }
0xc8: {  	s30 =	sld [smem:$0x0];
	_ =	sdelay $0x2  }
0xc9: {  	s31 =	sshll.u32 s1, $0xD;
	s1 =	sshrl.u32 s1, $0x2  }
0xca: {  	s3 =	sand.u32 $0x4000, s31;
	s1 =	sadd.s32 s1, s30  }
0xcb: {  	s0 =	sor.u32 s3, s0;
	s1 =	sshll.u32 s1, $0x11  }
0xcc: {  	s0 =	sor.u32 s1, s0  }
0xcd: {  	s0 =	sadd.s32 $0x8F2B, s0  }
0xce: {  	[sflag:s0] =	ssyncadd.remote.s32 $0x1  }
0xcf: {  	_ =	sfence.sel $0xFFFF  }
0xd0: {  	[dreg:$0x0] =	wrdreg $0xFFFFFFFF;
	(pc) =	sbr.abs _section_cstart, $3  }
0xd1: {  	[dreg:$0x1] =	wrdreg $0xFFFFFFFF  }
0xd2: {  	_ =	task.clear_ibuf [dreg:s14], $0x2FFFF;
	_ =	strace $0x9FFFFFFF  }
0xd3: {  	(tm) =	ssettm $0x7FFFFFFF  }
tec
execute0_lowered:
.L_overlay_start_1:
0x0: {  	(tag) =	ssettag $0x1  }
0x1: {  	s0 =	rddreg [dreg:$0x0]  }
0x2: {  	s1 =	rddreg [dreg:$0x1]  }
0x3: {  	s2 =	rddreg [dreg:$0x2]  }
0x4: {  	s4 =	rddreg [dreg:$0x3]  }
0x5: {  	s5 =	rddreg [dreg:$0x4]  }
0x6: {  	s3 =	srdreg.scid;
	s7 =	stileid.u32  }
0x7: {  	s6 =	rddreg [dreg:$0x5];
	s3 =	sand.u32 $0x1, s3;
	s7 =	sshll.u32 s7, $0x1  }
0x8: {  	s8 =	rddreg [dreg:$0x6];
	s7 =	sor.u32 s3, s7  }
0x9: {  	s9 =	rddreg [dreg:$0x7];
	s10 =	simm.s32 $0x0;
	s12 =	smul.u32 $0xC400, s7  }
0xa: {  	[smem:$0x7FF] =	sst s10  }
0xb: {  	s3 =	ssub.s32 $0x2, s3;
	_ =	strace $0x80000047;
	s16 =	sadd.s32 s0, s12  }
0xc: {  	s11 =	smul.u32 $0x62000, s7;
	s13 =	sadd.s32 s1, s12;
	[dreg:$0x9] =	wrdreg s16  }
0xd: {  	s15 =	sshrl.u32 s3, $0x1;
	s18 =	sadd.s32 s2, s12;
	[dreg:$0xa] =	wrdreg s13  }
0xe: {  	s3 =	ssub.s32 s3, s15;
	s14 =	sadd.s32 s4, s12;
	[dreg:$0xb] =	wrdreg s18  }
0xf: {  	s3 =	smax.u32 s3, $0x1;
	[dreg:$0xc] =	wrdreg s14  }
0x10: {  	s17 =	sshrl.u32 s11, $0x3;
	s26 =	sadd.s32 s5, s12;
	[dreg:$0x15] =	wrdreg s3  }
0x11: {  	s31 =	sadd.s32 s6, s12;
	s19 =	sadd.s32 $0x400, s17;
	[dreg:$0x16] =	wrdreg s26  }
0x12: {  	[dreg:$0x17] =	wrdreg s31;
	s20 =	sadd.s32 s0, s19  }
0x13: {  	s21 =	sadd.s32 s1, s19;
	[dreg:$0xd] =	wrdreg s20  }
0x14: {  	s22 =	sadd.s32 s2, s19;
	[dreg:$0xe] =	wrdreg s21  }
0x15: {  	s28 =	sadd.s32 $0x400, s12;
	s23 =	sadd.s32 s4, s19;
	[dreg:$0xf] =	wrdreg s22  }
0x16: {  	s29 =	sadd.s32 $0x4000, s11;
	s24 =	sadd.s32 s5, s19;
	[dreg:$0x10] =	wrdreg s23  }
0x17: {  	s7 =	sadd.s32 $0xC000, s17;
	s13 =	sadd.s32 s6, s19;
	[dreg:$0x11] =	wrdreg s24  }
0x18: {  	s30 =	sadd.s32 $0x6000, s11;
	s25 =	sadd.s32 s8, s7;
	[dreg:$0x12] =	wrdreg s13  }
0x19: {  	s12 =	simm.s32 $0x0;
	s7 =	sadd.s32 s9, s7;
	[dreg:$0x13] =	wrdreg s25  }
0x1a: {  	s14 =	simm.s32 $0x1;
	s17 =	simm.s32 $0x2;
	[dreg:$0x14] =	wrdreg s7  }
.LBB2_1:
0x1b: {  	[dreg:$0x18] =	wrdreg s12  }
0x1c: {  	s3 =	rddreg [dreg:$0x9]  }
0x1d: {  	[tilespmem:s10], [sflag:$0x1] =	stream.linear.gather [hbm4b:s3+s10], $0x2000, $0x38;
	v63 =	vld [tilespmem:$0x0]  }
0x1e: {  	s21 =	rddreg [dreg:$0xa];
	s7 =	simm.s32 $0x4000  }
0x1f: {  	[tilespmem:s7], [sflag:$0x1] =	stream.linear.gather [hbm4b:s21+s10], $0x2000, $0x38;
	v63 =	vld [tilespmem:$0x0]  }
0x20: {  	s22 =	rddreg [dreg:$0xb];
	s23 =	simm.s32 $0x8000  }
0x21: {  	[tilespmem:s23], [sflag:$0x1] =	stream.linear.gather [hbm4b:s22+s10], $0x2000, $0x38;
	v63 =	vld [tilespmem:$0x0]  }
0x22: {  	s24 =	rddreg [dreg:$0xc];
	s25 =	simm.s32 $0xC000  }
0x23: {  	[tilespmem:s25], [sflag:$0x1] =	stream.linear.gather [hbm4b:s24+s10], $0x2000, $0x38;
	v63 =	vld [tilespmem:$0x0]  }
0x24: {  	s26 =	rddreg [dreg:$0x16];
	s31 =	simm.s32 $0x10000  }
0x25: {  	[tilespmem:s31], [sflag:$0x1] =	stream.linear.gather [hbm4b:s26+s10], $0x2000, $0x38;
	v63 =	vld [tilespmem:$0x0]  }
0x26: {  	s12 =	rddreg [dreg:$0x17];
	s13 =	simm.s32 $0x14000  }
0x27: {  	[tilespmem:s13], [sflag:$0x1] =	stream.linear.gather [hbm4b:s12+s10], $0x2000, $0x38;
	v63 =	vld [tilespmem:$0x0]  }
0x28: {  	s15 =	rddreg [dreg:$0xd];
	s16 =	simm.s32 $0x2000  }
0x29: {  	[tilespmem:s16], [sflag:$0x2] =	stream.linear.gather [hbm4b:s15+s10], $0x2000, $0x38;
	v63 =	vld [tilespmem:$0x0]  }
0x2a: {  	s18 =	rddreg [dreg:$0xe];
	s19 =	simm.s32 $0x6000  }
0x2b: {  	[tilespmem:s19], [sflag:$0x2] =	stream.linear.gather [hbm4b:s18+s10], $0x2000, $0x38;
	v63 =	vld [tilespmem:$0x0]  }
0x2c: {  	s20 =	rddreg [dreg:$0xf];
	s21 =	simm.s32 $0xA000  }
0x2d: {  	[tilespmem:s21], [sflag:$0x2] =	stream.linear.gather [hbm4b:s20+s10], $0x2000, $0x38;
	v63 =	vld [tilespmem:$0x0]  }
0x2e: {  	s22 =	rddreg [dreg:$0x10];
	s23 =	simm.s32 $0xE000  }
0x2f: {  	[tilespmem:s23], [sflag:$0x2] =	stream.linear.gather [hbm4b:s22+s10], $0x2000, $0x38;
	v63 =	vld [tilespmem:$0x0]  }
0x30: {  	s24 =	rddreg [dreg:$0x11];
	s25 =	simm.s32 $0x12000  }
0x31: {  	[tilespmem:s25], [sflag:$0x2] =	stream.linear.gather [hbm4b:s24+s10], $0x2000, $0x38;
	v63 =	vld [tilespmem:$0x0]  }
0x32: {  	s26 =	rddreg [dreg:$0x12];
	s31 =	simm.s32 $0x16000;
	s23 =	simm.s32 $0x0  }
0x33: {  	[tilespmem:s31], [sflag:$0x2] =	stream.linear.gather [hbm4b:s26+s10], $0x2000, $0x38;
	v63 =	vld [tilespmem:$0x0]  }
.LBB2_2:
0x34: {  	_ =	swait.ge [sflag:s14], $0x2000  }
0x35: {  	[sflag:s14] =	ssyncset.done $0x0  }
0x36: {  	[sflag:s14] =	ssyncadd.s32 $0xFFFFE000  }
0x37: {  	_ =	swait.ge [sflag:s14], $0x2000  }
0x38: {  	[sflag:s14] =	ssyncset.done $0x0  }
0x39: {  	[sflag:s14] =	ssyncadd.s32 $0xFFFFE000  }
0x3a: {  	_ =	swait.ge [sflag:s14], $0x2000  }
0x3b: {  	[sflag:s14] =	ssyncset.done $0x0  }
0x3c: {  	[sflag:s14] =	ssyncadd.s32 $0xFFFFE000  }
0x3d: {  	_ =	swait.ge [sflag:s14], $0x2000  }
0x3e: {  	s3 =	simm.s32 $0x0;
	[sflag:s14] =	ssyncset.done $0x0  }
0x3f: {  	p0 =	seq.s32 s23, $0x0;
	s7 =	sor.u32 $0x3, s3;
	[sflag:s14] =	ssyncadd.s32 $0xFFFFE000  }
0x40: {  	s21 =	sor.u32 $0x1, s3;
	s19 =	sand.u32 $0xFFFF, s7;
	_ =	swait.ge [sflag:s14], $0x2000  }
0x41: {  	s22 =	sor.u32 $0x2, s3;
	s19 =	smul.u32 $0xAAAB, s19;
	[sflag:s14] =	ssyncset.done $0x0  }
0x42: {  	s3 =	smul.u32 $0xAAAB, s3;
	s20 =	sand.u32 $0xFFFF, s21;
	[sflag:s14] =	ssyncadd.s32 $0xFFFFE000  }
0x43: {  	s20 =	smul.u32 $0xAAAB, s20;
	s19 =	sshrl.u32 s19, $0x13;
	_ =	swait.ge [sflag:s14], $0x2000  }
0x44: {  	s18 =	simm.s32 @!p0 $0x3;
	s19 =	smul.u32 $0xC, s19;
	[sflag:s14] =	ssyncset.done $0x0  }
0x45: {  	s25 =	sshrl.u32 s3, $0xB;
	s31 =	sshrl.u32 s3, $0xC;
	[sflag:s14] =	ssyncadd.s32 $0xFFFFE000  }
0x46: {  	s20 =	sshrl.u32 s20, $0x13;
	s7 =	ssub.s32 s7, s19;
	_ =	swait.ge @!p0 [sflag:s18], $0x2000  }
0x47: {  	s24 =	sshll.u32 s7, $0x4;
	s7 =	sshll.u32 s7, $0x7;
	[sflag:s18] =	ssyncset.done @!p0 $0x0  }
0x48: {  	s26 =	smul.u32 $0xC, s20;
	s7 =	sor.u32 s7, s24;
	[sflag:s18] =	ssyncadd.s32 @!p0 $0xFFFFE000  }
0x49: {  	s24 =	sand.u32 $0x3800, s25;
	s7 =	sand.u32 $0x470, s7;
	_ =	swait.ge @!p0 [sflag:s18], $0x2000  }
0x4a: {  	s25 =	sand.u32 $0x380, s31;
	s7 =	sor.u32 s24, s7;
	[sflag:s18] =	ssyncset.done @!p0 $0x0  }
0x4b: {  	s16 =	sand.u32 $0xFFFF, s22;
	s20 =	sor.u32 s25, s7;
	[sflag:s18] =	ssyncadd.s32 @!p0 $0xFFFFE000  }
0x4c: {  	s12 =	smul.u32 $0xAAAB, s16;
	s13 =	ssub.s32 s21, s26;
	v0 =	vld [tilespmem:s20+$0x8000]  }
0x4d: {  	s15 =	sshll.u32 s13, $0x4;
	s7 =	sshll.u32 s13, $0x7;
	v1 =	vld [tilespmem:s20+$0x0]  }
0x4e: {  	s7 =	sor.u32 s7, s15;
	s18 =	sshrl.u32 s12, $0x13;
	v2 =	vld [tilespmem:s20+$0xC000]  }
0x4f: {  	s7 =	sand.u32 $0x450, s7;
	s18 =	smul.u32 $0xC, s18;
	v3 =	vld [tilespmem:s20+$0x4000]  }
0x50: {  	s7 =	sor.u32 s24, s7;
	v4 =	vld [tilespmem:s20+$0x10000]  }
0x51: {  	s3 =	sshrl.u32 s3, $0x13;
	s19 =	sor.u32 s25, s7;
	v5 =	vld [tilespmem:s20+$0x14000];
	s18 =	ssub.s32 s22, s18  }
0x52: {  	s3 =	smul.u32 $0xC, s3;
	v6 =	vld [tilespmem:s19+$0x0];
	s16 =	sshll.u32 s18, $0x4;
	s18 =	sshll.u32 s18, $0x7  }
0x53: {  	v7 =	vld [tilespmem:s19+$0xC000];
	s21 =	sor.u32 s18, s16  }
0x54: {  	s3 =	ssub.s32 $0x0, s3;
	v8 =	vld [tilespmem:s19+$0x4000];
	s7 =	sand.u32 $0x460, s21  }
0x55: {  	v9 =	vld [tilespmem:s19+$0x10000];
	s22 =	sshll.u32 s3, $0x4;
	s3 =	sshll.u32 s3, $0x7;
	s7 =	sor.u32 s24, s7  }
0x56: {  	v59 =	vld [tilespmem:s19+$0x14000];
	s3 =	sor.u32 s3, s22;
	s18 =	sor.u32 s25, s7  }
0x57: {  	s26 =	simm.s32 $0x4;
	s3 =	sand.u32 $0x440, s3;
	v11 =	vmul.f32 v1, v1;
	v12 =	vmul.f32 v2, v2;
	v10 =	vld [tilespmem:s18+$0x0]  }
0x58: {  	s3 =	sor.u32 s24, s3;
	v14 =	vmul.f32 v3, v3;
	v15 =	vmul.f32 v4, v4;
	s24 =	sor.u32 $0x3, s26;
	v13 =	vld [tilespmem:s18+$0xC000]  }
0x59: {  	v17 =	vmul.f32 v0, v0;
	s7 =	sand.u32 $0xFFFF, s24;
	v16 =	vld [tilespmem:s18+$0x4000]  }
0x5a: {  	v19 =	vmul.f32 v5, v5;
	s25 =	sor.u32 s25, s3;
	v11 =	vadd.f32 v12, v11;
	v12 =	vadd.f32 v15, v14;
	v18 =	vld [tilespmem:s18+$0x10000];
	s3 =	smul.u32 $0xAAAB, s7;
	s7 =	sor.u32 $0x1, s26  }
0x5b: {  	v20 =	vmul.f32 v7, v7;
	v15 =	vmul.f32 v6, v6;
	v14 =	vld [tilespmem:s25+$0x0];
	s12 =	sand.u32 $0xFFFF, s7  }
0x5c: {  	v17 =	vadd.f32 v19, v17;
	v19 =	vmul.f32 v8, v8;
	v21 =	vld [tilespmem:s25+$0xC000];
	vm0 =	vgt.f32 v12, v11;
	s3 =	sshrl.u32 s3, $0x13;
	s22 =	smul.u32 $0xAAAB, s12  }
0x5d: {  	v22 =	vld [tilespmem:s25+$0x4000];
	v11 =	vmax.f32 v11, v12;
	v12 =	vmul.f32 v9, v9;
	v2 =	vsel vm0, v4, v2;
	s13 =	smul.u32 $0xC, s3  }
0x5e: {  	v4 =	vld [tilespmem:s25+$0x10000];
	vm1 =	vgt.f32 v17, v11;
	v11 =	vadd.f32 v20, v15;
	v1 =	vsel vm0, v3, v1;
	s12 =	smul.u32 $0xAAAB, s26;
	s3 =	sor.u32 $0x2, s26  }
0x5f: {  	v17 =	vld [tilespmem:s19+$0x8000];
	v12 =	vadd.f32 v12, v19;
	s31 =	sand.u32 $0xFFFF, s3;
	v15 =	vmul.f32 v10, v10;
	v19 =	vmul.f32 v13, v13;
	s21 =	ssub.s32 s24, s13  }
0x60: {  	v28 =	vmul.f32 v59, v59;
	v23 =	vsel vm1, v5, v2;
	v24 =	vsel vm1, v0, v1;
	s16 =	sshrl.u32 s12, $0xB;
	s15 =	sshll.u32 s21, $0x4;
	s21 =	sshll.u32 s21, $0x7  }
0x61: {  	s24 =	smul.u32 $0xAAAB, s31;
	v2 =	vmul.f32 v16, v16;
	s13 =	sshrl.u32 s22, $0x13;
	v0 =	vmul.f32 v18, v18;
	v5 =	vadd.f32 v19, v15;
	s21 =	sor.u32 s21, s15;
	v15 =	vld [tilespmem:s18+$0x8000]  }
0x62: {  	vm0 =	vgt.f32 v12, v11;
	v1 =	vmul.f32 v14, v14;
	s22 =	sand.u32 $0x3800, s16;
	v25 =	vmul.f32 v22, v22;
	s15 =	sshrl.u32 s12, $0xC;
	v19 =	vld [tilespmem:s18+$0x14000];
	s21 =	sand.u32 $0x470, s21  }
0x63: {  	v3 =	vld [tilespmem:s25+$0x14000];
	v6 =	vsel vm0, v8, v6;
	v8 =	vmul.f32 v21, v21;
	s13 =	smul.u32 $0xC, s13;
	v2 =	vadd.f32 v0, v2;
	s31 =	sand.u32 $0x380, s15;
	s21 =	sor.u32 s22, s21  }
0x64: {  	v26 =	vld [tilespmem:s25+$0x8000];
	v11 =	vmax.f32 v11, v12;
	v27 =	vmul.f32 v4, v4;
	s24 =	sshrl.u32 s24, $0x13;
	v12 =	vmul.f32 v17, v17;
	s21 =	sor.u32 s31, s21  }
0x65: {  	v7 =	vsel vm0, v9, v7;
	s12 =	sshrl.u32 s12, $0x13;
	s24 =	smul.u32 $0xC, s24;
	v8 =	vadd.f32 v8, v1;
	s7 =	ssub.s32 s7, s13;
	vm0 =	vgt.f32 v2, v5;
	v0 =	vld [tilespmem:s21+$0x8000]  }
0x66: {  	s12 =	smul.u32 $0xC, s12;
	s13 =	sshll.u32 s7, $0x4;
	s7 =	sshll.u32 s7, $0x7;
	v9 =	vadd.f32 v27, v25;
	v16 =	vsel vm0, v16, v10;
	v10 =	vadd.f32 v28, v12;
	v1 =	vld [tilespmem:s21+$0x0]  }
0x67: {  	v12 =	vmax.f32 v5, v2;
	s7 =	sor.u32 s7, s13;
	v5 =	vld [tilespmem:s21+$0xC000];
	v60 =	vmul.f32 v15, v15;
	v61 =	vmul.f32 v19, v19  }
0x68: {  	v62 =	vmul.f32 v3, v3;
	v13 =	vsel vm0, v18, v13;
	s3 =	ssub.s32 s3, s24;
	s12 =	ssub.s32 $0x4, s12;
	vm0 =	vgt.f32 v9, v8;
	s7 =	sand.u32 $0x450, s7;
	v2 =	vld [tilespmem:s21+$0x4000]  }
0x69: {  	[tilespmem:s20+$0x1C000] =	vst v23;
	s16 =	sshll.u32 s12, $0x4;
	s24 =	sshll.u32 s3, $0x4;
	vm1 =	vgt.f32 v10, v11;
	v11 =	vmul.f32 v26, v26;
	s7 =	sor.u32 s22, s7;
	v10 =	vld [tilespmem:s21+$0x10000];
	v18 =	vadd.f32 v61, v60  }
0x6a: {  	[tilespmem:s20+$0x18000] =	vst v24;
	s3 =	sshll.u32 s3, $0x7;
	s12 =	sshll.u32 s12, $0x7;
	v8 =	vmax.f32 v8, v9;
	v9 =	vld [tilespmem:s21+$0x14000];
	v22 =	vsel vm0, v22, v14;
	s20 =	sor.u32 s31, s7;
	v14 =	vsel vm1, v17, v6  }
0x6b: {  	s3 =	sor.u32 s3, s24;
	s24 =	sor.u32 s12, s16;
	v7 =	vsel vm1, v59, v7;
	v6 =	vld [tilespmem:s20+$0x0];
	v17 =	vadd.f32 v62, v11;
	[tilespmem:s19+$0x18000] =	vst v14;
	vm1 =	vgt.f32 v18, v12  }
0x6c: {  	s3 =	sand.u32 $0x460, s3;
	s7 =	sand.u32 $0x440, s24;
	v11 =	vsel vm0, v4, v21;
	v4 =	vld [tilespmem:s20+$0xC000];
	[tilespmem:s19+$0x1C000] =	vst v7;
	v14 =	vmul.f32 v5, v5;
	v12 =	vsel vm1, v15, v16  }
0x6d: {  	s3 =	sor.u32 s22, s3;
	s7 =	sor.u32 s22, s7;
	v7 =	vld [tilespmem:s20+$0x4000];
	vm0 =	vgt.f32 v17, v8;
	v18 =	vsel vm1, v19, v13;
	v13 =	vmul.f32 v1, v1;
	[tilespmem:s18+$0x18000] =	vst v12  }
0x6e: {  	s24 =	sshll.u32 s23, $0xE;
	s22 =	sor.u32 s31, s3;
	s19 =	sor.u32 s31, s7;
	v8 =	vld [tilespmem:s20+$0x10000];
	v15 =	vmul.f32 v2, v2;
	v16 =	vmul.f32 v10, v10;
	v12 =	vsel vm0, v26, v22;
	[tilespmem:s18+$0x1C000] =	vst v18  }
.LBB2_3:
0x6f: {  	s26 =	sadd.s32 $0x4, s26  }
0x70: {  	v17 =	vld [tilespmem:s22+$0x0];
	v18 =	vmul.f32 v0, v0;
	v19 =	vmul.f32 v9, v9;
	[tilespmem:s25+$0x18000] =	vst v12;
	v3 =	vsel vm0, v3, v11;
	s18 =	sor.u32 $0x1, s26;
	s31 =	sor.u32 $0x2, s26  }
0x71: {  	v13 =	vadd.f32 v14, v13;
	s3 =	sor.u32 $0x3, s26;
	v11 =	vmul.f32 v6, v6;
	v12 =	vld [tilespmem:s22+$0xC000];
	v14 =	vadd.f32 v16, v15;
	[tilespmem:s25+$0x1C000] =	vst v3;
	s25 =	smov.u32 s19;
	s19 =	smul.u32 $0xAAAB, s26  }
0x72: {  	s7 =	sand.u32 $0xFFFF, s18;
	s12 =	sand.u32 $0xFFFF, s31;
	s13 =	sand.u32 $0xFFFF, s3;
	v3 =	vmul.f32 v4, v4;
	v15 =	vld [tilespmem:s22+$0x4000];
	v16 =	vadd.f32 v19, v18  }
0x73: {  	s13 =	smul.u32 $0xAAAB, s13;
	v18 =	vmul.f32 v7, v7;
	v19 =	vld [tilespmem:s22+$0x10000];
	vm0 =	vgt.f32 v14, v13;
	v13 =	vmax.f32 v13, v14  }
0x74: {  	p1 =	slt.u32 s26, $0x17C;
	s7 =	smul.u32 $0xAAAB, s7;
	v14 =	vld [tilespmem:s25+$0x0];
	v20 =	vmul.f32 v8, v8;
	v5 =	vsel vm0, v10, v5;
	vm1 =	vgt.f32 v16, v13  }
0x75: {  	s12 =	smul.u32 $0xAAAB, s12;
	v3 =	vadd.f32 v3, v11;
	s13 =	sshrl.u32 s13, $0x13;
	v13 =	vld [tilespmem:s25+$0xC000];
	v10 =	vmul.f32 v17, v17;
	v5 =	vsel vm1, v9, v5  }
0x76: {  	v1 =	vsel vm0, v2, v1;
	s7 =	sshrl.u32 s7, $0x13;
	s13 =	smul.u32 $0xC, s13;
	v9 =	vld [tilespmem:s25+$0x4000];
	v11 =	vadd.f32 v20, v18;
	v16 =	vmul.f32 v12, v12;
	[tilespmem:s21+$0x1C000] =	vst v5  }
0x77: {  	s12 =	sshrl.u32 s12, $0x13;
	v0 =	vsel vm1, v0, v1;
	s7 =	smul.u32 $0xC, s7;
	v18 =	vld [tilespmem:s25+$0x10000];
	v2 =	vmul.f32 v15, v15  }
0x78: {  	s15 =	sshrl.u32 s19, $0xB;
	s3 =	ssub.s32 s3, s13;
	v20 =	vld [tilespmem:s20+$0x8000];
	vm0 =	vgt.f32 v11, v3;
	v1 =	vadd.f32 v16, v10;
	v5 =	vmul.f32 v19, v19;
	[tilespmem:s21+$0x18000] =	vst v0  }
0x79: {  	s12 =	smul.u32 $0xC, s12;
	s13 =	sshll.u32 s3, $0x4;
	s3 =	sshll.u32 s3, $0x7;
	v0 =	vmul.f32 v14, v14;
	v16 =	vld [tilespmem:s20+$0x14000];
	v6 =	vsel vm0, v7, v6;
	v7 =	vmax.f32 v3, v11  }
0x7a: {  	s21 =	sshrl.u32 s19, $0x13;
	s7 =	ssub.s32 s18, s7;
	v4 =	vsel vm0, v8, v4;
	s3 =	sor.u32 s3, s13;
	v3 =	vmul.f32 v13, v13;
	v8 =	vld [tilespmem:s22+$0x8000];
	v2 =	vadd.f32 v5, v2  }
0x7b: {  	s13 =	sand.u32 $0x3800, s15;
	s15 =	sshrl.u32 s19, $0xC;
	s3 =	sand.u32 $0x470, s3;
	v5 =	vmul.f32 v9, v9;
	v21 =	vld [tilespmem:s22+$0x14000]  }
0x7c: {  	s19 =	smul.u32 $0xC, s21;
	s15 =	sand.u32 $0x380, s15;
	s3 =	sor.u32 s13, s3;
	v22 =	vld [tilespmem:s25+$0x8000];
	v10 =	vadd.f32 v3, v0;
	v11 =	vmul.f32 v18, v18;
	vm0 =	vgt.f32 v2, v1  }
0x7d: {  	s12 =	ssub.s32 s31, s12;
	s18 =	sshll.u32 s7, $0x4;
	s21 =	sor.u32 s15, s3;
	v3 =	vld [tilespmem:s25+$0x14000];
	v23 =	vmul.f32 v20, v20;
	v15 =	vsel vm0, v15, v17;
	v17 =	vmax.f32 v1, v2  }
0x7e: {  	s7 =	sshll.u32 s7, $0x7;
	s31 =	sshll.u32 s12, $0x4;
	s3 =	ssub.s32 s26, s19;
	v12 =	vsel vm0, v19, v12;
	v0 =	vld [tilespmem:s21+$0x8000];
	v11 =	vadd.f32 v11, v5;
	v2 =	vmul.f32 v16, v16  }
0x7f: {  	s12 =	sshll.u32 s12, $0x7;
	s7 =	sor.u32 s7, s18;
	s19 =	sshll.u32 s3, $0x4;
	v1 =	vld [tilespmem:s21+$0x0];
	v19 =	vmul.f32 v8, v8  }
0x80: {  	s12 =	sor.u32 s12, s31;
	s7 =	sand.u32 $0x450, s7;
	s3 =	sshll.u32 s3, $0x7;
	v5 =	vld [tilespmem:s21+$0xC000];
	vm0 =	vgt.f32 v11, v10;
	v23 =	vadd.f32 v2, v23;
	v24 =	vmul.f32 v21, v21  }
0x81: {  	s12 =	sand.u32 $0x460, s12;
	s7 =	sor.u32 s13, s7;
	s3 =	sor.u32 s3, s19;
	v27 =	vmax.f32 v10, v11;
	v2 =	vld [tilespmem:s21+$0x4000];
	v25 =	vmul.f32 v22, v22;
	v26 =	vsel vm0, v9, v14  }
0x82: {  	s12 =	sor.u32 s13, s12;
	s7 =	sor.u32 s15, s7;
	s3 =	sand.u32 $0x440, s3;
	v10 =	vld [tilespmem:s21+$0x10000];
	v14 =	vmul.f32 v3, v3;
	vm1 =	vgt.f32 v23, v7;
	v7 =	vadd.f32 v24, v19  }
.Ltmp0:
0x83: {  	s12 =	sor.u32 s15, s12;
	s3 =	sor.u32 s13, s3;
	v11 =	vsel vm0, v18, v13;
	v9 =	vld [tilespmem:s21+$0x14000];
	v13 =	vsel vm1, v20, v6;
	v16 =	vsel vm1, v16, v4;
	(pc) =	sbr.rel @p1 .LBB2_3-.Ltmp0, $4  }
0x84: {  	s19 =	sor.u32 s15, s3;
	v6 =	vld [tilespmem:s7+$0x0];
	v18 =	vadd.f32 v14, v25;
	[tilespmem:s20+$0x18000] =	vst v13;
	vm0 =	vgt.f32 v7, v17  }
0x85: {  	v4 =	vld [tilespmem:s7+$0xC000];
	[tilespmem:s20+$0x1C000] =	vst v16;
	v8 =	vsel vm0, v8, v15;
	v17 =	vsel vm0, v21, v12;
	s20 =	smov.u32 s7  }
0x86: {  	v13 =	vmul.f32 v1, v1;
	v14 =	vmul.f32 v5, v5;
	v7 =	vld [tilespmem:s20+$0x4000];
	vm0 =	vgt.f32 v18, v27;
	[tilespmem:s22+$0x18000] =	vst v8  }
0x87: {  	v15 =	vmul.f32 v2, v2;
	v8 =	vld [tilespmem:s20+$0x10000];
	v16 =	vmul.f32 v10, v10;
	v12 =	vsel vm0, v22, v26;
	[tilespmem:s22+$0x1C000] =	vst v17;
	s22 =	smov.u32 s12  }
0x88: {  	v17 =	vld [tilespmem:s22+$0x0]  }
0x89: {  	v18 =	vld [tilespmem:s22+$0xC000]  }
0x8a: {  	v19 =	vld [tilespmem:s22+$0x4000]  }
0x8b: {  	v21 =	vld [tilespmem:s22+$0x10000]  }
0x8c: {  	v20 =	vmul.f32 v0, v0;
	v22 =	vmul.f32 v9, v9;
	v23 =	vld [tilespmem:s19+$0xC000]  }
0x8d: {  	v13 =	vadd.f32 v14, v13;
	v3 =	vsel vm0, v3, v11;
	v24 =	vld [tilespmem:s19+$0x4000];
	v14 =	vadd.f32 v16, v15  }
0x8e: {  	v47 =	vld [tilespmem:s22+$0x14000];
	v11 =	vmul.f32 v6, v6;
	v16 =	vmul.f32 v4, v4;
	v20 =	vadd.f32 v22, v20  }
0x8f: {  	v15 =	vld [tilespmem:s19+$0x0];
	v44 =	vmul.f32 v7, v7;
	vm0 =	vgt.f32 v14, v13;
	v13 =	vmax.f32 v13, v14  }
0x90: {  	v26 =	vld [tilespmem:s19+$0x14000];
	v14 =	vmul.f32 v8, v8;
	v5 =	vsel vm0, v10, v5;
	vm1 =	vgt.f32 v20, v13  }
0x91: {  	v11 =	vadd.f32 v16, v11;
	v16 =	vld [tilespmem:s20+$0x8000];
	v1 =	vsel vm0, v2, v1;
	v13 =	vmul.f32 v17, v17  }
0x92: {  	v2 =	vld [tilespmem:s20+$0x14000];
	v45 =	vmul.f32 v18, v18;
	v5 =	vsel vm1, v9, v5;
	v9 =	vmul.f32 v19, v19  }
0x93: {  	v10 =	vld [tilespmem:s19+$0x10000];
	v46 =	vmul.f32 v21, v21;
	v48 =	vmul.f32 v24, v24;
	v14 =	vadd.f32 v14, v44  }
0x94: {  	v0 =	vsel vm1, v0, v1;
	v1 =	vld [tilespmem:s22+$0x8000];
	v50 =	vmul.f32 v47, v47;
	v25 =	vmul.f32 v15, v15  }
0x95: {  	[tilespmem:s21+$0x1C000] =	vst v5;
	v5 =	vmul.f32 v26, v26;
	v13 =	vadd.f32 v45, v13;
	vm0 =	vgt.f32 v14, v11  }
0x96: {  	v9 =	vadd.f32 v46, v9;
	v6 =	vsel vm0, v7, v6;
	v7 =	vmax.f32 v11, v14;
	v11 =	vld [tilespmem:s19+$0x8000]  }
0x97: {  	v4 =	vsel vm0, v8, v4;
	v8 =	vmul.f32 v16, v16;
	v27 =	vmul.f32 v2, v2  }
0x98: {  	v14 =	vmul.f32 v23, v23;
	v49 =	vmul.f32 v10, v10  }
0x99: {  	[tilespmem:s25+$0x18000] =	vst v12;
	vm0 =	vgt.f32 v9, v13;
	v12 =	vmul.f32 v1, v1;
	v8 =	vadd.f32 v27, v8  }
0x9a: {  	[tilespmem:s25+$0x1C000] =	vst v3;
	v9 =	vmax.f32 v13, v9;
	v3 =	vsel vm0, v19, v17;
	v14 =	vadd.f32 v14, v25  }
0x9b: {  	vm1 =	vgt.f32 v8, v7;
	v7 =	vadd.f32 v50, v12;
	v13 =	vmul.f32 v11, v11  }
0x9c: {  	[tilespmem:s21+$0x18000] =	vst v0;
	v0 =	vadd.f32 v49, v48;
	v8 =	vsel vm0, v21, v18;
	v6 =	vsel vm1, v16, v6  }
0x9d: {  	v2 =	vsel vm1, v2, v4;
	[tilespmem:s20+$0x18000] =	vst v6;
	vm0 =	vgt.f32 v7, v9;
	v4 =	vadd.f32 v5, v13  }
0x9e: {  	vm1 =	vgt.f32 v0, v14;
	v0 =	vmax.f32 v14, v0;
	[tilespmem:s20+$0x1C000] =	vst v2;
	v1 =	vsel vm0, v1, v3  }
0x9f: {  	v2 =	vsel vm1, v24, v15;
	v3 =	vsel vm0, v47, v8;
	[tilespmem:s22+$0x18000] =	vst v1;
	vm0 =	vgt.f32 v4, v0  }
0xa0: {  	s3 =	sadd.s32 s24, s29;
	[tilespmem:s22+$0x1C000] =	vst v3;
	v0 =	vsel vm1, v10, v23;
	v1 =	vsel vm0, v11, v2  }
0xa1: {  	s3 =	sshrl.u32 s3, $0x3;
	v0 =	vsel vm0, v26, v0;
	[tilespmem:s19+$0x18000] =	vst v1  }
0xa2: {  	s7 =	sadd.s32 s0, s3;
	[tilespmem:s19+$0x1C000] =	vst v0  }
0xa3: {  	[tilespmem:s10], [sflag:$0x1] =	stream.linear.gather [hbm4b:s7+s10], $0x2000, $0x38;
	v63 =	vld [tilespmem:$0x0]  }
0xa4: {  	s12 =	simm.s32 $0x4000;
	s25 =	sadd.s32 s1, s3  }
0xa5: {  	[tilespmem:s12], [sflag:$0x1] =	stream.linear.gather [hbm4b:s25+s10], $0x2000, $0x38;
	v63 =	vld [tilespmem:$0x0]  }
0xa6: {  	s31 =	simm.s32 $0x8000;
	s26 =	sadd.s32 s2, s3  }
0xa7: {  	[tilespmem:s31], [sflag:$0x1] =	stream.linear.gather [hbm4b:s26+s10], $0x2000, $0x38;
	v63 =	vld [tilespmem:$0x0]  }
0xa8: {  	s13 =	simm.s32 $0xC000;
	s12 =	sadd.s32 s4, s3  }
0xa9: {  	[tilespmem:s13], [sflag:$0x1] =	stream.linear.gather [hbm4b:s12+s10], $0x2000, $0x38;
	v63 =	vld [tilespmem:$0x0]  }
0xaa: {  	s16 =	simm.s32 $0x10000;
	s15 =	sadd.s32 s5, s3  }
0xab: {  	[tilespmem:s16], [sflag:$0x1] =	stream.linear.gather [hbm4b:s15+s10], $0x2000, $0x38;
	v63 =	vld [tilespmem:$0x0]  }
0xac: {  	s18 =	simm.s32 $0x14000;
	s19 =	sadd.s32 s11, s24;
	s3 =	sadd.s32 s6, s3  }
0xad: {  	[tilespmem:s18], [sflag:$0x1] =	stream.linear.gather [hbm4b:s3+s10], $0x2000, $0x38;
	v63 =	vld [tilespmem:$0x0]  }
0xae: {  	s3 =	sshrl.u32 s19, $0x3  }
0xaf: {  	s21 =	simm.s32 $0x18000;
	s20 =	sadd.s32 s8, s3  }
0xb0: {  	[hbm4b:s20+s10] =	stream.linear.scatter [tilespmem:s21], [sflag:$0x3], $0x2000, $0x38;
	v63 =	vld [tilespmem:$0x0]  }
0xb1: {  	s22 =	simm.s32 $0x1C000;
	s3 =	sadd.s32 s9, s3  }
0xb2: {  	[hbm4b:s3+s10] =	stream.linear.scatter [tilespmem:s22], [sflag:$0x3], $0x2000, $0x38;
	v63 =	vld [tilespmem:$0x0]  }
0xb3: {  	_ =	swait.ge [sflag:s17], $0x2000  }
0xb4: {  	[sflag:s17] =	ssyncset.done $0x0  }
0xb5: {  	[sflag:s17] =	ssyncadd.s32 $0xFFFFE000  }
0xb6: {  	_ =	swait.ge [sflag:s17], $0x2000  }
0xb7: {  	[sflag:s17] =	ssyncset.done $0x0  }
0xb8: {  	[sflag:s17] =	ssyncadd.s32 $0xFFFFE000  }
0xb9: {  	_ =	swait.ge [sflag:s17], $0x2000  }
0xba: {  	s25 =	simm.s32 $0x0;
	[sflag:s17] =	ssyncset.done $0x0  }
0xbb: {  	s26 =	sor.u32 $0x3, s25;
	[sflag:s17] =	ssyncadd.s32 $0xFFFFE000  }
0xbc: {  	s13 =	sand.u32 $0xFFFF, s26;
	_ =	swait.ge [sflag:s17], $0x2000  }
0xbd: {  	s13 =	smul.u32 $0xAAAB, s13;
	[sflag:s17] =	ssyncset.done $0x0  }
0xbe: {  	[sflag:s17] =	ssyncadd.s32 $0xFFFFE000  }
0xbf: {  	s15 =	sor.u32 $0x1, s25;
	s13 =	sshrl.u32 s13, $0x13;
	_ =	swait.ge [sflag:s17], $0x2000  }
0xc0: {  	s18 =	sand.u32 $0xFFFF, s15;
	s13 =	smul.u32 $0xC, s13;
	[sflag:s17] =	ssyncset.done $0x0  }
0xc1: {  	s19 =	sor.u32 $0x2, s25;
	s18 =	smul.u32 $0xAAAB, s18;
	[sflag:s17] =	ssyncadd.s32 $0xFFFFE000  }
0xc2: {  	s12 =	simm.s32 @!p0 $0x4;
	s31 =	sand.u32 $0xFFFF, s19;
	_ =	swait.ge [sflag:s17], $0x2000  }
0xc3: {  	s7 =	ssub.s32 s26, s13;
	s16 =	sshrl.u32 s18, $0x13;
	[sflag:s17] =	ssyncset.done $0x0  }
0xc4: {  	s21 =	sshll.u32 s7, $0x4;
	s7 =	sshll.u32 s7, $0x7;
	[sflag:s17] =	ssyncadd.s32 $0xFFFFE000  }
0xc5: {  	s3 =	smul.u32 $0xAAAB, s25;
	s7 =	sor.u32 s7, s21;
	_ =	swait.ge @!p0 [sflag:s12], $0x2000  }
0xc6: {  	s13 =	smul.u32 $0xC, s16;
	s7 =	sand.u32 $0x470, s7;
	[sflag:s12] =	ssyncset.done @!p0 $0x0  }
0xc7: {  	s22 =	sshrl.u32 s3, $0xB;
	s25 =	sshrl.u32 s3, $0xC;
	[sflag:s12] =	ssyncadd.s32 @!p0 $0xFFFFE000  }
0xc8: {  	s26 =	sand.u32 $0x3800, s22;
	s21 =	sand.u32 $0x380, s25;
	_ =	swait.ge @!p0 [sflag:s12], $0x2000  }
0xc9: {  	s25 =	sadd.s32 $0x2000, s26;
	s7 =	sor.u32 s21, s7;
	[sflag:s12] =	ssyncset.done @!p0 $0x0  }
0xca: {  	s31 =	smul.u32 $0xAAAB, s31;
	s18 =	sor.u32 s25, s7;
	[sflag:s12] =	ssyncadd.s32 @!p0 $0xFFFFE000  }
0xcb: {  	s16 =	ssub.s32 s15, s13;
	v0 =	vld [tilespmem:s18+$0x8000]  }
0xcc: {  	s13 =	sshll.u32 s16, $0x4;
	s7 =	sshll.u32 s16, $0x7;
	s12 =	sshrl.u32 s31, $0x13;
	v1 =	vld [tilespmem:s18+$0x0]  }
0xcd: {  	s7 =	sor.u32 s7, s13;
	s12 =	smul.u32 $0xC, s12;
	v2 =	vld [tilespmem:s18+$0xC000]  }
0xce: {  	s7 =	sand.u32 $0x450, s7;
	v3 =	vld [tilespmem:s18+$0x4000]  }
0xcf: {  	s3 =	sshrl.u32 s3, $0x13;
	s7 =	sor.u32 s21, s7;
	v4 =	vld [tilespmem:s18+$0x10000];
	s12 =	ssub.s32 s19, s12  }
0xd0: {  	s22 =	sor.u32 s25, s7;
	v5 =	vld [tilespmem:s18+$0x14000];
	s19 =	sshll.u32 s12, $0x4;
	s12 =	sshll.u32 s12, $0x7  }
0xd1: {  	s3 =	smul.u32 $0xC, s3;
	v6 =	vld [tilespmem:s22+$0x0];
	s20 =	sor.u32 s12, s19  }
0xd2: {  	v7 =	vld [tilespmem:s22+$0xC000];
	s7 =	sand.u32 $0x460, s20  }
0xd3: {  	s3 =	ssub.s32 $0x0, s3;
	v8 =	vld [tilespmem:s22+$0x4000];
	s7 =	sor.u32 s21, s7  }
0xd4: {  	s26 =	sshll.u32 s3, $0x4;
	s3 =	sshll.u32 s3, $0x7;
	v9 =	vld [tilespmem:s22+$0x10000];
	s19 =	sor.u32 s25, s7  }
0xd5: {  	s3 =	sor.u32 s3, s26;
	s26 =	simm.s32 $0x4;
	v10 =	vld [tilespmem:s19+$0x0]  }
0xd6: {  	s3 =	sand.u32 $0x440, s3;
	s31 =	sor.u32 $0x3, s26;
	v11 =	vmul.f32 v1, v1;
	v12 =	vmul.f32 v2, v2;
	v13 =	vld [tilespmem:s19+$0xC000]  }
0xd7: {  	s3 =	sor.u32 s21, s3;
	s15 =	sand.u32 $0xFFFF, s31;
	v14 =	vmul.f32 v3, v3;
	v15 =	vmul.f32 v4, v4;
	v16 =	vld [tilespmem:s19+$0x4000]  }
0xd8: {  	s12 =	smul.u32 $0xAAAB, s15;
	v17 =	vmul.f32 v0, v0;
	s25 =	sor.u32 s25, s3;
	v18 =	vld [tilespmem:s19+$0x10000]  }
0xd9: {  	v19 =	vmul.f32 v5, v5;
	v11 =	vadd.f32 v12, v11;
	v12 =	vadd.f32 v15, v14;
	v14 =	vld [tilespmem:s25+$0x0]  }
0xda: {  	v51 =	vmul.f32 v7, v7;
	s20 =	sor.u32 $0x2, s26;
	s12 =	sshrl.u32 s12, $0x13;
	v15 =	vmul.f32 v6, v6;
	v52 =	vld [tilespmem:s25+$0xC000]  }
0xdb: {  	s21 =	sand.u32 $0xFFFF, s20;
	s3 =	sor.u32 $0x1, s26;
	v17 =	vadd.f32 v19, v17;
	v19 =	vmul.f32 v8, v8;
	s12 =	smul.u32 $0xC, s12;
	v53 =	vld [tilespmem:s25+$0x4000];
	vm0 =	vgt.f32 v12, v11  }
0xdc: {  	s15 =	smul.u32 $0xAAAB, s21;
	s16 =	sand.u32 $0xFFFF, s3;
	v54 =	vld [tilespmem:s25+$0x10000];
	v11 =	vmax.f32 v11, v12;
	v12 =	vmul.f32 v9, v9;
	v2 =	vsel vm0, v4, v2  }
0xdd: {  	v56 =	vld [tilespmem:s19+$0x14000];
	s13 =	smul.u32 $0xAAAB, s16;
	vm1 =	vgt.f32 v17, v11;
	v4 =	vadd.f32 v51, v15;
	v1 =	vsel vm0, v3, v1  }
0xde: {  	s16 =	smul.u32 $0xAAAB, s26;
	s7 =	ssub.s32 s31, s12;
	v15 =	vld [tilespmem:s22+$0x8000];
	v12 =	vadd.f32 v12, v19;
	v5 =	vsel vm1, v5, v2;
	v11 =	vmul.f32 v10, v10  }
0xdf: {  	s31 =	sshll.u32 s7, $0x4;
	s7 =	sshll.u32 s7, $0x7;
	v19 =	vld [tilespmem:s22+$0x14000];
	s12 =	sshrl.u32 s13, $0x13;
	v55 =	vsel vm1, v0, v1;
	v17 =	vmul.f32 v13, v13;
	v2 =	vmul.f32 v16, v16  }
0xe0: {  	v58 =	vld [tilespmem:s25+$0x8000];
	s21 =	sshrl.u32 s16, $0xB;
	s13 =	sor.u32 s7, s31;
	s31 =	sshrl.u32 s16, $0xC;
	vm0 =	vgt.f32 v12, v4;
	v0 =	vmul.f32 v18, v18;
	v1 =	vmul.f32 v14, v14  }
0xe1: {  	s21 =	sand.u32 $0x3800, s21;
	s7 =	sand.u32 $0x380, s31;
	s13 =	sand.u32 $0x470, s13;
	v57 =	vmul.f32 v53, v53;
	v59 =	vmul.f32 v54, v54;
	v11 =	vadd.f32 v17, v11;
	v17 =	vld [tilespmem:s19+$0x8000]  }
0xe2: {  	v3 =	vld [tilespmem:s25+$0x14000];
	s12 =	smul.u32 $0xC, s12;
	s31 =	sadd.s32 $0x2000, s21;
	s13 =	sor.u32 s7, s13;
	v4 =	vmax.f32 v4, v12;
	v60 =	vmul.f32 v56, v56;
	v2 =	vadd.f32 v0, v2  }
0xe3: {  	s15 =	sshrl.u32 s15, $0x13;
	v8 =	vsel vm0, v8, v6;
	v6 =	vmul.f32 v52, v52;
	s21 =	sor.u32 s31, s13;
	v7 =	vsel vm0, v9, v7  }
0xe4: {  	s16 =	sshrl.u32 s16, $0x13;
	s13 =	smul.u32 $0xC, s15;
	s3 =	ssub.s32 s3, s12;
	v12 =	vmul.f32 v15, v15;
	v0 =	vld [tilespmem:s21+$0x8000];
	v28 =	vmul.f32 v19, v19;
	vm0 =	vgt.f32 v2, v11  }
0xe5: {  	[tilespmem:s18+$0x1C000] =	vst v5;
	v5 =	vmul.f32 v58, v58;
	s12 =	smul.u32 $0xC, s16;
	s16 =	sshll.u32 s3, $0x4;
	s3 =	sshll.u32 s3, $0x7;
	v29 =	vadd.f32 v6, v1;
	v1 =	vld [tilespmem:s21+$0x0];
	v16 =	vsel vm0, v16, v10  }
0xe6: {  	s3 =	sor.u32 s3, s16;
	v6 =	vld [tilespmem:s21+$0xC000];
	v10 =	vadd.f32 v59, v57;
	v9 =	vadd.f32 v28, v12;
	v12 =	vmul.f32 v17, v17  }
0xe7: {  	s13 =	ssub.s32 s20, s13;
	s12 =	ssub.s32 $0x4, s12;
	v11 =	vmax.f32 v11, v2;
	s3 =	sand.u32 $0x450, s3;
	v2 =	vld [tilespmem:s21+$0x4000];
	v13 =	vsel vm0, v18, v13;
	v18 =	vmul.f32 v3, v3  }
0xe8: {  	s15 =	sshll.u32 s13, $0x4;
	s13 =	sshll.u32 s13, $0x7;
	s3 =	sor.u32 s7, s3;
	vm0 =	vgt.f32 v10, v29;
	vm1 =	vgt.f32 v9, v4;
	v9 =	vld [tilespmem:s21+$0x10000];
	v12 =	vadd.f32 v60, v12  }
0xe9: {  	[tilespmem:s18+$0x18000] =	vst v55;
	s18 =	sshll.u32 s12, $0x4;
	s12 =	sshll.u32 s12, $0x7;
	s20 =	sor.u32 s31, s3;
	v62 =	vmax.f32 v29, v10;
	v10 =	vld [tilespmem:s21+$0x14000];
	v61 =	vsel vm0, v53, v14;
	v8 =	vsel vm1, v15, v8  }
0xea: {  	s16 =	sor.u32 s12, s18;
	s18 =	sor.u32 s13, s15;
	v4 =	vld [tilespmem:s20+$0x0];
	v7 =	vsel vm1, v19, v7;
	v15 =	vadd.f32 v18, v5;
	[tilespmem:s22+$0x18000] =	vst v8;
	vm1 =	vgt.f32 v12, v11  }
0xeb: {  	s3 =	sand.u32 $0x440, s16;
	s12 =	sand.u32 $0x460, s18;
	v5 =	vld [tilespmem:s20+$0xC000];
	v14 =	vmul.f32 v6, v6;
	[tilespmem:s22+$0x1C000] =	vst v7;
	v11 =	vsel vm0, v54, v52;
	v8 =	vsel vm1, v17, v16  }
0xec: {  	s3 =	sor.u32 s7, s3;
	s7 =	sor.u32 s7, s12;
	v7 =	vld [tilespmem:s20+$0x4000];
	vm0 =	vgt.f32 v15, v62;
	v15 =	vmul.f32 v2, v2;
	v12 =	vsel vm1, v56, v13;
	[tilespmem:s19+$0x18000] =	vst v8  }
0xed: {  	s18 =	sor.u32 s31, s3;
	s22 =	sor.u32 s31, s7;
	v13 =	vmul.f32 v1, v1;
	v16 =	vmul.f32 v9, v9;
	[tilespmem:s19+$0x1C000] =	vst v12;
	v8 =	vld [tilespmem:s20+$0x10000];
	v12 =	vsel vm0, v58, v61  }
.LBB2_5:
0xee: {  	s26 =	sadd.s32 $0x4, s26  }
0xef: {  	v17 =	vld [tilespmem:s22+$0x0];
	v18 =	vmul.f32 v0, v0;
	v19 =	vmul.f32 v10, v10;
	[tilespmem:s25+$0x18000] =	vst v12;
	v3 =	vsel vm0, v3, v11;
	s31 =	sor.u32 $0x1, s26  }
0xf0: {  	v13 =	vadd.f32 v14, v13;
	s19 =	sor.u32 $0x2, s26;
	s3 =	sor.u32 $0x3, s26;
	v11 =	vmul.f32 v4, v4;
	v12 =	vld [tilespmem:s22+$0xC000];
	v14 =	vadd.f32 v16, v15;
	[tilespmem:s25+$0x1C000] =	vst v3;
	s15 =	smul.u32 $0xAAAB, s26  }
0xf1: {  	s7 =	sand.u32 $0xFFFF, s31;
	s12 =	sand.u32 $0xFFFF, s19;
	s13 =	sand.u32 $0xFFFF, s3;
	v3 =	vmul.f32 v5, v5;
	v15 =	vld [tilespmem:s22+$0x4000];
	v16 =	vadd.f32 v19, v18  }
0xf2: {  	s25 =	smov.u32 s18;
	s13 =	smul.u32 $0xAAAB, s13;
	v18 =	vmul.f32 v7, v7;
	v19 =	vld [tilespmem:s22+$0x10000];
	vm0 =	vgt.f32 v14, v13;
	v13 =	vmax.f32 v13, v14  }
0xf3: {  	p0 =	slt.u32 s26, $0x17C;
	s7 =	smul.u32 $0xAAAB, s7;
	v14 =	vld [tilespmem:s25+$0x0];
	v20 =	vmul.f32 v8, v8;
	v6 =	vsel vm0, v9, v6;
	vm1 =	vgt.f32 v16, v13  }
0xf4: {  	s12 =	smul.u32 $0xAAAB, s12;
	v3 =	vadd.f32 v3, v11;
	s13 =	sshrl.u32 s13, $0x13;
	v13 =	vld [tilespmem:s25+$0xC000];
	v9 =	vmul.f32 v17, v17;
	v6 =	vsel vm1, v10, v6  }
0xf5: {  	v1 =	vsel vm0, v2, v1;
	s7 =	sshrl.u32 s7, $0x13;
	s13 =	smul.u32 $0xC, s13;
	v10 =	vld [tilespmem:s25+$0x4000];
	v11 =	vadd.f32 v20, v18;
	v16 =	vmul.f32 v12, v12;
	[tilespmem:s21+$0x1C000] =	vst v6  }
0xf6: {  	s16 =	sshrl.u32 s15, $0xB;
	s12 =	sshrl.u32 s12, $0x13;
	v0 =	vsel vm1, v0, v1;
	s7 =	smul.u32 $0xC, s7;
	v18 =	vld [tilespmem:s25+$0x10000];
	v2 =	vmul.f32 v15, v15  }
0xf7: {  	s18 =	sshrl.u32 s15, $0xC;
	s15 =	sshrl.u32 s15, $0x13;
	s3 =	ssub.s32 s3, s13;
	v20 =	vld [tilespmem:s20+$0x8000];
	vm0 =	vgt.f32 v11, v3;
	v1 =	vadd.f32 v16, v9;
	v6 =	vmul.f32 v19, v19;
	[tilespmem:s21+$0x18000] =	vst v0  }
0xf8: {  	s12 =	smul.u32 $0xC, s12;
	s13 =	sshll.u32 s3, $0x4;
	s3 =	sshll.u32 s3, $0x7;
	v0 =	vmul.f32 v14, v14;
	v16 =	vld [tilespmem:s20+$0x14000];
	v4 =	vsel vm0, v7, v4;
	v7 =	vmax.f32 v3, v11  }
0xf9: {  	s15 =	smul.u32 $0xC, s15;
	v5 =	vsel vm0, v8, v5;
	s3 =	sor.u32 s3, s13;
	v3 =	vmul.f32 v13, v13;
	v8 =	vld [tilespmem:s22+$0x8000];
	v2 =	vadd.f32 v6, v2  }
0xfa: {  	s13 =	sand.u32 $0x3800, s16;
	s16 =	sand.u32 $0x380, s18;
	s18 =	sand.u32 $0x470, s3;
	v6 =	vmul.f32 v10, v10;
	v21 =	vld [tilespmem:s22+$0x14000]  }
0xfb: {  	s3 =	sadd.s32 $0x2000, s13;
	s13 =	sor.u32 s16, s18;
	v22 =	vld [tilespmem:s25+$0x8000];
	v9 =	vadd.f32 v3, v0;
	v11 =	vmul.f32 v18, v18;
	vm0 =	vgt.f32 v2, v1  }
0xfc: {  	s15 =	ssub.s32 s26, s15;
	s7 =	ssub.s32 s31, s7;
	s21 =	sor.u32 s3, s13;
	v3 =	vld [tilespmem:s25+$0x14000];
	v23 =	vmul.f32 v20, v20;
	v15 =	vsel vm0, v15, v17;
	v17 =	vmax.f32 v1, v2  }
0xfd: {  	s12 =	ssub.s32 s19, s12;
	s13 =	sshll.u32 s7, $0x4;
	s7 =	sshll.u32 s7, $0x7;
	v12 =	vsel vm0, v19, v12;
	v0 =	vld [tilespmem:s21+$0x8000];
	v11 =	vadd.f32 v11, v6;
	v2 =	vmul.f32 v16, v16  }
0xfe: {  	s19 =	sshll.u32 s15, $0x4;
	s18 =	sshll.u32 s12, $0x4;
	s12 =	sshll.u32 s12, $0x7;
	v1 =	vld [tilespmem:s21+$0x0];
	v19 =	vmul.f32 v8, v8  }
0xff: {  	s15 =	sshll.u32 s15, $0x7;
	s12 =	sor.u32 s12, s18;
	s7 =	sor.u32 s7, s13;
	v6 =	vld [tilespmem:s21+$0xC000];
	vm0 =	vgt.f32 v11, v9;
	v23 =	vadd.f32 v2, v23;
	v24 =	vmul.f32 v21, v21  }
0x100: {  	s13 =	sor.u32 s15, s19;
	s12 =	sand.u32 $0x460, s12;
	s7 =	sand.u32 $0x450, s7;
	v27 =	vmax.f32 v9, v11;
	v2 =	vld [tilespmem:s21+$0x4000];
	v25 =	vmul.f32 v22, v22;
	v26 =	vsel vm0, v10, v14  }
0x101: {  	s13 =	sand.u32 $0x440, s13;
	s12 =	sor.u32 s16, s12;
	s7 =	sor.u32 s16, s7;
	v9 =	vld [tilespmem:s21+$0x10000];
	v14 =	vmul.f32 v3, v3;
	vm1 =	vgt.f32 v23, v7;
	v7 =	vadd.f32 v24, v19  }
.Ltmp1:
0x102: {  	s13 =	sor.u32 s16, s13;
	s7 =	sor.u32 s3, s7;
	v11 =	vsel vm0, v18, v13;
	v10 =	vld [tilespmem:s21+$0x14000];
	v13 =	vsel vm1, v20, v4;
	v16 =	vsel vm1, v16, v5;
	(pc) =	sbr.rel @p0 .LBB2_5-.Ltmp1, $4  }
0x103: {  	s18 =	sor.u32 s3, s13;
	s3 =	sor.u32 s3, s12;
	v4 =	vld [tilespmem:s7+$0x0];
	v18 =	vadd.f32 v14, v25;
	[tilespmem:s20+$0x18000] =	vst v13;
	vm0 =	vgt.f32 v7, v17  }
0x104: {  	v5 =	vld [tilespmem:s7+$0xC000];
	[tilespmem:s20+$0x1C000] =	vst v16;
	v8 =	vsel vm0, v8, v15;
	v17 =	vsel vm0, v21, v12;
	s20 =	smov.u32 s7  }
0x105: {  	v13 =	vmul.f32 v1, v1;
	v14 =	vmul.f32 v6, v6;
	v7 =	vld [tilespmem:s20+$0x4000];
	vm0 =	vgt.f32 v18, v27;
	[tilespmem:s22+$0x18000] =	vst v8  }
0x106: {  	v15 =	vmul.f32 v2, v2;
	v8 =	vld [tilespmem:s20+$0x10000];
	v16 =	vmul.f32 v9, v9;
	v12 =	vsel vm0, v22, v26;
	[tilespmem:s22+$0x1C000] =	vst v17;
	s22 =	smov.u32 s3  }
0x107: {  	v17 =	vld [tilespmem:s22+$0x0]  }
0x108: {  	v18 =	vld [tilespmem:s22+$0xC000]  }
0x109: {  	v19 =	vld [tilespmem:s22+$0x4000]  }
0x10a: {  	v21 =	vld [tilespmem:s22+$0x10000]  }
0x10b: {  	v23 =	vld [tilespmem:s18+$0xC000]  }
0x10c: {  	v24 =	vld [tilespmem:s20+$0x8000]  }
0x10d: {  	v20 =	vmul.f32 v0, v0;
	v62 =	vld [tilespmem:s20+$0x14000]  }
0x10e: {  	v22 =	vmul.f32 v10, v10;
	v13 =	vadd.f32 v14, v13;
	v33 =	vld [tilespmem:s18+$0x4000];
	v57 =	vadd.f32 v16, v15  }
0x10f: {  	v3 =	vsel vm0, v3, v11;
	v36 =	vld [tilespmem:s18+$0x10000];
	v58 =	vmul.f32 v4, v4;
	v59 =	vmul.f32 v5, v5  }
0x110: {  	v25 =	vld [tilespmem:s22+$0x8000];
	v20 =	vadd.f32 v22, v20;
	v60 =	vmul.f32 v7, v7;
	vm9 =	vgt.f32 v57, v13  }
0x111: {  	v41 =	vld [tilespmem:s22+$0x14000];
	v13 =	vmax.f32 v13, v57;
	v61 =	vmul.f32 v8, v8;
	v6 =	vsel vm9, v9, v6  }
0x112: {  	v42 =	vld [tilespmem:s18+$0x8000];
	vm1 =	vgt.f32 v20, v13;
	v32 =	vmul.f32 v17, v17;
	v35 =	vmul.f32 v18, v18  }
0x113: {  	v28 =	vld [tilespmem:s18+$0x14000];
	v11 =	vadd.f32 v59, v58;
	v37 =	vmul.f32 v19, v19;
	v38 =	vmul.f32 v21, v21  }
0x114: {  	v15 =	vld [tilespmem:s18+$0x0];
	v1 =	vsel vm9, v2, v1;
	v43 =	vmul.f32 v24, v24;
	v26 =	vmul.f32 v62, v62  }
0x115: {  	v6 =	vsel vm1, v10, v6;
	v45 =	vmul.f32 v23, v23;
	v49 =	vmul.f32 v25, v25  }
0x116: {  	v39 =	vsel vm1, v0, v1;
	v50 =	vmul.f32 v41, v41;
	v51 =	vmul.f32 v33, v33  }
0x117: {  	v52 =	vmul.f32 v36, v36;
	v53 =	vmul.f32 v42, v42;
	v34 =	vadd.f32 v61, v60  }
0x118: {  	v54 =	vmul.f32 v28, v28;
	v40 =	vadd.f32 v35, v32;
	v2 =	vadd.f32 v38, v37  }
0x119: {  	v27 =	vmul.f32 v15, v15;
	v46 =	vadd.f32 v26, v43;
	v55 =	vadd.f32 v52, v51  }
0x11a: {  	[tilespmem:s25+$0x18000] =	vst v12;
	v59 =	vadd.f32 v54, v53;
	vm10 =	vgt.f32 v34, v11;
	v10 =	vmax.f32 v11, v34  }
0x11b: {  	[tilespmem:s25+$0x1C000] =	vst v3;
	v44 =	vsel vm10, v7, v4;
	vm11 =	vgt.f32 v2, v40;
	v47 =	vsel vm10, v8, v5  }
0x11c: {  	[tilespmem:s21+$0x1C000] =	vst v6;
	v7 =	vadd.f32 v45, v27;
	vm12 =	vgt.f32 v46, v10;
	v10 =	vadd.f32 v50, v49  }
0x11d: {  	[tilespmem:s21+$0x18000] =	vst v39;
	v1 =	vmax.f32 v40, v2;
	v48 =	vsel vm11, v19, v17;
	v57 =	vsel vm12, v24, v44  }
0x11e: {  	v56 =	vsel vm11, v21, v18;
	v58 =	vsel vm12, v62, v47;
	[tilespmem:s20+$0x18000] =	vst v57;
	vm13 =	vgt.f32 v10, v1  }
0x11f: {  	vm14 =	vgt.f32 v55, v7;
	v0 =	vmax.f32 v7, v55;
	[tilespmem:s20+$0x1C000] =	vst v58;
	v1 =	vsel vm13, v25, v48  }
0x120: {  	p0 =	seq.s32 s23, $0x17;
	v60 =	vsel vm14, v33, v15;
	v2 =	vsel vm13, v41, v56;
	vm15 =	vgt.f32 v59, v0;
	[tilespmem:s22+$0x18000] =	vst v1  }
0x121: {  	s3 =	sadd.s32 @!p0 s24, s30;
	v61 =	vsel vm14, v36, v23;
	v62 =	vsel vm15, v42, v60;
	[tilespmem:s22+$0x1C000] =	vst v2  }
0x122: {  	s3 =	sshrl.u32 @!p0 s3, $0x3;
	v0 =	vsel vm15, v28, v61;
	[tilespmem:s18+$0x18000] =	vst v62  }
0x123: {  	s12 =	simm.s32 @!p0 $0x0;
	s13 =	simm.s32 @!p0 $0x2000;
	s7 =	sadd.s32 @!p0 s0, s3;
	[tilespmem:s18+$0x1C000] =	vst v0  }
0x124: {  	[tilespmem:s13], [sflag:$0x2] =	stream.linear.gather @!p0 [hbm4b:s7+s12], $0x2000, $0x38;
	v63 =	vld [tilespmem:$0x0]  }
0x125: {  	s7 =	sadd.s32 @!p0 s1, s3;
	s13 =	simm.s32 @!p0 $0x6000  }
0x126: {  	[tilespmem:s13], [sflag:$0x2] =	stream.linear.gather @!p0 [hbm4b:s7+s12], $0x2000, $0x38;
	v63 =	vld [tilespmem:$0x0]  }
0x127: {  	s7 =	sadd.s32 @!p0 s2, s3;
	s13 =	simm.s32 @!p0 $0xA000  }
0x128: {  	[tilespmem:s13], [sflag:$0x2] =	stream.linear.gather @!p0 [hbm4b:s7+s12], $0x2000, $0x38;
	v63 =	vld [tilespmem:$0x0]  }
0x129: {  	s7 =	sadd.s32 @!p0 s4, s3;
	s13 =	simm.s32 @!p0 $0xE000  }
0x12a: {  	[tilespmem:s13], [sflag:$0x2] =	stream.linear.gather @!p0 [hbm4b:s7+s12], $0x2000, $0x38;
	v63 =	vld [tilespmem:$0x0]  }
0x12b: {  	s24 =	sshll.u32 s23, $0xB;
	s7 =	sadd.s32 @!p0 s5, s3;
	s13 =	simm.s32 @!p0 $0x12000  }
0x12c: {  	[tilespmem:s13], [sflag:$0x2] =	stream.linear.gather @!p0 [hbm4b:s7+s12], $0x2000, $0x38;
	v63 =	vld [tilespmem:$0x0]  }
0x12d: {  	s23 =	sadd.s32 $0x1, s23;
	s3 =	sadd.s32 @!p0 s6, s3;
	s7 =	simm.s32 @!p0 $0x16000  }
0x12e: {  	[tilespmem:s7], [sflag:$0x2] =	stream.linear.gather @!p0 [hbm4b:s3+s12], $0x2000, $0x38;
	v63 =	vld [tilespmem:$0x0]  }
0x12f: {  	p0 =	sne.s32 s23, $0x18  }
.Ltmp2:
0x130: {  	s3 =	sadd.s32 s28, s24;
	(pc) =	sbr.rel @p0 .LBB2_2-.Ltmp2, $4  }
0x131: {  	s26 =	simm.s32 $0x1A000;
	s25 =	sadd.s32 s8, s3  }
0x132: {  	[hbm4b:s25+s10] =	stream.linear.scatter [tilespmem:s26], [sflag:$0x4], $0x2000, $0x38;
	v63 =	vld [tilespmem:$0x0]  }
0x133: {  	s31 =	simm.s32 $0x1E000;
	s3 =	sadd.s32 s9, s3  }
0x134: {  	[hbm4b:s3+s10] =	stream.linear.scatter [tilespmem:s31], [sflag:$0x4], $0x2000, $0x38;
	v63 =	vld [tilespmem:$0x0]  }
0x135: {  	_ =	swait.ge [sflag:s14], $0x2000  }
0x136: {  	[sflag:s14] =	ssyncset.done $0x0  }
0x137: {  	[sflag:s14] =	ssyncadd.s32 $0xFFFFE000  }
0x138: {  	_ =	swait.ge [sflag:s14], $0x2000  }
0x139: {  	[sflag:s14] =	ssyncset.done $0x0  }
0x13a: {  	[sflag:s14] =	ssyncadd.s32 $0xFFFFE000  }
0x13b: {  	_ =	swait.ge [sflag:s14], $0x2000  }
0x13c: {  	[sflag:s14] =	ssyncset.done $0x0  }
0x13d: {  	[sflag:s14] =	ssyncadd.s32 $0xFFFFE000  }
0x13e: {  	_ =	swait.ge [sflag:s14], $0x2000  }
0x13f: {  	s3 =	simm.s32 $0x0;
	[sflag:s14] =	ssyncset.done $0x0  }
0x140: {  	s7 =	sor.u32 $0x3, s3;
	[sflag:s14] =	ssyncadd.s32 $0xFFFFE000  }
0x141: {  	s13 =	sor.u32 $0x1, s3;
	s12 =	sand.u32 $0xFFFF, s7;
	_ =	swait.ge [sflag:s14], $0x2000  }
0x142: {  	s16 =	sor.u32 $0x2, s3;
	s12 =	smul.u32 $0xAAAB, s12;
	[sflag:s14] =	ssyncset.done $0x0  }
0x143: {  	s3 =	smul.u32 $0xAAAB, s3;
	s15 =	sand.u32 $0xFFFF, s13;
	[sflag:s14] =	ssyncadd.s32 $0xFFFFE000  }
0x144: {  	s15 =	smul.u32 $0xAAAB, s15;
	s12 =	sshrl.u32 s12, $0x13;
	_ =	swait.ge [sflag:s14], $0x2000  }
0x145: {  	s31 =	simm.s32 $0x3;
	s12 =	smul.u32 $0xC, s12;
	[sflag:s14] =	ssyncset.done $0x0  }
0x146: {  	s19 =	sshrl.u32 s3, $0xB;
	s24 =	sshrl.u32 s3, $0xC;
	[sflag:s14] =	ssyncadd.s32 $0xFFFFE000  }
0x147: {  	s21 =	sand.u32 $0x3800, s19;
	s7 =	ssub.s32 s7, s12;
	_ =	swait.ge [sflag:s31], $0x2000  }
0x148: {  	s18 =	sshll.u32 s7, $0x4;
	s7 =	sshll.u32 s7, $0x7;
	[sflag:s31] =	ssyncset.done $0x0  }
0x149: {  	s22 =	sand.u32 $0x380, s24;
	s7 =	sor.u32 s7, s18;
	[sflag:s31] =	ssyncadd.s32 $0xFFFFE000  }
0x14a: {  	s15 =	sshrl.u32 s15, $0x13;
	s7 =	sand.u32 $0x470, s7;
	_ =	swait.ge [sflag:s31], $0x2000  }
0x14b: {  	s15 =	smul.u32 $0xC, s15;
	s7 =	sor.u32 s21, s7;
	[sflag:s31] =	ssyncset.done $0x0  }
0x14c: {  	s20 =	sor.u32 s22, s7;
	[sflag:s31] =	ssyncadd.s32 $0xFFFFE000  }
0x14d: {  	s23 =	sand.u32 $0xFFFF, s16;
	s3 =	sshrl.u32 s3, $0x13;
	s25 =	ssub.s32 s13, s15;
	v0 =	vld [tilespmem:s20+$0x8000]  }
0x14e: {  	s12 =	smul.u32 $0xAAAB, s23;
	s13 =	sshll.u32 s25, $0x4;
	s7 =	sshll.u32 s25, $0x7;
	v1 =	vld [tilespmem:s20+$0x0]  }
0x14f: {  	s3 =	smul.u32 $0xC, s3;
	s7 =	sor.u32 s7, s13;
	v2 =	vld [tilespmem:s20+$0xC000]  }
0x150: {  	s12 =	sshrl.u32 s12, $0x13;
	s7 =	sand.u32 $0x450, s7;
	v3 =	vld [tilespmem:s20+$0x4000]  }
0x151: {  	s3 =	ssub.s32 $0x0, s3;
	s12 =	smul.u32 $0xC, s12;
	s7 =	sor.u32 s21, s7;
	v4 =	vld [tilespmem:s20+$0x10000]  }
0x152: {  	s13 =	sshll.u32 s3, $0x4;
	s3 =	sshll.u32 s3, $0x7;
	s19 =	sor.u32 s22, s7;
	v5 =	vld [tilespmem:s20+$0x14000]  }
0x153: {  	s12 =	ssub.s32 s16, s12;
	s3 =	sor.u32 s3, s13;
	v6 =	vld [tilespmem:s19+$0x0]  }
0x154: {  	s26 =	sshll.u32 s12, $0x4;
	s12 =	sshll.u32 s12, $0x7;
	s3 =	sand.u32 $0x440, s3;
	v7 =	vld [tilespmem:s19+$0xC000]  }
0x155: {  	s12 =	sor.u32 s12, s26;
	s3 =	sor.u32 s21, s3;
	v8 =	vld [tilespmem:s19+$0x4000]  }
0x156: {  	s7 =	sand.u32 $0x460, s12;
	s23 =	sor.u32 s22, s3;
	v9 =	vld [tilespmem:s19+$0x10000]  }
0x157: {  	s7 =	sor.u32 s21, s7;
	v22 =	vld [tilespmem:s23+$0x4000]  }
0x158: {  	s24 =	simm.s32 $0x4;
	s18 =	sor.u32 s22, s7;
	v60 =	vld [tilespmem:s19+$0x14000];
	v11 =	vmul.f32 v1, v1  }
0x159: {  	s15 =	sor.u32 $0x3, s24;
	v10 =	vld [tilespmem:s18+$0x0];
	v12 =	vmul.f32 v2, v2;
	v14 =	vmul.f32 v3, v3  }
0x15a: {  	s16 =	sand.u32 $0xFFFF, s15;
	v13 =	vld [tilespmem:s18+$0xC000];
	v15 =	vmul.f32 v4, v4;
	v17 =	vmul.f32 v0, v0  }
0x15b: {  	s3 =	smul.u32 $0xAAAB, s16;
	v16 =	vld [tilespmem:s18+$0x4000];
	v19 =	vmul.f32 v5, v5;
	v20 =	vmul.f32 v7, v7  }
0x15c: {  	v18 =	vld [tilespmem:s18+$0x10000];
	v25 =	vmul.f32 v22, v22;
	v11 =	vadd.f32 v12, v11;
	v12 =	vadd.f32 v15, v14  }
0x15d: {  	s26 =	smul.u32 $0xAAAB, s24;
	s7 =	sor.u32 $0x1, s24;
	s3 =	sshrl.u32 s3, $0x13;
	v24 =	vld [tilespmem:s18+$0x14000];
	v28 =	vmul.f32 v60, v60;
	v15 =	vmul.f32 v6, v6;
	v17 =	vadd.f32 v19, v17  }
0x15e: {  	s21 =	sand.u32 $0xFFFF, s7;
	s22 =	smul.u32 $0xC, s3;
	s3 =	sor.u32 $0x2, s24;
	v14 =	vld [tilespmem:s23+$0x0];
	v19 =	vmul.f32 v8, v8;
	vm0 =	vgt.f32 v12, v11;
	v11 =	vmax.f32 v11, v12  }
0x15f: {  	s13 =	smul.u32 $0xAAAB, s21;
	s25 =	sand.u32 $0xFFFF, s3;
	v21 =	vld [tilespmem:s23+$0xC000];
	v12 =	vmul.f32 v9, v9;
	v2 =	vsel vm0, v4, v2;
	vm1 =	vgt.f32 v17, v11  }
0x160: {  	s12 =	ssub.s32 s15, s22;
	s15 =	smul.u32 $0xAAAB, s25;
	v4 =	vld [tilespmem:s23+$0x10000];
	v11 =	vadd.f32 v20, v15;
	v15 =	vmul.f32 v10, v10;
	v1 =	vsel vm0, v3, v1  }
0x161: {  	s13 =	sshrl.u32 s13, $0x13;
	s21 =	sshll.u32 s12, $0x4;
	s12 =	sshll.u32 s12, $0x7;
	v17 =	vld [tilespmem:s19+$0x8000];
	v12 =	vadd.f32 v12, v19;
	v19 =	vmul.f32 v13, v13;
	v5 =	vsel vm1, v5, v2  }
0x162: {  	s22 =	sshrl.u32 s26, $0xB;
	s25 =	sshrl.u32 s26, $0xC;
	s12 =	sor.u32 s12, s21;
	v2 =	vmul.f32 v16, v16;
	v23 =	vsel vm1, v0, v1;
	v0 =	vmul.f32 v18, v18  }
0x163: {  	s22 =	sand.u32 $0x3800, s22;
	s13 =	smul.u32 $0xC, s13;
	s12 =	sand.u32 $0x470, s12;
	v61 =	vmul.f32 v24, v24;
	v1 =	vmul.f32 v14, v14;
	v15 =	vadd.f32 v19, v15;
	v19 =	vld [tilespmem:s18+$0x8000]  }
0x164: {  	s25 =	sand.u32 $0x380, s25;
	s12 =	sor.u32 s22, s12;
	v3 =	vld [tilespmem:s23+$0x14000];
	vm0 =	vgt.f32 v12, v11;
	v2 =	vadd.f32 v0, v2;
	v11 =	vmax.f32 v11, v12  }
0x165: {  	s26 =	sshrl.u32 s26, $0x13;
	v26 =	vld [tilespmem:s23+$0x8000];
	s7 =	ssub.s32 s7, s13;
	s21 =	sor.u32 s25, s12;
	v8 =	vsel vm0, v8, v6;
	v6 =	vmul.f32 v21, v21;
	v27 =	vmul.f32 v4, v4  }
0x166: {  	s16 =	smul.u32 $0xC, s26;
	s26 =	sshll.u32 s7, $0x4;
	s7 =	sshll.u32 s7, $0x7;
	v0 =	vld [tilespmem:s21+$0x8000];
	v7 =	vsel vm0, v9, v7;
	v12 =	vmul.f32 v17, v17;
	vm0 =	vgt.f32 v2, v15  }
0x167: {  	s15 =	sshrl.u32 s15, $0x13;
	s7 =	sor.u32 s7, s26;
	v29 =	vadd.f32 v6, v1;
	v16 =	vsel vm0, v16, v10;
	v1 =	vld [tilespmem:s21+$0x0];
	v10 =	vadd.f32 v27, v25  }
0x168: {  	s12 =	smul.u32 $0xC, s15;
	s7 =	sand.u32 $0x450, s7;
	v6 =	vld [tilespmem:s21+$0xC000];
	v9 =	vadd.f32 v28, v12;
	v12 =	vmax.f32 v15, v2;
	v15 =	vmul.f32 v19, v19  }
0x169: {  	s15 =	ssub.s32 $0x4, s16;
	s7 =	sor.u32 s22, s7;
	[tilespmem:s20+$0x1C000] =	vst v5;
	v13 =	vsel vm0, v18, v13;
	v18 =	vmul.f32 v3, v3;
	v2 =	vld [tilespmem:s21+$0x4000];
	vm0 =	vgt.f32 v10, v29  }
0x16a: {  	s13 =	sshll.u32 s15, $0x4;
	s3 =	ssub.s32 s3, s12;
	[tilespmem:s20+$0x18000] =	vst v23;
	s20 =	sor.u32 s25, s7;
	vm1 =	vgt.f32 v9, v11;
	v11 =	vmul.f32 v26, v26;
	v9 =	vld [tilespmem:s21+$0x10000];
	v15 =	vadd.f32 v61, v15  }
0x16b: {  	s12 =	sshll.u32 s15, $0x7;
	s16 =	sshll.u32 s3, $0x4;
	s3 =	sshll.u32 s3, $0x7;
	v5 =	vld [tilespmem:s20+$0x0];
	v62 =	vmax.f32 v29, v10;
	v22 =	vsel vm0, v22, v14;
	v8 =	vsel vm1, v17, v8  }
0x16c: {  	s26 =	sor.u32 s12, s13;
	s3 =	sor.u32 s3, s16;
	v10 =	vld [tilespmem:s21+$0x14000];
	v7 =	vsel vm1, v60, v7;
	v17 =	vadd.f32 v18, v11;
	[tilespmem:s19+$0x18000] =	vst v8;
	vm1 =	vgt.f32 v15, v12  }
0x16d: {  	s3 =	sand.u32 $0x460, s3;
	s7 =	sand.u32 $0x440, s26;
	v11 =	vsel vm0, v4, v21;
	v4 =	vld [tilespmem:s20+$0xC000];
	[tilespmem:s19+$0x1C000] =	vst v7;
	v14 =	vmul.f32 v6, v6;
	v8 =	vsel vm1, v19, v16  }
0x16e: {  	s3 =	sor.u32 s22, s3;
	s7 =	sor.u32 s22, s7;
	v7 =	vld [tilespmem:s20+$0x4000];
	v15 =	vmul.f32 v2, v2;
	v18 =	vsel vm1, v24, v13;
	vm0 =	vgt.f32 v17, v62;
	[tilespmem:s18+$0x18000] =	vst v8  }
0x16f: {  	s22 =	sor.u32 s25, s3;
	s19 =	sor.u32 s25, s7;
	v13 =	vmul.f32 v1, v1;
	v8 =	vld [tilespmem:s20+$0x10000];
	v16 =	vmul.f32 v9, v9;
	v12 =	vsel vm0, v26, v22;
	[tilespmem:s18+$0x1C000] =	vst v18  }
.LBB2_8:
0x170: {  	s24 =	sadd.s32 $0x4, s24  }
0x171: {  	v17 =	vld [tilespmem:s22+$0x0];
	v18 =	vmul.f32 v0, v0;
	v19 =	vmul.f32 v10, v10;
	[tilespmem:s23+$0x18000] =	vst v12;
	v3 =	vsel vm0, v3, v11;
	s18 =	sor.u32 $0x1, s24  }
0x172: {  	v13 =	vadd.f32 v14, v13;
	s25 =	sor.u32 $0x2, s24;
	s3 =	sor.u32 $0x3, s24;
	v11 =	vmul.f32 v5, v5;
	v12 =	vld [tilespmem:s22+$0xC000];
	v14 =	vadd.f32 v16, v15;
	[tilespmem:s23+$0x1C000] =	vst v3;
	s15 =	smul.u32 $0xAAAB, s24  }
0x173: {  	s7 =	sand.u32 $0xFFFF, s18;
	s12 =	sand.u32 $0xFFFF, s25;
	s13 =	sand.u32 $0xFFFF, s3;
	v3 =	vmul.f32 v4, v4;
	v15 =	vld [tilespmem:s22+$0x4000];
	v16 =	vadd.f32 v19, v18  }
0x174: {  	s23 =	smov.u32 s19;
	s13 =	smul.u32 $0xAAAB, s13;
	v18 =	vmul.f32 v7, v7;
	v19 =	vld [tilespmem:s22+$0x10000];
	vm0 =	vgt.f32 v14, v13;
	v13 =	vmax.f32 v13, v14  }
0x175: {  	p0 =	slt.u32 s24, $0x17C;
	s7 =	smul.u32 $0xAAAB, s7;
	v14 =	vld [tilespmem:s23+$0x0];
	v20 =	vmul.f32 v8, v8;
	v6 =	vsel vm0, v9, v6;
	vm1 =	vgt.f32 v16, v13  }
0x176: {  	s12 =	smul.u32 $0xAAAB, s12;
	v3 =	vadd.f32 v3, v11;
	s13 =	sshrl.u32 s13, $0x13;
	v13 =	vld [tilespmem:s23+$0xC000];
	v9 =	vmul.f32 v17, v17;
	v6 =	vsel vm1, v10, v6  }
0x177: {  	v1 =	vsel vm0, v2, v1;
	s7 =	sshrl.u32 s7, $0x13;
	s13 =	smul.u32 $0xC, s13;
	v10 =	vld [tilespmem:s23+$0x4000];
	v11 =	vadd.f32 v20, v18;
	v16 =	vmul.f32 v12, v12;
	[tilespmem:s21+$0x1C000] =	vst v6  }
0x178: {  	s12 =	sshrl.u32 s12, $0x13;
	v0 =	vsel vm1, v0, v1;
	s7 =	smul.u32 $0xC, s7;
	v18 =	vld [tilespmem:s23+$0x10000];
	v2 =	vmul.f32 v15, v15  }
0x179: {  	s16 =	sshrl.u32 s15, $0x13;
	s19 =	sshrl.u32 s15, $0xB;
	s3 =	ssub.s32 s3, s13;
	v20 =	vld [tilespmem:s20+$0x8000];
	vm0 =	vgt.f32 v11, v3;
	v1 =	vadd.f32 v16, v9;
	v6 =	vmul.f32 v19, v19;
	[tilespmem:s21+$0x18000] =	vst v0  }
0x17a: {  	s12 =	smul.u32 $0xC, s12;
	s13 =	sshll.u32 s3, $0x4;
	s3 =	sshll.u32 s3, $0x7;
	v0 =	vmul.f32 v14, v14;
	v16 =	vld [tilespmem:s20+$0x14000];
	v5 =	vsel vm0, v7, v5;
	v7 =	vmax.f32 v3, v11  }
0x17b: {  	s15 =	sshrl.u32 s15, $0xC;
	s16 =	smul.u32 $0xC, s16;
	v4 =	vsel vm0, v8, v4;
	s3 =	sor.u32 s3, s13;
	v3 =	vmul.f32 v13, v13;
	v8 =	vld [tilespmem:s22+$0x8000];
	v2 =	vadd.f32 v6, v2  }
0x17c: {  	s15 =	sand.u32 $0x380, s15;
	s13 =	sand.u32 $0x3800, s19;
	s3 =	sand.u32 $0x470, s3;
	v6 =	vmul.f32 v10, v10;
	v21 =	vld [tilespmem:s22+$0x14000]  }
0x17d: {  	s7 =	ssub.s32 s18, s7;
	s12 =	ssub.s32 s25, s12;
	s3 =	sor.u32 s13, s3;
	v22 =	vld [tilespmem:s23+$0x8000];
	v9 =	vadd.f32 v3, v0;
	v11 =	vmul.f32 v18, v18;
	vm0 =	vgt.f32 v2, v1  }
0x17e: {  	s19 =	sshll.u32 s12, $0x4;
	s12 =	sshll.u32 s12, $0x7;
	s21 =	sor.u32 s15, s3;
	v3 =	vld [tilespmem:s23+$0x14000];
	v23 =	vmul.f32 v20, v20;
	v15 =	vsel vm0, v15, v17;
	v17 =	vmax.f32 v1, v2  }
0x17f: {  	s3 =	ssub.s32 s24, s16;
	s16 =	sshll.u32 s7, $0x4;
	s7 =	sshll.u32 s7, $0x7;
	v12 =	vsel vm0, v19, v12;
	v0 =	vld [tilespmem:s21+$0x8000];
	v11 =	vadd.f32 v11, v6;
	v2 =	vmul.f32 v16, v16  }
0x180: {  	s12 =	sor.u32 s12, s19;
	s18 =	sshll.u32 s3, $0x4;
	v1 =	vld [tilespmem:s21+$0x0];
	v19 =	vmul.f32 v8, v8  }
0x181: {  	s12 =	sand.u32 $0x460, s12;
	s3 =	sshll.u32 s3, $0x7;
	s7 =	sor.u32 s7, s16;
	v6 =	vld [tilespmem:s21+$0xC000];
	vm0 =	vgt.f32 v11, v9;
	v23 =	vadd.f32 v2, v23;
	v24 =	vmul.f32 v21, v21  }
0x182: {  	s12 =	sor.u32 s13, s12;
	s3 =	sor.u32 s3, s18;
	s7 =	sand.u32 $0x450, s7;
	v27 =	vmax.f32 v9, v11;
	v2 =	vld [tilespmem:s21+$0x4000];
	v25 =	vmul.f32 v22, v22;
	v26 =	vsel vm0, v10, v14  }
0x183: {  	s12 =	sor.u32 s15, s12;
	s3 =	sand.u32 $0x440, s3;
	s7 =	sor.u32 s13, s7;
	v9 =	vld [tilespmem:s21+$0x10000];
	v14 =	vmul.f32 v3, v3;
	vm1 =	vgt.f32 v23, v7;
	v7 =	vadd.f32 v24, v19  }
.Ltmp3:
0x184: {  	s3 =	sor.u32 s13, s3;
	s7 =	sor.u32 s15, s7;
	v11 =	vsel vm0, v18, v13;
	v10 =	vld [tilespmem:s21+$0x14000];
	v13 =	vsel vm1, v20, v5;
	v16 =	vsel vm1, v16, v4;
	(pc) =	sbr.rel @p0 .LBB2_8-.Ltmp3, $4  }
0x185: {  	s19 =	sor.u32 s15, s3;
	v5 =	vld [tilespmem:s7+$0x0];
	v18 =	vadd.f32 v14, v25;
	[tilespmem:s20+$0x18000] =	vst v13;
	vm0 =	vgt.f32 v7, v17  }
0x186: {  	v4 =	vld [tilespmem:s7+$0xC000];
	[tilespmem:s20+$0x1C000] =	vst v16;
	v8 =	vsel vm0, v8, v15;
	v17 =	vsel vm0, v21, v12;
	s20 =	smov.u32 s7  }
0x187: {  	v13 =	vmul.f32 v1, v1;
	v14 =	vmul.f32 v6, v6;
	v7 =	vld [tilespmem:s20+$0x4000];
	vm0 =	vgt.f32 v18, v27;
	[tilespmem:s22+$0x18000] =	vst v8  }
0x188: {  	v15 =	vmul.f32 v2, v2;
	v8 =	vld [tilespmem:s20+$0x10000];
	v16 =	vmul.f32 v9, v9;
	v12 =	vsel vm0, v22, v26;
	[tilespmem:s22+$0x1C000] =	vst v17;
	s22 =	smov.u32 s12  }
0x189: {  	v17 =	vld [tilespmem:s22+$0x0]  }
0x18a: {  	v18 =	vld [tilespmem:s22+$0xC000]  }
0x18b: {  	v19 =	vld [tilespmem:s22+$0x4000]  }
0x18c: {  	v21 =	vld [tilespmem:s22+$0x10000]  }
0x18d: {  	v62 =	vld [tilespmem:s19+$0x0]  }
0x18e: {  	v23 =	vld [tilespmem:s19+$0xC000]  }
0x18f: {  	v20 =	vmul.f32 v0, v0;
	v24 =	vld [tilespmem:s20+$0x8000]  }
0x190: {  	v22 =	vmul.f32 v10, v10;
	v13 =	vadd.f32 v14, v13;
	v32 =	vld [tilespmem:s20+$0x14000];
	v61 =	vadd.f32 v16, v15  }
0x191: {  	v3 =	vsel vm0, v3, v11;
	v34 =	vld [tilespmem:s19+$0x4000];
	v28 =	vmul.f32 v5, v5;
	v29 =	vmul.f32 v4, v4  }
0x192: {  	v25 =	vld [tilespmem:s22+$0x8000];
	v20 =	vadd.f32 v22, v20;
	v30 =	vmul.f32 v7, v7;
	vm9 =	vgt.f32 v61, v13  }
0x193: {  	v42 =	vld [tilespmem:s22+$0x14000];
	v13 =	vmax.f32 v13, v61;
	v31 =	vmul.f32 v8, v8;
	v6 =	vsel vm9, v9, v6  }
0x194: {  	v37 =	vld [tilespmem:s19+$0x10000];
	vm1 =	vgt.f32 v20, v13;
	v33 =	vmul.f32 v17, v17;
	v36 =	vmul.f32 v18, v18  }
0x195: {  	v43 =	vld [tilespmem:s19+$0x8000];
	v11 =	vadd.f32 v29, v28;
	v38 =	vmul.f32 v19, v19;
	v39 =	vmul.f32 v21, v21  }
0x196: {  	v1 =	vsel vm9, v2, v1;
	v44 =	vmul.f32 v24, v24;
	v26 =	vmul.f32 v32, v32  }
0x197: {  	v6 =	vsel vm1, v10, v6;
	v27 =	vmul.f32 v62, v62;
	v46 =	vmul.f32 v23, v23  }
0x198: {  	v40 =	vsel vm1, v0, v1;
	v50 =	vmul.f32 v25, v25;
	v51 =	vmul.f32 v42, v42  }
0x199: {  	v28 =	vld [tilespmem:s19+$0x14000];
	v52 =	vmul.f32 v34, v34;
	v53 =	vmul.f32 v37, v37;
	v35 =	vadd.f32 v31, v30  }
0x19a: {  	v54 =	vmul.f32 v43, v43;
	v41 =	vadd.f32 v36, v33;
	v2 =	vadd.f32 v39, v38  }
0x19b: {  	v47 =	vadd.f32 v26, v44;
	v56 =	vadd.f32 v53, v52;
	vm10 =	vgt.f32 v35, v11  }
0x19c: {  	[tilespmem:s23+$0x18000] =	vst v12;
	v10 =	vmax.f32 v11, v35;
	v45 =	vsel vm10, v7, v5;
	vm11 =	vgt.f32 v2, v41  }
0x19d: {  	[tilespmem:s23+$0x1C000] =	vst v3;
	v48 =	vsel vm10, v8, v4;
	v7 =	vadd.f32 v46, v27;
	vm12 =	vgt.f32 v47, v10  }
0x19e: {  	[tilespmem:s21+$0x1C000] =	vst v6;
	v1 =	vmax.f32 v41, v2;
	v10 =	vadd.f32 v51, v50;
	v55 =	vmul.f32 v28, v28  }
0x19f: {  	[tilespmem:s21+$0x18000] =	vst v40;
	v49 =	vsel vm11, v19, v17;
	v57 =	vsel vm11, v21, v18;
	v58 =	vsel vm12, v24, v45  }
0x1a0: {  	v4 =	vsel vm12, v32, v48;
	v59 =	vadd.f32 v55, v54;
	[tilespmem:s20+$0x18000] =	vst v58;
	vm13 =	vgt.f32 v10, v1  }
0x1a1: {  	vm14 =	vgt.f32 v56, v7;
	v0 =	vmax.f32 v7, v56;
	[tilespmem:s20+$0x1C000] =	vst v4;
	v1 =	vsel vm13, v25, v49  }
0x1a2: {  	v60 =	vsel vm14, v34, v62;
	v2 =	vsel vm13, v42, v57;
	vm15 =	vgt.f32 v59, v0;
	[tilespmem:s22+$0x18000] =	vst v1  }
0x1a3: {  	v61 =	vsel vm14, v37, v23;
	[tilespmem:s22+$0x1C000] =	vst v2;
	v62 =	vsel vm15, v43, v60  }
0x1a4: {  	v0 =	vsel vm15, v28, v61;
	[tilespmem:s19+$0x18000] =	vst v62  }
0x1a5: {  	[tilespmem:s19+$0x1C000] =	vst v0  }
0x1a6: {  	s7 =	simm.s32 $0x18000;
	s3 =	rddreg [dreg:$0x13]  }
0x1a7: {  	[hbm4b:s3+s10] =	stream.linear.scatter [tilespmem:s7], [sflag:$0x3], $0x2000, $0x38;
	v63 =	vld [tilespmem:$0x0]  }
0x1a8: {  	s25 =	simm.s32 $0x1C000;
	s24 =	rddreg [dreg:$0x14]  }
0x1a9: {  	[hbm4b:s24+s10] =	stream.linear.scatter [tilespmem:s25], [sflag:$0x3], $0x2000, $0x38;
	v63 =	vld [tilespmem:$0x0]  }
0x1aa: {  	_ =	swait.ge [sflag:s31], $0x2000  }
0x1ab: {  	[sflag:s31] =	ssyncset.done $0x0  }
0x1ac: {  	[sflag:s31] =	ssyncadd.s32 $0xFFFFE000  }
0x1ad: {  	_ =	swait.ge [sflag:s31], $0x2000  }
0x1ae: {  	[sflag:s31] =	ssyncset.done $0x0  }
0x1af: {  	s26 =	simm.s32 $0x4;
	[sflag:s31] =	ssyncadd.s32 $0xFFFFE000  }
0x1b0: {  	_ =	swait.ge [sflag:s26], $0x2000  }
0x1b1: {  	[sflag:s26] =	ssyncset.done $0x0  }
0x1b2: {  	[sflag:s26] =	ssyncadd.s32 $0xFFFFE000  }
0x1b3: {  	_ =	swait.ge [sflag:s26], $0x2000  }
0x1b4: {  	s12 =	rddreg [dreg:$0x18]  }
0x1b5: {  	s31 =	rddreg [dreg:$0x15];
	s12 =	sadd.s32 $0x1, s12  }
0x1b6: {  	p0 =	sne.s32 s12, s31  }
.Ltmp4:
0x1b7: {  	_ = 	snop;
	(pc) =	sbr.rel @p0 .LBB2_1-.Ltmp4, $3  }
0x1b8: {  	_ =	sdelay $0x1  }
0x1b9: {  	[sflag:s26] =	ssyncset.done $0x0  }
0x1ba: {  	[sflag:s26] =	ssyncadd.s32 $0xFFFFE000  }
0x1bb: {  	_ =	sfence.sel $0x180000  }
0x1bc: {  	[bflag:$0x0] =	sbarrier.arrive $0xFFFF  }
0x1bd: {  	_ =	strace $0x90000047  }
0x1be: {  	s0 =	stileid.u32;
	[bflag:$0x2] =	sbarrier.arrive $0xFFFF  }
0x1bf: {  	p0 =	sne.s32 s0, $0x0;
	s0 =	rddreg [dreg:$0x8]  }
0x1c0: {  	s0 =	sadd.s32 @!p0 $0x100000, s0  }
0x1c1: {  	[sflag:s0] =	ssyncadd.tile.s32 @!p0 $0x1;
	_ =	shalt  }
.Lfunc_end2:
_tile_overlayer_lowered:
.L_overlay_start_2:
0x1c2: {  	(tag) =	ssettag $0x2  }
0x1c3: {  	s0 =	rddreg [dreg:$0x0];
	s2 =	stileid.u32  }
0x1c4: {  	s1 =	rddreg [dreg:$0x1];
	p0 =	sne.s32 s2, $0x0  }
0x1c5: {  	s3 =	rddreg [dreg:$0x2];
	[bflag:$0x3] =	sbarrier.arrive $0xFFFF;
	s2 =	simm.s32 @!p0 $0x1C05  }
0x1c6: {  	[timem:s3], [sflag:s2] =	dma.local @!p0 [hbm:s0], s1  }
0x1c7: {  	s0 =	simm.s32 @!p0 $0x5  }
0x1c8: {  	_ =	swait.ge @!p0 [sflag:s0], s1  }
0x1c9: {  	s1 =	ssub.s32 @!p0 $0x0, s1;
	[sflag:s0] =	ssyncset.done @!p0 $0x0  }
0x1ca: {  	[sflag:s0] =	ssyncadd.s32 @!p0 s1  }
0x1cb: {  	[bflag:$0x3] =	sbarrier.arrive $0xFFFF  }
0x1cc: {  	_ =	shalt  }

</sc_bundles>
